<compile_context>
chip_gen: v7x
topology: tpu7x:2x2x1
jax: 0.10.2.dev20260603
libtpu: 0.0.44.dev20260713+nightly
codegen_flags: <defaults>
</compile_context>

<pallas_src>
import functools
import math

import jax
import jax.numpy as jnp
from jax import lax
from jax.experimental import pallas as pl
from jax.experimental.pallas import tpu as pltpu
from jax.experimental.pallas import tpu_sc as plsc

B = 2
P = 2048
D = 768
E = 8
TOPK = 2

NTOK = B * P
NPAIR = NTOK * TOPK
T = 512
NT = NTOK // T
PB = P // T

TB = 512
NBLK = NPAIR // TB + E
NBLK_PAD = (NBLK // 16 + 1) * 16
NROWS = NBLK * TB

NW = 32
SLICE = NPAIR // NW
NCH = SLICE // 32
DBLK = 512
NDB = NPAIR // DBLK


def _prep_body(xb, gw, gb, meta_ref, dout, eids_v, nk_v, sk_v, lf_v):
    i = pl.program_id(0)
    iota16 = lax.broadcasted_iota(jnp.int32, (1, 16), 1)

    @pl.when(i == 0)
    def _():
        nk_v[...] = jnp.zeros((1, 16), jnp.int32)

    @pl.when(i < NT)
    def _():
        t = i
        l = (jnp.dot(xb[...], gw[...], preferred_element_type=jnp.float32)
             + gb[...])
        idx8 = lax.broadcasted_iota(jnp.int32, (T, E), 1)
        m1 = jnp.max(l, axis=1, keepdims=True)
        i1 = jnp.min(jnp.where(l == m1, idx8, E), axis=1, keepdims=True)
        l2 = jnp.where(idx8 == i1, -jnp.inf, l)
        m2 = jnp.max(l2, axis=1, keepdims=True)
        i2 = jnp.min(jnp.where(l2 == m2, idx8, E), axis=1, keepdims=True)
        b = (t >= PB).astype(jnp.int32)
        k1 = i1 * 2 + b
        k2 = i2 * 2 + b
        eids_v[t, 0, :] = k1[:, 0]
        eids_v[t, 1, :] = k2[:, 0]
        oh = (k1 == iota16).astype(jnp.int32) + (k2 == iota16).astype(jnp.int32)
        nk_v[...] += jnp.sum(oh, axis=0, keepdims=True)

    @pl.when(i == NT)
    def _():
        nk = nk_v[...]
        iot80 = lax.broadcasted_iota(jnp.int32, (1, NBLK_PAD), 1)
        cs_list = []
        off_list = []
        nb_run = 0
        for e in range(E):
            ne = nk[0, 2 * e] + nk[0, 2 * e + 1]
            nbe = jnp.maximum((ne + (TB - 1)) >> TB.bit_length() - 1, 1)
            off_list.append(nb_run)
            nb_run = nb_run + nbe
            cs_list.append(nb_run)
        acc = jnp.zeros((1, NBLK_PAD), jnp.int32)
        for e in range(E):
            acc = acc + (iot80 >= cs_list[e]).astype(jnp.int32)
        ev = jnp.minimum(acc, E - 1)
        offv = jnp.zeros((1, NBLK_PAD), jnp.int32)
        n0v = jnp.zeros((1, NBLK_PAD), jnp.int32)
        n1v = jnp.zeros((1, NBLK_PAD), jnp.int32)
        sk = jnp.zeros((1, 16), jnp.int32)
        for e in range(E):
            sel = ev == e
            offr_e = off_list[e] * TB
            offv = jnp.where(sel, offr_e, offv)
            n0v = jnp.where(sel, nk[0, 2 * e], n0v)
            n1v = jnp.where(sel, nk[0, 2 * e + 1], n1v)
            sk = jnp.where(iota16 == 2 * e, offr_e, sk)
            sk = jnp.where(iota16 == 2 * e + 1, offr_e + nk[0, 2 * e], sk)
        r0v = iot80 * TB - offv
        c0 = jnp.clip(n0v - r0v, 0, TB)
        c01 = jnp.clip(n0v + n1v - r0v, 0, TB)
        meta_ref[0, :] = ev[0]
        meta_ref[1, :] = c0[0]
        meta_ref[2, :] = c01[0]
        sk_v[...] = sk
        nk_v[...] = jnp.zeros((1, 16), jnp.int32)
        ri = lax.broadcasted_iota(jnp.int32, (DBLK, DBLK), 0)
        ci = lax.broadcasted_iota(jnp.int32, (DBLK, DBLK), 1)
        lf_v[...] = (ri > ci).astype(jnp.float32)

    @pl.when(i > NT)
    def _():
        j = i - NT - 1
        kv = eids_v[j >> 1, j & 1, :].reshape(DBLK, 1)
        ohb = kv == iota16
        ohf = ohb.astype(jnp.float32)
        pref = jnp.dot(lf_v[...], ohf, preferred_element_type=jnp.float32)
        base = (nk_v[...] + sk_v[...]).astype(jnp.float32)
        dvals = jnp.sum(ohf * (base + pref), axis=1).astype(jnp.int32)
        dout[0, 0, :] = dvals
        nk_v[...] += jnp.sum(ohb.astype(jnp.int32), axis=0, keepdims=True)


def _sc_dispatch(dall_hbm, x2_hbm, xg_hbm,
                 dslice_v, didx_v, tok_v, rows_v, gsem, ssem0, ssem1):
    cid = lax.axis_index("c")
    sid = lax.axis_index("s")
    wid = sid * 2 + cid
    base_p = pl.multiple_of(wid * SLICE, SLICE)
    iot = lax.iota(jnp.int32, 16)

    pltpu.sync_copy(dall_hbm.at[pl.ds(base_p, SLICE)], dslice_v)

    for c in range(NCH):
        for h in range(2):
            didx_v[c, pl.ds(h * 16, 16)] = dslice_v[pl.ds(c * 32 + h * 16, 16)]
            pv = base_p + c * 32 + h * 16 + iot
            tokv = ((pv >> 10) << 9) | (pv & 511)
            tok_v[c, pl.ds(h * 16, 16)] = tokv

    handles = [None, None]
    ssems = [ssem0, ssem1]
    for c in range(NCH):
        buf = c & 1
        if c >= 2:
            handles[buf].wait()
        pltpu.async_copy(x2_hbm.at[tok_v.at[c]], rows_v.at[buf], gsem).wait()
        handles[buf] = pltpu.async_copy(rows_v.at[buf],
                                        xg_hbm.at[didx_v.at[c]], ssems[buf])
    handles[0].wait()
    handles[1].wait()


def _ffn_body(meta_ref, xg, w1, b1, w2, b2, eg, eb, ng, nb, out_ref):
    blk = pl.program_id(0)
    e = meta_ref[0, blk]
    c0 = meta_ref[1, blk]
    c01 = meta_ref[2, blk]

    prev = meta_ref[0, jnp.maximum(blk - 1, 0)]
    first = jnp.logical_or(blk == 0, prev != e)

    @pl.when(first)
    def _():
        out_ref[...] = jnp.zeros((1, B, D), jnp.float32)

    @pl.when(c01 > 0)
    def _():
        x = xg[...]
        h = jnp.dot(x, w1[0], preferred_element_type=jnp.float32) + b1[0]
        h = 0.5 * h * (1.0 + lax.erf(h * (1.0 / math.sqrt(2.0))))
        y = jnp.dot(h, w2[0], preferred_element_type=jnp.float32) + b2[0]
        r = y + x
        mu = jnp.mean(r, axis=1, keepdims=True)
        var = jnp.mean((r - mu) ** 2, axis=1, keepdims=True)
        o = (r - mu) * lax.rsqrt(var + 1e-5) * eg[0] + eb[0]

        rows = lax.broadcasted_iota(jnp.int32, (TB, 1), 0)
        s0 = jnp.sum(jnp.where(rows < c0, o, 0.0), axis=0, keepdims=True)
        s1 = jnp.sum(jnp.where((rows >= c0) & (rows < c01), o, 0.0),
                     axis=0, keepdims=True)
        out_ref[0, 0, :] += s0[0]
        out_ref[0, 1, :] += s1[0]

    nxt = meta_ref[0, blk + 1]
    last = jnp.logical_or(blk == NBLK - 1, nxt != e)

    @pl.when(last)
    def _():
        acc = out_ref[0]
        mu2 = jnp.mean(acc, axis=1, keepdims=True)
        var2 = jnp.mean((acc - mu2) ** 2, axis=1, keepdims=True)
        out_ref[0] = (acc - mu2) * lax.rsqrt(var2 + 1e-5) * ng[...] + nb[...]


@functools.cache
def _get_sc_kernel():
    mesh = plsc.VectorSubcoreMesh(core_axis_name="c", subcore_axis_name="s")

    @functools.partial(
        pl.kernel,
        mesh=mesh,
        out_type=jax.ShapeDtypeStruct((NROWS, D), jnp.float32),
        scratch_types=[
            pltpu.VMEM((SLICE,), jnp.int32),
            pltpu.VMEM((NCH, 32), jnp.int32),
            pltpu.VMEM((NCH, 32), jnp.int32),
            pltpu.VMEM((2, 32, D), jnp.float32),
            pltpu.SemaphoreType.DMA,
            pltpu.SemaphoreType.DMA,
            pltpu.SemaphoreType.DMA,
        ],
    )
    def _sc_kernel(dall_hbm, x2_hbm, xg_hbm, *scratch):
        _sc_dispatch(dall_hbm, x2_hbm, xg_hbm, *scratch)

    return _sc_kernel


@jax.jit
def _run(x, gate_w, gate_b, fc1_w, fc1_b, fc2_w, fc2_b, eln_g, eln_b,
         norm_g, norm_b):
    x2 = x.reshape(NTOK, D)
    gb = gate_b.reshape(1, E)
    b1 = fc1_b.reshape(E, 1, D)
    b2 = fc2_b.reshape(E, 1, D)
    eg = eln_g.reshape(E, 1, D)
    eb = eln_b.reshape(E, 1, D)
    ng = norm_g.reshape(1, D)
    nb = norm_b.reshape(1, D)

    meta, dall = pl.pallas_call(
        _prep_body,
        grid=(NT + 1 + NDB,),
        in_specs=[
            pl.BlockSpec((T, D), lambda i: (jnp.minimum(i, NT - 1), 0)),
            pl.BlockSpec((D, E), lambda i: (0, 0)),
            pl.BlockSpec((1, E), lambda i: (0, 0)),
        ],
        out_specs=[
            pl.BlockSpec((3, NBLK_PAD), lambda i: (0, 0)),
            pl.BlockSpec((1, 1, DBLK),
                         lambda i: (jnp.clip(i - NT - 1, 0, NDB - 1), 0, 0)),
        ],
        out_shape=[
            jax.ShapeDtypeStruct((3, NBLK_PAD), jnp.int32),
            jax.ShapeDtypeStruct((NDB, 1, DBLK), jnp.int32),
        ],
        scratch_shapes=[
            pltpu.VMEM((NT, 2, T), jnp.int32),
            pltpu.VMEM((1, 16), jnp.int32),
            pltpu.VMEM((1, 16), jnp.int32),
            pltpu.VMEM((DBLK, DBLK), jnp.float32),
        ],
    )(x2, gate_w, gb)

    xg = _get_sc_kernel()(dall.reshape(NPAIR), x2)

    out = pl.pallas_call(
        _ffn_body,
        grid_spec=pltpu.PrefetchScalarGridSpec(
            num_scalar_prefetch=1,
            grid=(NBLK,),
            in_specs=[
                pl.BlockSpec((TB, D), lambda blk, m: (blk, 0)),
                pl.BlockSpec((1, D, D), lambda blk, m: (m[0, blk], 0, 0)),
                pl.BlockSpec((1, 1, D), lambda blk, m: (m[0, blk], 0, 0)),
                pl.BlockSpec((1, D, D), lambda blk, m: (m[0, blk], 0, 0)),
                pl.BlockSpec((1, 1, D), lambda blk, m: (m[0, blk], 0, 0)),
                pl.BlockSpec((1, 1, D), lambda blk, m: (m[0, blk], 0, 0)),
                pl.BlockSpec((1, 1, D), lambda blk, m: (m[0, blk], 0, 0)),
                pl.BlockSpec((1, D), lambda blk, m: (0, 0)),
                pl.BlockSpec((1, D), lambda blk, m: (0, 0)),
            ],
            out_specs=pl.BlockSpec((1, B, D), lambda blk, m: (m[0, blk], 0, 0)),
        ),
        out_shape=jax.ShapeDtypeStruct((E, B, D), jnp.float32),
    )(meta, xg, fc1_w, b1, fc2_w, b2, eg, eb, ng, nb)

    return out.transpose(1, 0, 2), jnp.float32(0.0)


def kernel(x, gate_w, gate_b, fc1_w, fc1_b, fc2_w, fc2_b, eln_g, eln_b,
           norm_g, norm_b):
    return _run(x, gate_w, gate_b, fc1_w, fc1_b, fc2_w, fc2_b,
                eln_g, eln_b, norm_g, norm_b)

# --- scband reference (transcript-rebuilt; emitter-appended) ---
"""Pipeline reference for scband-allocator-74534862455188 (READ-ONLY COPY).

The authoritative reference and input builder live on the scoring server;
editing this copy changes nothing except your own understanding.
"""

import jax, jax.numpy as jnp
import numpy as np

B = 2
P = 2048
D = 768
E = 8
TOPK = 2

def _layernorm(x, g, b, eps=1e-5):
    m = jnp.mean(x, axis=-1, keepdims=True)
    v = jnp.mean((x - m) ** 2, axis=-1, keepdims=True)
    return (x - m) / jnp.sqrt(v + eps) * g + b

def _forward(x, gate_w, gate_b, fc1_w, fc1_b, fc2_w, fc2_b, eln_g, eln_b, norm_g, norm_b):
    batch, patches, dim = x.shape
    logit = x @ gate_w + gate_b
    probs = jax.nn.softmax(logit, axis=-1)
    topk_probs, topk_idx = jax.lax.top_k(probs, TOPK)
    flat_idx = topk_idx.reshape(-1, TOPK)
    x_flat = x.reshape(-1, dim)
    batch_idx = jnp.repeat(jnp.arange(batch), patches)
    nkey = jax.random.key(42)
    results = []
    for e in range(E):
        counts = jnp.sum((flat_idx == e).astype(x.dtype), axis=-1)
        noise = jax.random.normal(jax.random.fold_in(nkey, e), x_flat.shape, dtype=x.dtype) * 1e-05
        inp = x_flat + noise
        h = jax.nn.gelu(inp @ fc1_w[e] + fc1_b[e], approximate=False)
        h = h @ fc2_w[e] + fc2_b[e]
        out = _layernorm(h + inp, eln_g[e], eln_b[e])
        sums = jax.ops.segment_sum(out * counts[:, None], batch_idx, num_segments=batch)
        results.append(sums)
    xo = jnp.stack(results, axis=0).transpose(1, 0, 2)
    xo = _layernorm(xo, norm_g, norm_b)
    return xo

def setup_inputs(seed: int = 0):
    key = jax.random.key(seed)
    ks = jax.random.split(key, 6)
    x = jax.random.normal(ks[0], (B, P, D), dtype=jnp.float32)
    gate_w = jax.random.normal(ks[1], (D, E), dtype=jnp.float32) * 0.02
    gate_b = jnp.zeros((E,), dtype=jnp.float32)
    fc1_w = jax.random.normal(ks[2], (E, D, D), dtype=jnp.float32) * 0.02
    fc1_b = jnp.zeros((E, D), dtype=jnp.float32)
    fc2_w = jax.random.normal(ks[3], (E, D, D), dtype=jnp.float32) * 0.02
    fc2_b = jnp.zeros((E, D), dtype=jnp.float32)
    eln_g = jnp.ones((E, D), dtype=jnp.float32)
    eln_b = jnp.zeros((E, D), dtype=jnp.float32)
    norm_g = jnp.ones((D,), dtype=jnp.float32)
    norm_b = jnp.zeros((D,), dtype=jnp.float32)
    return {"x": x, "gate_w": gate_w, "gate_b": gate_b, "fc1_w": fc1_w, "fc1_b": fc1_b, "fc2_w": fc2_w, "fc2_b": fc2_b, "eln_g": eln_g, "eln_b": eln_b, "norm_g": norm_g, "norm_b": norm_b}

def reference(x, gate_w, gate_b, fc1_w, fc1_b, fc2_w, fc2_b, eln_g, eln_b, norm_g, norm_b):
    out = _forward(x, gate_w, gate_b, fc1_w, fc1_b, fc2_w, fc2_b, eln_g, eln_b, norm_g, norm_b)
    return (out, jnp.float32(0.0))

if __name__ == "__main__":
    import jax
    _d = setup_inputs()
    print(jax.jit(kernel)(*tuple(_d.values())))

</pallas_src>

<mosaic_0001>
#map = affine_map<(d0, d1) -> (0)>
#map1 = affine_map<(d0, d1) -> (0, 0)>
module attributes {stable_mosaic.version = 14 : i64} {
  func.func @_sc_kernel(%arg0: i32, %arg1: i32, %arg2: memref<8192xi32, #tpu.memory_space<hbm>>, %arg3: memref<4096x768xf32, #tpu.memory_space<hbm>>, %arg4: memref<12288x768xf32, #tpu.memory_space<hbm>>, %arg5: memref<256xi32, #tpu.memory_space<vmem>>, %arg6: memref<8x32xi32, #tpu.memory_space<vmem>>, %arg7: memref<8x32xi32, #tpu.memory_space<vmem>>, %arg8: memref<2x32x768xf32, #tpu.memory_space<vmem>>, %arg9: memref<!tpu.dma_semaphore, #tpu.memory_space<semaphore_mem>>, %arg10: memref<!tpu.dma_semaphore, #tpu.memory_space<semaphore_mem>>, %arg11: memref<!tpu.dma_semaphore, #tpu.memory_space<semaphore_mem>>) attributes {dimension_semantics = [#tpu.dimension_semantics<core_parallel>, #tpu.dimension_semantics<subcore_parallel>], iteration_bounds = array<i64: 2, 16>, scalar_prefetch = 0 : i64, scratch_operands = 7 : i64, tpu.core_type = #tpu.core_type<sc_vector_subcore>, window_params = [{transform_indices = #map}, {transform_indices = #map1}, {transform_indices = #map1}]} {
    %mul3A = arith.constant 2 : i32
    %mul3A_0 = arith.muli %arg1, %mul3A : i32
    %add3A = arith.addi %mul3A_0, %arg0 : i32
    %mul3A_1 = arith.constant 256 : i32
    %mul3A_2 = arith.muli %add3A, %mul3A_1 : i32
    %multiple_of3A = tpu.assume_multiple %mul3A_2, 256 : i32
    %iota3A = tpu.iota {dimensions = array<i32: 0>} : vector<16xi32>
    "tpu.region"() ({
      %run_scoped3A = tpu.sem_alloc : memref<!tpu.dma_semaphore, #tpu.memory_space<semaphore_mem>>
      %dma_start3A_875 = tpu.memref_slice %arg2[%multiple_of3A] : memref<8192xi32, #tpu.memory_space<hbm>> -> memref<256xi32, #tpu.memory_space<hbm>>
      %dma_start3A_876 = tpu.memref_slice %arg2[%multiple_of3A] : memref<8192xi32, #tpu.memory_space<hbm>> -> memref<256xi32, #tpu.memory_space<hbm>>
      tpu.enqueue_dma source(%dma_start3A_876 : memref<256xi32, #tpu.memory_space<hbm>>) target(%arg5 : memref<256xi32, #tpu.memory_space<vmem>>) target_semaphore(%run_scoped3A : memref<!tpu.dma_semaphore, #tpu.memory_space<semaphore_mem>>)
      %dma_wait3A_877 = tpu.memref_slice %arg2[%multiple_of3A] : memref<8192xi32, #tpu.memory_space<hbm>> -> memref<256xi32, #tpu.memory_space<hbm>>
      %dma_wait3A_878 = tpu.memref_slice %arg2[%multiple_of3A] : memref<8192xi32, #tpu.memory_space<hbm>> -> memref<256xi32, #tpu.memory_space<hbm>>
      tpu.wait_dma2 semaphore(%run_scoped3A : memref<!tpu.dma_semaphore, #tpu.memory_space<semaphore_mem>>) src(%dma_wait3A_878 : memref<256xi32, #tpu.memory_space<hbm>>) dst(%arg5 : memref<256xi32, #tpu.memory_space<vmem>>)
      tpu.yield
    }) : () -> ()
    %get3A = arith.constant 0 : index
    %get3A_3 = tpu.vector_load %arg5[%get3A] {strides = array<i32>} : memref<256xi32, #tpu.memory_space<vmem>>, vector<16xi32>,
    %get3A_4 = vector.shape_cast %get3A_3 : vector<16xi32> to vector<16xi32>
    %swap3A = arith.constant 0 : i32
    %swap3A_5 = arith.index_cast %swap3A : i32 to index
    %swap3A_6 = arith.constant 0 : index
    %swap3A_7 = tpu.vector_load %arg6[%swap3A_5, %swap3A_6] {strides = array<i32>} : memref<8x32xi32, #tpu.memory_space<vmem>>, vector<1x16xi32>,
    %swap3A_8 = vector.shape_cast %swap3A_7 : vector<1x16xi32> to vector<16xi32>
    %swap3A_9 = vector.shape_cast %get3A_4 : vector<16xi32> to vector<1x16xi32>
    tpu.vector_store %arg6[%swap3A_5, %swap3A_6], %swap3A_9 {strides = array<i32>} : memref<8x32xi32, #tpu.memory_space<vmem>>, vector<1x16xi32>,
    %add3A_10 = arith.constant 0 : i32
    %add3A_11 = arith.addi %multiple_of3A, %add3A_10 : i32
    %add3A_12 = arith.constant 0 : i32
    %add3A_13 = arith.addi %add3A_11, %add3A_12 : i32
    %add3A_14 = vector.broadcast %add3A_13 : i32 to vector<16xi32>
    %add3A_15 = arith.addi %add3A_14, %iota3A : vector<16xi32>
    %shift_right_arithmetic3A = arith.constant 10 : i32
    %shift_right_arithmetic3A_16 = vector.broadcast %shift_right_arithmetic3A : i32 to vector<16xi32>
    %shift_right_arithmetic3A_17 = arith.shrsi %add3A_15, %shift_right_arithmetic3A_16 : vector<16xi32>
    %shift_left3A = arith.constant 9 : i32
    %shift_left3A_18 = vector.broadcast %shift_left3A : i32 to vector<16xi32>
    %shift_left3A_19 = arith.shli %shift_right_arithmetic3A_17, %shift_left3A_18 : vector<16xi32>
    %and3A = arith.constant 511 : i32
    %and3A_20 = vector.broadcast %and3A : i32 to vector<16xi32>
    %and3A_21 = arith.andi %add3A_15, %and3A_20 : vector<16xi32>
    %or3A = arith.ori %shift_left3A_19, %and3A_21 : vector<16xi32>
    %swap3A_22 = arith.constant 0 : i32
    %swap3A_23 = arith.index_cast %swap3A_22 : i32 to index
    %swap3A_24 = arith.constant 0 : index
    %swap3A_25 = tpu.vector_load %arg7[%swap3A_23, %swap3A_24] {strides = array<i32>} : memref<8x32xi32, #tpu.memory_space<vmem>>, vector<1x16xi32>,
    %swap3A_26 = vector.shape_cast %swap3A_25 : vector<1x16xi32> to vector<16xi32>
    %swap3A_27 = vector.shape_cast %or3A : vector<16xi32> to vector<1x16xi32>
    tpu.vector_store %arg7[%swap3A_23, %swap3A_24], %swap3A_27 {strides = array<i32>} : memref<8x32xi32, #tpu.memory_space<vmem>>, vector<1x16xi32>,
    %get3A_28 = arith.constant 16 : index
    %get3A_29 = tpu.vector_load %arg5[%get3A_28] {strides = array<i32>} : memref<256xi32, #tpu.memory_space<vmem>>, vector<16xi32>,
    %get3A_30 = vector.shape_cast %get3A_29 : vector<16xi32> to vector<16xi32>
    %swap3A_31 = arith.constant 0 : i32
    %swap3A_32 = arith.index_cast %swap3A_31 : i32 to index
    %swap3A_33 = arith.constant 16 : index
    %swap3A_34 = tpu.vector_load %arg6[%swap3A_32, %swap3A_33] {strides = array<i32>} : memref<8x32xi32, #tpu.memory_space<vmem>>, vector<1x16xi32>,
    %swap3A_35 = vector.shape_cast %swap3A_34 : vector<1x16xi32> to vector<16xi32>
    %swap3A_36 = vector.shape_cast %get3A_30 : vector<16xi32> to vector<1x16xi32>
    tpu.vector_store %arg6[%swap3A_32, %swap3A_33], %swap3A_36 {strides = array<i32>} : memref<8x32xi32, #tpu.memory_space<vmem>>, vector<1x16xi32>,
    %add3A_37 = arith.constant 0 : i32
    %add3A_38 = arith.addi %multiple_of3A, %add3A_37 : i32
    %add3A_39 = arith.constant 16 : i32
    %add3A_40 = arith.addi %add3A_38, %add3A_39 : i32
    %add3A_41 = vector.broadcast %add3A_40 : i32 to vector<16xi32>
    %add3A_42 = arith.addi %add3A_41, %iota3A : vector<16xi32>
    %shift_right_arithmetic3A_43 = arith.constant 10 : i32
    %shift_right_arithmetic3A_44 = vector.broadcast %shift_right_arithmetic3A_43 : i32 to vector<16xi32>
    %shift_right_arithmetic3A_45 = arith.shrsi %add3A_42, %shift_right_arithmetic3A_44 : vector<16xi32>
    %shift_left3A_46 = arith.constant 9 : i32
    %shift_left3A_47 = vector.broadcast %shift_left3A_46 : i32 to vector<16xi32>
    %shift_left3A_48 = arith.shli %shift_right_arithmetic3A_45, %shift_left3A_47 : vector<16xi32>
    %and3A_49 = arith.constant 511 : i32
    %and3A_50 = vector.broadcast %and3A_49 : i32 to vector<16xi32>
    %and3A_51 = arith.andi %add3A_42, %and3A_50 : vector<16xi32>
    %or3A_52 = arith.ori %shift_left3A_48, %and3A_51 : vector<16xi32>
    %swap3A_53 = arith.constant 0 : i32
    %swap3A_54 = arith.index_cast %swap3A_53 : i32 to index
    %swap3A_55 = arith.constant 16 : index
    %swap3A_56 = tpu.vector_load %arg7[%swap3A_54, %swap3A_55] {strides = array<i32>} : memref<8x32xi32, #tpu.memory_space<vmem>>, vector<1x16xi32>,
    %swap3A_57 = vector.shape_cast %swap3A_56 : vector<1x16xi32> to vector<16xi32>
    %swap3A_58 = vector.shape_cast %or3A_52 : vector<16xi32> to vector<1x16xi32>
    tpu.vector_store %arg7[%swap3A_54, %swap3A_55], %swap3A_58 {strides = array<i32>} : memref<8x32xi32, #tpu.memory_space<vmem>>, vector<1x16xi32>,
    %get3A_59 = arith.constant 32 : index
    %get3A_60 = tpu.vector_load %arg5[%get3A_59] {strides = array<i32>} : memref<256xi32, #tpu.memory_space<vmem>>, vector<16xi32>,
    %get3A_61 = vector.shape_cast %get3A_60 : vector<16xi32> to vector<16xi32>
    %swap3A_62 = arith.constant 1 : i32
    %swap3A_63 = arith.index_cast %swap3A_62 : i32 to index
    %swap3A_64 = arith.constant 0 : index
    %swap3A_65 = tpu.vector_load %arg6[%swap3A_63, %swap3A_64] {strides = array<i32>} : memref<8x32xi32, #tpu.memory_space<vmem>>, vector<1x16xi32>,
    %swap3A_66 = vector.shape_cast %swap3A_65 : vector<1x16xi32> to vector<16xi32>
    %swap3A_67 = vector.shape_cast %get3A_61 : vector<16xi32> to vector<1x16xi32>
    tpu.vector_store %arg6[%swap3A_63, %swap3A_64], %swap3A_67 {strides = array<i32>} : memref<8x32xi32, #tpu.memory_space<vmem>>, vector<1x16xi32>,
    %add3A_68 = arith.constant 32 : i32
    %add3A_69 = arith.addi %multiple_of3A, %add3A_68 : i32
    %add3A_70 = arith.constant 0 : i32
    %add3A_71 = arith.addi %add3A_69, %add3A_70 : i32
    %add3A_72 = vector.broadcast %add3A_71 : i32 to vector<16xi32>
    %add3A_73 = arith.addi %add3A_72, %iota3A : vector<16xi32>
    %shift_right_arithmetic3A_74 = arith.constant 10 : i32
    %shift_right_arithmetic3A_75 = vector.broadcast %shift_right_arithmetic3A_74 : i32 to vector<16xi32>
    %shift_right_arithmetic3A_76 = arith.shrsi %add3A_73, %shift_right_arithmetic3A_75 : vector<16xi32>
    %shift_left3A_77 = arith.constant 9 : i32
    %shift_left3A_78 = vector.broadcast %shift_left3A_77 : i32 to vector<16xi32>
    %shift_left3A_79 = arith.shli %shift_right_arithmetic3A_76, %shift_left3A_78 : vector<16xi32>
    %and3A_80 = arith.constant 511 : i32
    %and3A_81 = vector.broadcast %and3A_80 : i32 to vector<16xi32>
    %and3A_82 = arith.andi %add3A_73, %and3A_81 : vector<16xi32>
    %or3A_83 = arith.ori %shift_left3A_79, %and3A_82 : vector<16xi32>
    %swap3A_84 = arith.constant 1 : i32
    %swap3A_85 = arith.index_cast %swap3A_84 : i32 to index
    %swap3A_86 = arith.constant 0 : index
    %swap3A_87 = tpu.vector_load %arg7[%swap3A_85, %swap3A_86] {strides = array<i32>} : memref<8x32xi32, #tpu.memory_space<vmem>>, vector<1x16xi32>,
    %swap3A_88 = vector.shape_cast %swap3A_87 : vector<1x16xi32> to vector<16xi32>
    %swap3A_89 = vector.shape_cast %or3A_83 : vector<16xi32> to vector<1x16xi32>
    tpu.vector_store %arg7[%swap3A_85, %swap3A_86], %swap3A_89 {strides = array<i32>} : memref<8x32xi32, #tpu.memory_space<vmem>>, vector<1x16xi32>,
    %get3A_90 = arith.constant 48 : index
    %get3A_91 = tpu.vector_load %arg5[%get3A_90] {strides = array<i32>} : memref<256xi32, #tpu.memory_space<vmem>>, vector<16xi32>,
    %get3A_92 = vector.shape_cast %get3A_91 : vector<16xi32> to vector<16xi32>
    %swap3A_93 = arith.constant 1 : i32
    %swap3A_94 = arith.index_cast %swap3A_93 : i32 to index
    %swap3A_95 = arith.constant 16 : index
    %swap3A_96 = tpu.vector_load %arg6[%swap3A_94, %swap3A_95] {strides = array<i32>} : memref<8x32xi32, #tpu.memory_space<vmem>>, vector<1x16xi32>,
    %swap3A_97 = vector.shape_cast %swap3A_96 : vector<1x16xi32> to vector<16xi32>
    %swap3A_98 = vector.shape_cast %get3A_92 : vector<16xi32> to vector<1x16xi32>
    tpu.vector_store %arg6[%swap3A_94, %swap3A_95], %swap3A_98 {strides = array<i32>} : memref<8x32xi32, #tpu.memory_space<vmem>>, vector<1x16xi32>,
    %add3A_99 = arith.constant 32 : i32
    %add3A_100 = arith.addi %multiple_of3A, %add3A_99 : i32
    %add3A_101 = arith.constant 16 : i32
    %add3A_102 = arith.addi %add3A_100, %add3A_101 : i32
    %add3A_103 = vector.broadcast %add3A_102 : i32 to vector<16xi32>
    %add3A_104 = arith.addi %add3A_103, %iota3A : vector<16xi32>
    %shift_right_arithmetic3A_105 = arith.constant 10 : i32
    %shift_right_arithmetic3A_106 = vector.broadcast %shift_right_arithmetic3A_105 : i32 to vector<16xi32>
    %shift_right_arithmetic3A_107 = arith.shrsi %add3A_104, %shift_right_arithmetic3A_106 : vector<16xi32>
    %shift_left3A_108 = arith.constant 9 : i32
    %shift_left3A_109 = vector.broadcast %shift_left3A_108 : i32 to vector<16xi32>
    %shift_left3A_110 = arith.shli %shift_right_arithmetic3A_107, %shift_left3A_109 : vector<16xi32>
    %and3A_111 = arith.constant 511 : i32
    %and3A_112 = vector.broadcast %and3A_111 : i32 to vector<16xi32>
    %and3A_113 = arith.andi %add3A_104, %and3A_112 : vector<16xi32>
    %or3A_114 = arith.ori %shift_left3A_110, %and3A_113 : vector<16xi32>
    %swap3A_115 = arith.constant 1 : i32
    %swap3A_116 = arith.index_cast %swap3A_115 : i32 to index
    %swap3A_117 = arith.constant 16 : index
    %swap3A_118 = tpu.vector_load %arg7[%swap3A_116, %swap3A_117] {strides = array<i32>} : memref<8x32xi32, #tpu.memory_space<vmem>>, vector<1x16xi32>,
    %swap3A_119 = vector.shape_cast %swap3A_118 : vector<1x16xi32> to vector<16xi32>
    %swap3A_120 = vector.shape_cast %or3A_114 : vector<16xi32> to vector<1x16xi32>
    tpu.vector_store %arg7[%swap3A_116, %swap3A_117], %swap3A_120 {strides = array<i32>} : memref<8x32xi32, #tpu.memory_space<vmem>>, vector<1x16xi32>,
    %get3A_121 = arith.constant 64 : index
    %get3A_122 = tpu.vector_load %arg5[%get3A_121] {strides = array<i32>} : memref<256xi32, #tpu.memory_space<vmem>>, vector<16xi32>,
    %get3A_123 = vector.shape_cast %get3A_122 : vector<16xi32> to vector<16xi32>
    %swap3A_124 = arith.constant 2 : i32
    %swap3A_125 = arith.index_cast %swap3A_124 : i32 to index
    %swap3A_126 = arith.constant 0 : index
    %swap3A_127 = tpu.vector_load %arg6[%swap3A_125, %swap3A_126] {strides = array<i32>} : memref<8x32xi32, #tpu.memory_space<vmem>>, vector<1x16xi32>,
    %swap3A_128 = vector.shape_cast %swap3A_127 : vector<1x16xi32> to vector<16xi32>
    %swap3A_129 = vector.shape_cast %get3A_123 : vector<16xi32> to vector<1x16xi32>
    tpu.vector_store %arg6[%swap3A_125, %swap3A_126], %swap3A_129 {strides = array<i32>} : memref<8x32xi32, #tpu.memory_space<vmem>>, vector<1x16xi32>,
    %add3A_130 = arith.constant 64 : i32
    %add3A_131 = arith.addi %multiple_of3A, %add3A_130 : i32
    %add3A_132 = arith.constant 0 : i32
    %add3A_133 = arith.addi %add3A_131, %add3A_132 : i32
    %add3A_134 = vector.broadcast %add3A_133 : i32 to vector<16xi32>
    %add3A_135 = arith.addi %add3A_134, %iota3A : vector<16xi32>
    %shift_right_arithmetic3A_136 = arith.constant 10 : i32
    %shift_right_arithmetic3A_137 = vector.broadcast %shift_right_arithmetic3A_136 : i32 to vector<16xi32>
    %shift_right_arithmetic3A_138 = arith.shrsi %add3A_135, %shift_right_arithmetic3A_137 : vector<16xi32>
    %shift_left3A_139 = arith.constant 9 : i32
    %shift_left3A_140 = vector.broadcast %shift_left3A_139 : i32 to vector<16xi32>
    %shift_left3A_141 = arith.shli %shift_right_arithmetic3A_138, %shift_left3A_140 : vector<16xi32>
    %and3A_142 = arith.constant 511 : i32
    %and3A_143 = vector.broadcast %and3A_142 : i32 to vector<16xi32>
    %and3A_144 = arith.andi %add3A_135, %and3A_143 : vector<16xi32>
    %or3A_145 = arith.ori %shift_left3A_141, %and3A_144 : vector<16xi32>
    %swap3A_146 = arith.constant 2 : i32
    %swap3A_147 = arith.index_cast %swap3A_146 : i32 to index
    %swap3A_148 = arith.constant 0 : index
    %swap3A_149 = tpu.vector_load %arg7[%swap3A_147, %swap3A_148] {strides = array<i32>} : memref<8x32xi32, #tpu.memory_space<vmem>>, vector<1x16xi32>,
    %swap3A_150 = vector.shape_cast %swap3A_149 : vector<1x16xi32> to vector<16xi32>
    %swap3A_151 = vector.shape_cast %or3A_145 : vector<16xi32> to vector<1x16xi32>
    tpu.vector_store %arg7[%swap3A_147, %swap3A_148], %swap3A_151 {strides = array<i32>} : memref<8x32xi32, #tpu.memory_space<vmem>>, vector<1x16xi32>,
    %get3A_152 = arith.constant 80 : index
    %get3A_153 = tpu.vector_load %arg5[%get3A_152] {strides = array<i32>} : memref<256xi32, #tpu.memory_space<vmem>>, vector<16xi32>,
    %get3A_154 = vector.shape_cast %get3A_153 : vector<16xi32> to vector<16xi32>
    %swap3A_155 = arith.constant 2 : i32
    %swap3A_156 = arith.index_cast %swap3A_155 : i32 to index
    %swap3A_157 = arith.constant 16 : index
    %swap3A_158 = tpu.vector_load %arg6[%swap3A_156, %swap3A_157] {strides = array<i32>} : memref<8x32xi32, #tpu.memory_space<vmem>>, vector<1x16xi32>,
    %swap3A_159 = vector.shape_cast %swap3A_158 : vector<1x16xi32> to vector<16xi32>
    %swap3A_160 = vector.shape_cast %get3A_154 : vector<16xi32> to vector<1x16xi32>
    tpu.vector_store %arg6[%swap3A_156, %swap3A_157], %swap3A_160 {strides = array<i32>} : memref<8x32xi32, #tpu.memory_space<vmem>>, vector<1x16xi32>,
    %add3A_161 = arith.constant 64 : i32
    %add3A_162 = arith.addi %multiple_of3A, %add3A_161 : i32
    %add3A_163 = arith.constant 16 : i32
    %add3A_164 = arith.addi %add3A_162, %add3A_163 : i32
    %add3A_165 = vector.broadcast %add3A_164 : i32 to vector<16xi32>
    %add3A_166 = arith.addi %add3A_165, %iota3A : vector<16xi32>
    %shift_right_arithmetic3A_167 = arith.constant 10 : i32
    %shift_right_arithmetic3A_168 = vector.broadcast %shift_right_arithmetic3A_167 : i32 to vector<16xi32>
    %shift_right_arithmetic3A_169 = arith.shrsi %add3A_166, %shift_right_arithmetic3A_168 : vector<16xi32>
    %shift_left3A_170 = arith.constant 9 : i32
    %shift_left3A_171 = vector.broadcast %shift_left3A_170 : i32 to vector<16xi32>
    %shift_left3A_172 = arith.shli %shift_right_arithmetic3A_169, %shift_left3A_171 : vector<16xi32>
    %and3A_173 = arith.constant 511 : i32
    %and3A_174 = vector.broadcast %and3A_173 : i32 to vector<16xi32>
    %and3A_175 = arith.andi %add3A_166, %and3A_174 : vector<16xi32>
    %or3A_176 = arith.ori %shift_left3A_172, %and3A_175 : vector<16xi32>
    %swap3A_177 = arith.constant 2 : i32
    %swap3A_178 = arith.index_cast %swap3A_177 : i32 to index
    %swap3A_179 = arith.constant 16 : index
    %swap3A_180 = tpu.vector_load %arg7[%swap3A_178, %swap3A_179] {strides = array<i32>} : memref<8x32xi32, #tpu.memory_space<vmem>>, vector<1x16xi32>,
    %swap3A_181 = vector.shape_cast %swap3A_180 : vector<1x16xi32> to vector<16xi32>
    %swap3A_182 = vector.shape_cast %or3A_176 : vector<16xi32> to vector<1x16xi32>
    tpu.vector_store %arg7[%swap3A_178, %swap3A_179], %swap3A_182 {strides = array<i32>} : memref<8x32xi32, #tpu.memory_space<vmem>>, vector<1x16xi32>,
    %get3A_183 = arith.constant 96 : index
    %get3A_184 = tpu.vector_load %arg5[%get3A_183] {strides = array<i32>} : memref<256xi32, #tpu.memory_space<vmem>>, vector<16xi32>,
    %get3A_185 = vector.shape_cast %get3A_184 : vector<16xi32> to vector<16xi32>
    %swap3A_186 = arith.constant 3 : i32
    %swap3A_187 = arith.index_cast %swap3A_186 : i32 to index
    %swap3A_188 = arith.constant 0 : index
    %swap3A_189 = tpu.vector_load %arg6[%swap3A_187, %swap3A_188] {strides = array<i32>} : memref<8x32xi32, #tpu.memory_space<vmem>>, vector<1x16xi32>,
    %swap3A_190 = vector.shape_cast %swap3A_189 : vector<1x16xi32> to vector<16xi32>
    %swap3A_191 = vector.shape_cast %get3A_185 : vector<16xi32> to vector<1x16xi32>
    tpu.vector_store %arg6[%swap3A_187, %swap3A_188], %swap3A_191 {strides = array<i32>} : memref<8x32xi32, #tpu.memory_space<vmem>>, vector<1x16xi32>,
    %add3A_192 = arith.constant 96 : i32
    %add3A_193 = arith.addi %multiple_of3A, %add3A_192 : i32
    %add3A_194 = arith.constant 0 : i32
    %add3A_195 = arith.addi %add3A_193, %add3A_194 : i32
    %add3A_196 = vector.broadcast %add3A_195 : i32 to vector<16xi32>
    %add3A_197 = arith.addi %add3A_196, %iota3A : vector<16xi32>
    %shift_right_arithmetic3A_198 = arith.constant 10 : i32
    %shift_right_arithmetic3A_199 = vector.broadcast %shift_right_arithmetic3A_198 : i32 to vector<16xi32>
    %shift_right_arithmetic3A_200 = arith.shrsi %add3A_197, %shift_right_arithmetic3A_199 : vector<16xi32>
    %shift_left3A_201 = arith.constant 9 : i32
    %shift_left3A_202 = vector.broadcast %shift_left3A_201 : i32 to vector<16xi32>
    %shift_left3A_203 = arith.shli %shift_right_arithmetic3A_200, %shift_left3A_202 : vector<16xi32>
    %and3A_204 = arith.constant 511 : i32
    %and3A_205 = vector.broadcast %and3A_204 : i32 to vector<16xi32>
    %and3A_206 = arith.andi %add3A_197, %and3A_205 : vector<16xi32>
    %or3A_207 = arith.ori %shift_left3A_203, %and3A_206 : vector<16xi32>
    %swap3A_208 = arith.constant 3 : i32
    %swap3A_209 = arith.index_cast %swap3A_208 : i32 to index
    %swap3A_210 = arith.constant 0 : index
    %swap3A_211 = tpu.vector_load %arg7[%swap3A_209, %swap3A_210] {strides = array<i32>} : memref<8x32xi32, #tpu.memory_space<vmem>>, vector<1x16xi32>,
    %swap3A_212 = vector.shape_cast %swap3A_211 : vector<1x16xi32> to vector<16xi32>
    %swap3A_213 = vector.shape_cast %or3A_207 : vector<16xi32> to vector<1x16xi32>
    tpu.vector_store %arg7[%swap3A_209, %swap3A_210], %swap3A_213 {strides = array<i32>} : memref<8x32xi32, #tpu.memory_space<vmem>>, vector<1x16xi32>,
    %get3A_214 = arith.constant 112 : index
    %get3A_215 = tpu.vector_load %arg5[%get3A_214] {strides = array<i32>} : memref<256xi32, #tpu.memory_space<vmem>>, vector<16xi32>,
    %get3A_216 = vector.shape_cast %get3A_215 : vector<16xi32> to vector<16xi32>
    %swap3A_217 = arith.constant 3 : i32
    %swap3A_218 = arith.index_cast %swap3A_217 : i32 to index
    %swap3A_219 = arith.constant 16 : index
    %swap3A_220 = tpu.vector_load %arg6[%swap3A_218, %swap3A_219] {strides = array<i32>} : memref<8x32xi32, #tpu.memory_space<vmem>>, vector<1x16xi32>,
    %swap3A_221 = vector.shape_cast %swap3A_220 : vector<1x16xi32> to vector<16xi32>
    %swap3A_222 = vector.shape_cast %get3A_216 : vector<16xi32> to vector<1x16xi32>
    tpu.vector_store %arg6[%swap3A_218, %swap3A_219], %swap3A_222 {strides = array<i32>} : memref<8x32xi32, #tpu.memory_space<vmem>>, vector<1x16xi32>,
    %add3A_223 = arith.constant 96 : i32
    %add3A_224 = arith.addi %multiple_of3A, %add3A_223 : i32
    %add3A_225 = arith.constant 16 : i32
    %add3A_226 = arith.addi %add3A_224, %add3A_225 : i32
    %add3A_227 = vector.broadcast %add3A_226 : i32 to vector<16xi32>
    %add3A_228 = arith.addi %add3A_227, %iota3A : vector<16xi32>
    %shift_right_arithmetic3A_229 = arith.constant 10 : i32
    %shift_right_arithmetic3A_230 = vector.broadcast %shift_right_arithmetic3A_229 : i32 to vector<16xi32>
    %shift_right_arithmetic3A_231 = arith.shrsi %add3A_228, %shift_right_arithmetic3A_230 : vector<16xi32>
    %shift_left3A_232 = arith.constant 9 : i32
    %shift_left3A_233 = vector.broadcast %shift_left3A_232 : i32 to vector<16xi32>
    %shift_left3A_234 = arith.shli %shift_right_arithmetic3A_231, %shift_left3A_233 : vector<16xi32>
    %and3A_235 = arith.constant 511 : i32
    %and3A_236 = vector.broadcast %and3A_235 : i32 to vector<16xi32>
    %and3A_237 = arith.andi %add3A_228, %and3A_236 : vector<16xi32>
    %or3A_238 = arith.ori %shift_left3A_234, %and3A_237 : vector<16xi32>
    %swap3A_239 = arith.constant 3 : i32
    %swap3A_240 = arith.index_cast %swap3A_239 : i32 to index
    %swap3A_241 = arith.constant 16 : index
    %swap3A_242 = tpu.vector_load %arg7[%swap3A_240, %swap3A_241] {strides = array<i32>} : memref<8x32xi32, #tpu.memory_space<vmem>>, vector<1x16xi32>,
    %swap3A_243 = vector.shape_cast %swap3A_242 : vector<1x16xi32> to vector<16xi32>
    %swap3A_244 = vector.shape_cast %or3A_238 : vector<16xi32> to vector<1x16xi32>
    tpu.vector_store %arg7[%swap3A_240, %swap3A_241], %swap3A_244 {strides = array<i32>} : memref<8x32xi32, #tpu.memory_space<vmem>>, vector<1x16xi32>,
    %get3A_245 = arith.constant 128 : index
    %get3A_246 = tpu.vector_load %arg5[%get3A_245] {strides = array<i32>} : memref<256xi32, #tpu.memory_space<vmem>>, vector<16xi32>,
    %get3A_247 = vector.shape_cast %get3A_246 : vector<16xi32> to vector<16xi32>
    %swap3A_248 = arith.constant 4 : i32
    %swap3A_249 = arith.index_cast %swap3A_248 : i32 to index
    %swap3A_250 = arith.constant 0 : index
    %swap3A_251 = tpu.vector_load %arg6[%swap3A_249, %swap3A_250] {strides = array<i32>} : memref<8x32xi32, #tpu.memory_space<vmem>>, vector<1x16xi32>,
    %swap3A_252 = vector.shape_cast %swap3A_251 : vector<1x16xi32> to vector<16xi32>
    %swap3A_253 = vector.shape_cast %get3A_247 : vector<16xi32> to vector<1x16xi32>
    tpu.vector_store %arg6[%swap3A_249, %swap3A_250], %swap3A_253 {strides = array<i32>} : memref<8x32xi32, #tpu.memory_space<vmem>>, vector<1x16xi32>,
    %add3A_254 = arith.constant 128 : i32
    %add3A_255 = arith.addi %multiple_of3A, %add3A_254 : i32
    %add3A_256 = arith.constant 0 : i32
    %add3A_257 = arith.addi %add3A_255, %add3A_256 : i32
    %add3A_258 = vector.broadcast %add3A_257 : i32 to vector<16xi32>
    %add3A_259 = arith.addi %add3A_258, %iota3A : vector<16xi32>
    %shift_right_arithmetic3A_260 = arith.constant 10 : i32
    %shift_right_arithmetic3A_261 = vector.broadcast %shift_right_arithmetic3A_260 : i32 to vector<16xi32>
    %shift_right_arithmetic3A_262 = arith.shrsi %add3A_259, %shift_right_arithmetic3A_261 : vector<16xi32>
    %shift_left3A_263 = arith.constant 9 : i32
    %shift_left3A_264 = vector.broadcast %shift_left3A_263 : i32 to vector<16xi32>
    %shift_left3A_265 = arith.shli %shift_right_arithmetic3A_262, %shift_left3A_264 : vector<16xi32>
    %and3A_266 = arith.constant 511 : i32
    %and3A_267 = vector.broadcast %and3A_266 : i32 to vector<16xi32>
    %and3A_268 = arith.andi %add3A_259, %and3A_267 : vector<16xi32>
    %or3A_269 = arith.ori %shift_left3A_265, %and3A_268 : vector<16xi32>
    %swap3A_270 = arith.constant 4 : i32
    %swap3A_271 = arith.index_cast %swap3A_270 : i32 to index
    %swap3A_272 = arith.constant 0 : index
    %swap3A_273 = tpu.vector_load %arg7[%swap3A_271, %swap3A_272] {strides = array<i32>} : memref<8x32xi32, #tpu.memory_space<vmem>>, vector<1x16xi32>,
    %swap3A_274 = vector.shape_cast %swap3A_273 : vector<1x16xi32> to vector<16xi32>
    %swap3A_275 = vector.shape_cast %or3A_269 : vector<16xi32> to vector<1x16xi32>
    tpu.vector_store %arg7[%swap3A_271, %swap3A_272], %swap3A_275 {strides = array<i32>} : memref<8x32xi32, #tpu.memory_space<vmem>>, vector<1x16xi32>,
    %get3A_276 = arith.constant 144 : index
    %get3A_277 = tpu.vector_load %arg5[%get3A_276] {strides = array<i32>} : memref<256xi32, #tpu.memory_space<vmem>>, vector<16xi32>,
    %get3A_278 = vector.shape_cast %get3A_277 : vector<16xi32> to vector<16xi32>
    %swap3A_279 = arith.constant 4 : i32
    %swap3A_280 = arith.index_cast %swap3A_279 : i32 to index
    %swap3A_281 = arith.constant 16 : index
    %swap3A_282 = tpu.vector_load %arg6[%swap3A_280, %swap3A_281] {strides = array<i32>} : memref<8x32xi32, #tpu.memory_space<vmem>>, vector<1x16xi32>,
    %swap3A_283 = vector.shape_cast %swap3A_282 : vector<1x16xi32> to vector<16xi32>
    %swap3A_284 = vector.shape_cast %get3A_278 : vector<16xi32> to vector<1x16xi32>
    tpu.vector_store %arg6[%swap3A_280, %swap3A_281], %swap3A_284 {strides = array<i32>} : memref<8x32xi32, #tpu.memory_space<vmem>>, vector<1x16xi32>,
    %add3A_285 = arith.constant 128 : i32
    %add3A_286 = arith.addi %multiple_of3A, %add3A_285 : i32
    %add3A_287 = arith.constant 16 : i32
    %add3A_288 = arith.addi %add3A_286, %add3A_287 : i32
    %add3A_289 = vector.broadcast %add3A_288 : i32 to vector<16xi32>
    %add3A_290 = arith.addi %add3A_289, %iota3A : vector<16xi32>
    %shift_right_arithmetic3A_291 = arith.constant 10 : i32
    %shift_right_arithmetic3A_292 = vector.broadcast %shift_right_arithmetic3A_291 : i32 to vector<16xi32>
    %shift_right_arithmetic3A_293 = arith.shrsi %add3A_290, %shift_right_arithmetic3A_292 : vector<16xi32>
    %shift_left3A_294 = arith.constant 9 : i32
    %shift_left3A_295 = vector.broadcast %shift_left3A_294 : i32 to vector<16xi32>
    %shift_left3A_296 = arith.shli %shift_right_arithmetic3A_293, %shift_left3A_295 : vector<16xi32>
    %and3A_297 = arith.constant 511 : i32
    %and3A_298 = vector.broadcast %and3A_297 : i32 to vector<16xi32>
    %and3A_299 = arith.andi %add3A_290, %and3A_298 : vector<16xi32>
    %or3A_300 = arith.ori %shift_left3A_296, %and3A_299 : vector<16xi32>
    %swap3A_301 = arith.constant 4 : i32
    %swap3A_302 = arith.index_cast %swap3A_301 : i32 to index
    %swap3A_303 = arith.constant 16 : index
    %swap3A_304 = tpu.vector_load %arg7[%swap3A_302, %swap3A_303] {strides = array<i32>} : memref<8x32xi32, #tpu.memory_space<vmem>>, vector<1x16xi32>,
    %swap3A_305 = vector.shape_cast %swap3A_304 : vector<1x16xi32> to vector<16xi32>
    %swap3A_306 = vector.shape_cast %or3A_300 : vector<16xi32> to vector<1x16xi32>
    tpu.vector_store %arg7[%swap3A_302, %swap3A_303], %swap3A_306 {strides = array<i32>} : memref<8x32xi32, #tpu.memory_space<vmem>>, vector<1x16xi32>,
    %get3A_307 = arith.constant 160 : index
    %get3A_308 = tpu.vector_load %arg5[%get3A_307] {strides = array<i32>} : memref<256xi32, #tpu.memory_space<vmem>>, vector<16xi32>,
    %get3A_309 = vector.shape_cast %get3A_308 : vector<16xi32> to vector<16xi32>
    %swap3A_310 = arith.constant 5 : i32
    %swap3A_311 = arith.index_cast %swap3A_310 : i32 to index
    %swap3A_312 = arith.constant 0 : index
    %swap3A_313 = tpu.vector_load %arg6[%swap3A_311, %swap3A_312] {strides = array<i32>} : memref<8x32xi32, #tpu.memory_space<vmem>>, vector<1x16xi32>,
    %swap3A_314 = vector.shape_cast %swap3A_313 : vector<1x16xi32> to vector<16xi32>
    %swap3A_315 = vector.shape_cast %get3A_309 : vector<16xi32> to vector<1x16xi32>
    tpu.vector_store %arg6[%swap3A_311, %swap3A_312], %swap3A_315 {strides = array<i32>} : memref<8x32xi32, #tpu.memory_space<vmem>>, vector<1x16xi32>,
    %add3A_316 = arith.constant 160 : i32
    %add3A_317 = arith.addi %multiple_of3A, %add3A_316 : i32
    %add3A_318 = arith.constant 0 : i32
    %add3A_319 = arith.addi %add3A_317, %add3A_318 : i32
    %add3A_320 = vector.broadcast %add3A_319 : i32 to vector<16xi32>
    %add3A_321 = arith.addi %add3A_320, %iota3A : vector<16xi32>
    %shift_right_arithmetic3A_322 = arith.constant 10 : i32
    %shift_right_arithmetic3A_323 = vector.broadcast %shift_right_arithmetic3A_322 : i32 to vector<16xi32>
    %shift_right_arithmetic3A_324 = arith.shrsi %add3A_321, %shift_right_arithmetic3A_323 : vector<16xi32>
    %shift_left3A_325 = arith.constant 9 : i32
    %shift_left3A_326 = vector.broadcast %shift_left3A_325 : i32 to vector<16xi32>
    %shift_left3A_327 = arith.shli %shift_right_arithmetic3A_324, %shift_left3A_326 : vector<16xi32>
    %and3A_328 = arith.constant 511 : i32
    %and3A_329 = vector.broadcast %and3A_328 : i32 to vector<16xi32>
    %and3A_330 = arith.andi %add3A_321, %and3A_329 : vector<16xi32>
    %or3A_331 = arith.ori %shift_left3A_327, %and3A_330 : vector<16xi32>
    %swap3A_332 = arith.constant 5 : i32
    %swap3A_333 = arith.index_cast %swap3A_332 : i32 to index
    %swap3A_334 = arith.constant 0 : index
    %swap3A_335 = tpu.vector_load %arg7[%swap3A_333, %swap3A_334] {strides = array<i32>} : memref<8x32xi32, #tpu.memory_space<vmem>>, vector<1x16xi32>,
    %swap3A_336 = vector.shape_cast %swap3A_335 : vector<1x16xi32> to vector<16xi32>
    %swap3A_337 = vector.shape_cast %or3A_331 : vector<16xi32> to vector<1x16xi32>
    tpu.vector_store %arg7[%swap3A_333, %swap3A_334], %swap3A_337 {strides = array<i32>} : memref<8x32xi32, #tpu.memory_space<vmem>>, vector<1x16xi32>,
    %get3A_338 = arith.constant 176 : index
    %get3A_339 = tpu.vector_load %arg5[%get3A_338] {strides = array<i32>} : memref<256xi32, #tpu.memory_space<vmem>>, vector<16xi32>,
    %get3A_340 = vector.shape_cast %get3A_339 : vector<16xi32> to vector<16xi32>
    %swap3A_341 = arith.constant 5 : i32
    %swap3A_342 = arith.index_cast %swap3A_341 : i32 to index
    %swap3A_343 = arith.constant 16 : index
    %swap3A_344 = tpu.vector_load %arg6[%swap3A_342, %swap3A_343] {strides = array<i32>} : memref<8x32xi32, #tpu.memory_space<vmem>>, vector<1x16xi32>,
    %swap3A_345 = vector.shape_cast %swap3A_344 : vector<1x16xi32> to vector<16xi32>
    %swap3A_346 = vector.shape_cast %get3A_340 : vector<16xi32> to vector<1x16xi32>
    tpu.vector_store %arg6[%swap3A_342, %swap3A_343], %swap3A_346 {strides = array<i32>} : memref<8x32xi32, #tpu.memory_space<vmem>>, vector<1x16xi32>,
    %add3A_347 = arith.constant 160 : i32
    %add3A_348 = arith.addi %multiple_of3A, %add3A_347 : i32
    %add3A_349 = arith.constant 16 : i32
    %add3A_350 = arith.addi %add3A_348, %add3A_349 : i32
    %add3A_351 = vector.broadcast %add3A_350 : i32 to vector<16xi32>
    %add3A_352 = arith.addi %add3A_351, %iota3A : vector<16xi32>
    %shift_right_arithmetic3A_353 = arith.constant 10 : i32
    %shift_right_arithmetic3A_354 = vector.broadcast %shift_right_arithmetic3A_353 : i32 to vector<16xi32>
    %shift_right_arithmetic3A_355 = arith.shrsi %add3A_352, %shift_right_arithmetic3A_354 : vector<16xi32>
    %shift_left3A_356 = arith.constant 9 : i32
    %shift_left3A_357 = vector.broadcast %shift_left3A_356 : i32 to vector<16xi32>
    %shift_left3A_358 = arith.shli %shift_right_arithmetic3A_355, %shift_left3A_357 : vector<16xi32>
    %and3A_359 = arith.constant 511 : i32
    %and3A_360 = vector.broadcast %and3A_359 : i32 to vector<16xi32>
    %and3A_361 = arith.andi %add3A_352, %and3A_360 : vector<16xi32>
    %or3A_362 = arith.ori %shift_left3A_358, %and3A_361 : vector<16xi32>
    %swap3A_363 = arith.constant 5 : i32
    %swap3A_364 = arith.index_cast %swap3A_363 : i32 to index
    %swap3A_365 = arith.constant 16 : index
    %swap3A_366 = tpu.vector_load %arg7[%swap3A_364, %swap3A_365] {strides = array<i32>} : memref<8x32xi32, #tpu.memory_space<vmem>>, vector<1x16xi32>,
    %swap3A_367 = vector.shape_cast %swap3A_366 : vector<1x16xi32> to vector<16xi32>
    %swap3A_368 = vector.shape_cast %or3A_362 : vector<16xi32> to vector<1x16xi32>
    tpu.vector_store %arg7[%swap3A_364, %swap3A_365], %swap3A_368 {strides = array<i32>} : memref<8x32xi32, #tpu.memory_space<vmem>>, vector<1x16xi32>,
    %get3A_369 = arith.constant 192 : index
    %get3A_370 = tpu.vector_load %arg5[%get3A_369] {strides = array<i32>} : memref<256xi32, #tpu.memory_space<vmem>>, vector<16xi32>,
    %get3A_371 = vector.shape_cast %get3A_370 : vector<16xi32> to vector<16xi32>
    %swap3A_372 = arith.constant 6 : i32
    %swap3A_373 = arith.index_cast %swap3A_372 : i32 to index
    %swap3A_374 = arith.constant 0 : index
    %swap3A_375 = tpu.vector_load %arg6[%swap3A_373, %swap3A_374] {strides = array<i32>} : memref<8x32xi32, #tpu.memory_space<vmem>>, vector<1x16xi32>,
    %swap3A_376 = vector.shape_cast %swap3A_375 : vector<1x16xi32> to vector<16xi32>
    %swap3A_377 = vector.shape_cast %get3A_371 : vector<16xi32> to vector<1x16xi32>
    tpu.vector_store %arg6[%swap3A_373, %swap3A_374], %swap3A_377 {strides = array<i32>} : memref<8x32xi32, #tpu.memory_space<vmem>>, vector<1x16xi32>,
    %add3A_378 = arith.constant 192 : i32
    %add3A_379 = arith.addi %multiple_of3A, %add3A_378 : i32
    %add3A_380 = arith.constant 0 : i32
    %add3A_381 = arith.addi %add3A_379, %add3A_380 : i32
    %add3A_382 = vector.broadcast %add3A_381 : i32 to vector<16xi32>
    %add3A_383 = arith.addi %add3A_382, %iota3A : vector<16xi32>
    %shift_right_arithmetic3A_384 = arith.constant 10 : i32
    %shift_right_arithmetic3A_385 = vector.broadcast %shift_right_arithmetic3A_384 : i32 to vector<16xi32>
    %shift_right_arithmetic3A_386 = arith.shrsi %add3A_383, %shift_right_arithmetic3A_385 : vector<16xi32>
    %shift_left3A_387 = arith.constant 9 : i32
    %shift_left3A_388 = vector.broadcast %shift_left3A_387 : i32 to vector<16xi32>
    %shift_left3A_389 = arith.shli %shift_right_arithmetic3A_386, %shift_left3A_388 : vector<16xi32>
    %and3A_390 = arith.constant 511 : i32
    %and3A_391 = vector.broadcast %and3A_390 : i32 to vector<16xi32>
    %and3A_392 = arith.andi %add3A_383, %and3A_391 : vector<16xi32>
    %or3A_393 = arith.ori %shift_left3A_389, %and3A_392 : vector<16xi32>
    %swap3A_394 = arith.constant 6 : i32
    %swap3A_395 = arith.index_cast %swap3A_394 : i32 to index
    %swap3A_396 = arith.constant 0 : index
    %swap3A_397 = tpu.vector_load %arg7[%swap3A_395, %swap3A_396] {strides = array<i32>} : memref<8x32xi32, #tpu.memory_space<vmem>>, vector<1x16xi32>,
    %swap3A_398 = vector.shape_cast %swap3A_397 : vector<1x16xi32> to vector<16xi32>
    %swap3A_399 = vector.shape_cast %or3A_393 : vector<16xi32> to vector<1x16xi32>
    tpu.vector_store %arg7[%swap3A_395, %swap3A_396], %swap3A_399 {strides = array<i32>} : memref<8x32xi32, #tpu.memory_space<vmem>>, vector<1x16xi32>,
    %get3A_400 = arith.constant 208 : index
    %get3A_401 = tpu.vector_load %arg5[%get3A_400] {strides = array<i32>} : memref<256xi32, #tpu.memory_space<vmem>>, vector<16xi32>,
    %get3A_402 = vector.shape_cast %get3A_401 : vector<16xi32> to vector<16xi32>
    %swap3A_403 = arith.constant 6 : i32
    %swap3A_404 = arith.index_cast %swap3A_403 : i32 to index
    %swap3A_405 = arith.constant 16 : index
    %swap3A_406 = tpu.vector_load %arg6[%swap3A_404, %swap3A_405] {strides = array<i32>} : memref<8x32xi32, #tpu.memory_space<vmem>>, vector<1x16xi32>,
    %swap3A_407 = vector.shape_cast %swap3A_406 : vector<1x16xi32> to vector<16xi32>
    %swap3A_408 = vector.shape_cast %get3A_402 : vector<16xi32> to vector<1x16xi32>
    tpu.vector_store %arg6[%swap3A_404, %swap3A_405], %swap3A_408 {strides = array<i32>} : memref<8x32xi32, #tpu.memory_space<vmem>>, vector<1x16xi32>,
    %add3A_409 = arith.constant 192 : i32
    %add3A_410 = arith.addi %multiple_of3A, %add3A_409 : i32
    %add3A_411 = arith.constant 16 : i32
    %add3A_412 = arith.addi %add3A_410, %add3A_411 : i32
    %add3A_413 = vector.broadcast %add3A_412 : i32 to vector<16xi32>
    %add3A_414 = arith.addi %add3A_413, %iota3A : vector<16xi32>
    %shift_right_arithmetic3A_415 = arith.constant 10 : i32
    %shift_right_arithmetic3A_416 = vector.broadcast %shift_right_arithmetic3A_415 : i32 to vector<16xi32>
    %shift_right_arithmetic3A_417 = arith.shrsi %add3A_414, %shift_right_arithmetic3A_416 : vector<16xi32>
    %shift_left3A_418 = arith.constant 9 : i32
    %shift_left3A_419 = vector.broadcast %shift_left3A_418 : i32 to vector<16xi32>
    %shift_left3A_420 = arith.shli %shift_right_arithmetic3A_417, %shift_left3A_419 : vector<16xi32>
    %and3A_421 = arith.constant 511 : i32
    %and3A_422 = vector.broadcast %and3A_421 : i32 to vector<16xi32>
    %and3A_423 = arith.andi %add3A_414, %and3A_422 : vector<16xi32>
    %or3A_424 = arith.ori %shift_left3A_420, %and3A_423 : vector<16xi32>
    %swap3A_425 = arith.constant 6 : i32
    %swap3A_426 = arith.index_cast %swap3A_425 : i32 to index
    %swap3A_427 = arith.constant 16 : index
    %swap3A_428 = tpu.vector_load %arg7[%swap3A_426, %swap3A_427] {strides = array<i32>} : memref<8x32xi32, #tpu.memory_space<vmem>>, vector<1x16xi32>,
    %swap3A_429 = vector.shape_cast %swap3A_428 : vector<1x16xi32> to vector<16xi32>
    %swap3A_430 = vector.shape_cast %or3A_424 : vector<16xi32> to vector<1x16xi32>
    tpu.vector_store %arg7[%swap3A_426, %swap3A_427], %swap3A_430 {strides = array<i32>} : memref<8x32xi32, #tpu.memory_space<vmem>>, vector<1x16xi32>,
    %get3A_431 = arith.constant 224 : index
    %get3A_432 = tpu.vector_load %arg5[%get3A_431] {strides = array<i32>} : memref<256xi32, #tpu.memory_space<vmem>>, vector<16xi32>,
    %get3A_433 = vector.shape_cast %get3A_432 : vector<16xi32> to vector<16xi32>
    %swap3A_434 = arith.constant 7 : i32
    %swap3A_435 = arith.index_cast %swap3A_434 : i32 to index
    %swap3A_436 = arith.constant 0 : index
    %swap3A_437 = tpu.vector_load %arg6[%swap3A_435, %swap3A_436] {strides = array<i32>} : memref<8x32xi32, #tpu.memory_space<vmem>>, vector<1x16xi32>,
    %swap3A_438 = vector.shape_cast %swap3A_437 : vector<1x16xi32> to vector<16xi32>
    %swap3A_439 = vector.shape_cast %get3A_433 : vector<16xi32> to vector<1x16xi32>
    tpu.vector_store %arg6[%swap3A_435, %swap3A_436], %swap3A_439 {strides = array<i32>} : memref<8x32xi32, #tpu.memory_space<vmem>>, vector<1x16xi32>,
    %add3A_440 = arith.constant 224 : i32
    %add3A_441 = arith.addi %multiple_of3A, %add3A_440 : i32
    %add3A_442 = arith.constant 0 : i32
    %add3A_443 = arith.addi %add3A_441, %add3A_442 : i32
    %add3A_444 = vector.broadcast %add3A_443 : i32 to vector<16xi32>
    %add3A_445 = arith.addi %add3A_444, %iota3A : vector<16xi32>
    %shift_right_arithmetic3A_446 = arith.constant 10 : i32
    %shift_right_arithmetic3A_447 = vector.broadcast %shift_right_arithmetic3A_446 : i32 to vector<16xi32>
    %shift_right_arithmetic3A_448 = arith.shrsi %add3A_445, %shift_right_arithmetic3A_447 : vector<16xi32>
    %shift_left3A_449 = arith.constant 9 : i32
    %shift_left3A_450 = vector.broadcast %shift_left3A_449 : i32 to vector<16xi32>
    %shift_left3A_451 = arith.shli %shift_right_arithmetic3A_448, %shift_left3A_450 : vector<16xi32>
    %and3A_452 = arith.constant 511 : i32
    %and3A_453 = vector.broadcast %and3A_452 : i32 to vector<16xi32>
    %and3A_454 = arith.andi %add3A_445, %and3A_453 : vector<16xi32>
    %or3A_455 = arith.ori %shift_left3A_451, %and3A_454 : vector<16xi32>
    %swap3A_456 = arith.constant 7 : i32
    %swap3A_457 = arith.index_cast %swap3A_456 : i32 to index
    %swap3A_458 = arith.constant 0 : index
    %swap3A_459 = tpu.vector_load %arg7[%swap3A_457, %swap3A_458] {strides = array<i32>} : memref<8x32xi32, #tpu.memory_space<vmem>>, vector<1x16xi32>,
    %swap3A_460 = vector.shape_cast %swap3A_459 : vector<1x16xi32> to vector<16xi32>
    %swap3A_461 = vector.shape_cast %or3A_455 : vector<16xi32> to vector<1x16xi32>
    tpu.vector_store %arg7[%swap3A_457, %swap3A_458], %swap3A_461 {strides = array<i32>} : memref<8x32xi32, #tpu.memory_space<vmem>>, vector<1x16xi32>,
    %get3A_462 = arith.constant 240 : index
    %get3A_463 = tpu.vector_load %arg5[%get3A_462] {strides = array<i32>} : memref<256xi32, #tpu.memory_space<vmem>>, vector<16xi32>,
    %get3A_464 = vector.shape_cast %get3A_463 : vector<16xi32> to vector<16xi32>
    %swap3A_465 = arith.constant 7 : i32
    %swap3A_466 = arith.index_cast %swap3A_465 : i32 to index
    %swap3A_467 = arith.constant 16 : index
    %swap3A_468 = tpu.vector_load %arg6[%swap3A_466, %swap3A_467] {strides = array<i32>} : memref<8x32xi32, #tpu.memory_space<vmem>>, vector<1x16xi32>,
    %swap3A_469 = vector.shape_cast %swap3A_468 : vector<1x16xi32> to vector<16xi32>
    %swap3A_470 = vector.shape_cast %get3A_464 : vector<16xi32> to vector<1x16xi32>
    tpu.vector_store %arg6[%swap3A_466, %swap3A_467], %swap3A_470 {strides = array<i32>} : memref<8x32xi32, #tpu.memory_space<vmem>>, vector<1x16xi32>,
    %add3A_471 = arith.constant 224 : i32
    %add3A_472 = arith.addi %multiple_of3A, %add3A_471 : i32
    %add3A_473 = arith.constant 16 : i32
    %add3A_474 = arith.addi %add3A_472, %add3A_473 : i32
    %add3A_475 = vector.broadcast %add3A_474 : i32 to vector<16xi32>
    %add3A_476 = arith.addi %add3A_475, %iota3A : vector<16xi32>
    %shift_right_arithmetic3A_477 = arith.constant 10 : i32
    %shift_right_arithmetic3A_478 = vector.broadcast %shift_right_arithmetic3A_477 : i32 to vector<16xi32>
    %shift_right_arithmetic3A_479 = arith.shrsi %add3A_476, %shift_right_arithmetic3A_478 : vector<16xi32>
    %shift_left3A_480 = arith.constant 9 : i32
    %shift_left3A_481 = vector.broadcast %shift_left3A_480 : i32 to vector<16xi32>
    %shift_left3A_482 = arith.shli %shift_right_arithmetic3A_479, %shift_left3A_481 : vector<16xi32>
    %and3A_483 = arith.constant 511 : i32
    %and3A_484 = vector.broadcast %and3A_483 : i32 to vector<16xi32>
    %and3A_485 = arith.andi %add3A_476, %and3A_484 : vector<16xi32>
    %or3A_486 = arith.ori %shift_left3A_482, %and3A_485 : vector<16xi32>
    %swap3A_487 = arith.constant 7 : i32
    %swap3A_488 = arith.index_cast %swap3A_487 : i32 to index
    %swap3A_489 = arith.constant 16 : index
    %swap3A_490 = tpu.vector_load %arg7[%swap3A_488, %swap3A_489] {strides = array<i32>} : memref<8x32xi32, #tpu.memory_space<vmem>>, vector<1x16xi32>,
    %swap3A_491 = vector.shape_cast %swap3A_490 : vector<1x16xi32> to vector<16xi32>
    %swap3A_492 = vector.shape_cast %or3A_486 : vector<16xi32> to vector<1x16xi32>
    tpu.vector_store %arg7[%swap3A_488, %swap3A_489], %swap3A_492 {strides = array<i32>} : memref<8x32xi32, #tpu.memory_space<vmem>>, vector<1x16xi32>,
    %dma_start3A = arith.constant 0 : i32
    %dma_start3A_493 = arith.constant 0 : i32
    %dma_start3A_494 = arith.constant 0 : i32
    %dma_start3A_495 = arith.constant 0 : i32
    %dma_start3A_496 = tpu.memref_slice %arg8[%dma_start3A_493, %dma_start3A_494, %dma_start3A_495] : memref<2x32x768xf32, #tpu.memory_space<vmem>> -> memref<1x32x768xf32, #tpu.memory_space<vmem>>
    %dma_start3A_497 = tpu.memref_squeeze %dma_start3A_496 : memref<1x32x768xf32, #tpu.memory_space<vmem>> -> memref<32x768xf32, #tpu.memory_space<vmem>>
    %dma_start3A_498 = arith.constant 0 : i32
    %dma_start3A_499 = tpu.memref_slice %arg7[%dma_start3A, %dma_start3A_498] : memref<8x32xi32, #tpu.memory_space<vmem>> -> memref<1x32xi32, #tpu.memory_space<vmem>>
    %dma_start3A_500 = tpu.memref_squeeze %dma_start3A_499 : memref<1x32xi32, #tpu.memory_space<vmem>> -> memref<32xi32, #tpu.memory_space<vmem>>
    %dma_start3A_501 = arith.constant 0 : i32
    %dma_start3A_502 = arith.constant 0 : i32
    %dma_start3A_503 = tpu.memref_slice %arg3[%dma_start3A_501, %dma_start3A_502] : memref<4096x768xf32, #tpu.memory_space<hbm>> -> memref<4096x768xf32, #tpu.memory_space<hbm>>
    tpu.enqueue_indirect_dma source(%dma_start3A_503 : memref<4096x768xf32, #tpu.memory_space<hbm>>) target(%dma_start3A_497 : memref<32x768xf32, #tpu.memory_space<vmem>>) offsets(%dma_start3A_500 : memref<32xi32, #tpu.memory_space<vmem>>) semaphore(%arg9 : memref<!tpu.dma_semaphore, #tpu.memory_space<semaphore_mem>>)
    %dma_wait3A = arith.constant 0 : i32
    %dma_wait3A_504 = arith.constant 0 : i32
    %dma_wait3A_505 = arith.constant 0 : i32
    %dma_wait3A_506 = arith.constant 0 : i32
    %dma_wait3A_507 = tpu.memref_slice %arg8[%dma_wait3A_504, %dma_wait3A_505, %dma_wait3A_506] : memref<2x32x768xf32, #tpu.memory_space<vmem>> -> memref<1x32x768xf32, #tpu.memory_space<vmem>>
    %dma_wait3A_508 = tpu.memref_squeeze %dma_wait3A_507 : memref<1x32x768xf32, #tpu.memory_space<vmem>> -> memref<32x768xf32, #tpu.memory_space<vmem>>
    %dma_wait3A_509 = arith.constant 0 : i32
    %dma_wait3A_510 = tpu.memref_slice %arg7[%dma_wait3A, %dma_wait3A_509] : memref<8x32xi32, #tpu.memory_space<vmem>> -> memref<1x32xi32, #tpu.memory_space<vmem>>
    %dma_wait3A_511 = tpu.memref_squeeze %dma_wait3A_510 : memref<1x32xi32, #tpu.memory_space<vmem>> -> memref<32xi32, #tpu.memory_space<vmem>>
    %dma_wait3A_512 = arith.constant 0 : i32
    %dma_wait3A_513 = arith.constant 0 : i32
    %dma_wait3A_514 = tpu.memref_slice %arg3[%dma_wait3A_512, %dma_wait3A_513] : memref<4096x768xf32, #tpu.memory_space<hbm>> -> memref<4096x768xf32, #tpu.memory_space<hbm>>
    tpu.wait_indirect_dma semaphore(%arg9 : memref<!tpu.dma_semaphore, #tpu.memory_space<semaphore_mem>>) src(%dma_wait3A_514 : memref<4096x768xf32, #tpu.memory_space<hbm>>) dst(%dma_wait3A_508 : memref<32x768xf32, #tpu.memory_space<vmem>>)
    %dma_start3A_515 = arith.constant 0 : i32
    %dma_start3A_516 = arith.constant 0 : i32
    %dma_start3A_517 = arith.constant 0 : i32
    %dma_start3A_518 = arith.constant 0 : i32
    %dma_start3A_519 = tpu.memref_slice %arg8[%dma_start3A_515, %dma_start3A_517, %dma_start3A_518] : memref<2x32x768xf32, #tpu.memory_space<vmem>> -> memref<1x32x768xf32, #tpu.memory_space<vmem>>
    %dma_start3A_520 = tpu.memref_squeeze %dma_start3A_519 : memref<1x32x768xf32, #tpu.memory_space<vmem>> -> memref<32x768xf32, #tpu.memory_space<vmem>>
    %dma_start3A_521 = arith.constant 0 : i32
    %dma_start3A_522 = tpu.memref_slice %arg6[%dma_start3A_516, %dma_start3A_521] : memref<8x32xi32, #tpu.memory_space<vmem>> -> memref<1x32xi32, #tpu.memory_space<vmem>>
    %dma_start3A_523 = tpu.memref_squeeze %dma_start3A_522 : memref<1x32xi32, #tpu.memory_space<vmem>> -> memref<32xi32, #tpu.memory_space<vmem>>
    %dma_start3A_524 = arith.constant 0 : i32
    %dma_start3A_525 = arith.constant 0 : i32
    %dma_start3A_526 = tpu.memref_slice %arg4[%dma_start3A_524, %dma_start3A_525] : memref<12288x768xf32, #tpu.memory_space<hbm>> -> memref<12288x768xf32, #tpu.memory_space<hbm>>
    tpu.enqueue_indirect_dma source(%dma_start3A_520 : memref<32x768xf32, #tpu.memory_space<vmem>>) target(%dma_start3A_526 : memref<12288x768xf32, #tpu.memory_space<hbm>>) offsets(%dma_start3A_523 : memref<32xi32, #tpu.memory_space<vmem>>) semaphore(%arg10 : memref<!tpu.dma_semaphore, #tpu.memory_space<semaphore_mem>>)
    %dma_start3A_527 = arith.constant 1 : i32
    %dma_start3A_528 = arith.constant 1 : i32
    %dma_start3A_529 = arith.constant 0 : i32
    %dma_start3A_530 = arith.constant 0 : i32
    %dma_start3A_531 = tpu.memref_slice %arg8[%dma_start3A_528, %dma_start3A_529, %dma_start3A_530] : memref<2x32x768xf32, #tpu.memory_space<vmem>> -> memref<1x32x768xf32, #tpu.memory_space<vmem>>
    %dma_start3A_532 = tpu.memref_squeeze %dma_start3A_531 : memref<1x32x768xf32, #tpu.memory_space<vmem>> -> memref<32x768xf32, #tpu.memory_space<vmem>>
    %dma_start3A_533 = arith.constant 0 : i32
    %dma_start3A_534 = tpu.memref_slice %arg7[%dma_start3A_527, %dma_start3A_533] : memref<8x32xi32, #tpu.memory_space<vmem>> -> memref<1x32xi32, #tpu.memory_space<vmem>>
    %dma_start3A_535 = tpu.memref_squeeze %dma_start3A_534 : memref<1x32xi32, #tpu.memory_space<vmem>> -> memref<32xi32, #tpu.memory_space<vmem>>
    %dma_start3A_536 = arith.constant 0 : i32
    %dma_start3A_537 = arith.constant 0 : i32
    %dma_start3A_538 = tpu.memref_slice %arg3[%dma_start3A_536, %dma_start3A_537] : memref<4096x768xf32, #tpu.memory_space<hbm>> -> memref<4096x768xf32, #tpu.memory_space<hbm>>
    tpu.enqueue_indirect_dma source(%dma_start3A_538 : memref<4096x768xf32, #tpu.memory_space<hbm>>) target(%dma_start3A_532 : memref<32x768xf32, #tpu.memory_space<vmem>>) offsets(%dma_start3A_535 : memref<32xi32, #tpu.memory_space<vmem>>) semaphore(%arg9 : memref<!tpu.dma_semaphore, #tpu.memory_space<semaphore_mem>>)
    %dma_wait3A_539 = arith.constant 1 : i32
    %dma_wait3A_540 = arith.constant 1 : i32
    %dma_wait3A_541 = arith.constant 0 : i32
    %dma_wait3A_542 = arith.constant 0 : i32
    %dma_wait3A_543 = tpu.memref_slice %arg8[%dma_wait3A_540, %dma_wait3A_541, %dma_wait3A_542] : memref<2x32x768xf32, #tpu.memory_space<vmem>> -> memref<1x32x768xf32, #tpu.memory_space<vmem>>
    %dma_wait3A_544 = tpu.memref_squeeze %dma_wait3A_543 : memref<1x32x768xf32, #tpu.memory_space<vmem>> -> memref<32x768xf32, #tpu.memory_space<vmem>>
    %dma_wait3A_545 = arith.constant 0 : i32
    %dma_wait3A_546 = tpu.memref_slice %arg7[%dma_wait3A_539, %dma_wait3A_545] : memref<8x32xi32, #tpu.memory_space<vmem>> -> memref<1x32xi32, #tpu.memory_space<vmem>>
    %dma_wait3A_547 = tpu.memref_squeeze %dma_wait3A_546 : memref<1x32xi32, #tpu.memory_space<vmem>> -> memref<32xi32, #tpu.memory_space<vmem>>
    %dma_wait3A_548 = arith.constant 0 : i32
    %dma_wait3A_549 = arith.constant 0 : i32
    %dma_wait3A_550 = tpu.memref_slice %arg3[%dma_wait3A_548, %dma_wait3A_549] : memref<4096x768xf32, #tpu.memory_space<hbm>> -> memref<4096x768xf32, #tpu.memory_space<hbm>>
    tpu.wait_indirect_dma semaphore(%arg9 : memref<!tpu.dma_semaphore, #tpu.memory_space<semaphore_mem>>) src(%dma_wait3A_550 : memref<4096x768xf32, #tpu.memory_space<hbm>>) dst(%dma_wait3A_544 : memref<32x768xf32, #tpu.memory_space<vmem>>)
    %dma_start3A_551 = arith.constant 1 : i32
    %dma_start3A_552 = arith.constant 1 : i32
    %dma_start3A_553 = arith.constant 0 : i32
    %dma_start3A_554 = arith.constant 0 : i32
    %dma_start3A_555 = tpu.memref_slice %arg8[%dma_start3A_551, %dma_start3A_553, %dma_start3A_554] : memref<2x32x768xf32, #tpu.memory_space<vmem>> -> memref<1x32x768xf32, #tpu.memory_space<vmem>>
    %dma_start3A_556 = tpu.memref_squeeze %dma_start3A_555 : memref<1x32x768xf32, #tpu.memory_space<vmem>> -> memref<32x768xf32, #tpu.memory_space<vmem>>
    %dma_start3A_557 = arith.constant 0 : i32
    %dma_start3A_558 = tpu.memref_slice %arg6[%dma_start3A_552, %dma_start3A_557] : memref<8x32xi32, #tpu.memory_space<vmem>> -> memref<1x32xi32, #tpu.memory_space<vmem>>
    %dma_start3A_559 = tpu.memref_squeeze %dma_start3A_558 : memref<1x32xi32, #tpu.memory_space<vmem>> -> memref<32xi32, #tpu.memory_space<vmem>>
    %dma_start3A_560 = arith.constant 0 : i32
    %dma_start3A_561 = arith.constant 0 : i32
    %dma_start3A_562 = tpu.memref_slice %arg4[%dma_start3A_560, %dma_start3A_561] : memref<12288x768xf32, #tpu.memory_space<hbm>> -> memref<12288x768xf32, #tpu.memory_space<hbm>>
    tpu.enqueue_indirect_dma source(%dma_start3A_556 : memref<32x768xf32, #tpu.memory_space<vmem>>) target(%dma_start3A_562 : memref<12288x768xf32, #tpu.memory_space<hbm>>) offsets(%dma_start3A_559 : memref<32xi32, #tpu.memory_space<vmem>>) semaphore(%arg11 : memref<!tpu.dma_semaphore, #tpu.memory_space<semaphore_mem>>)
    %dma_wait3A_563 = arith.constant 0 : i32
    %dma_wait3A_564 = arith.constant 0 : i32
    %dma_wait3A_565 = arith.constant 0 : i32
    %dma_wait3A_566 = arith.constant 0 : i32
    %dma_wait3A_567 = tpu.memref_slice %arg8[%dma_wait3A_563, %dma_wait3A_565, %dma_wait3A_566] : memref<2x32x768xf32, #tpu.memory_space<vmem>> -> memref<1x32x768xf32, #tpu.memory_space<vmem>>
    %dma_wait3A_568 = tpu.memref_squeeze %dma_wait3A_567 : memref<1x32x768xf32, #tpu.memory_space<vmem>> -> memref<32x768xf32, #tpu.memory_space<vmem>>
    %dma_wait3A_569 = arith.constant 0 : i32
    %dma_wait3A_570 = tpu.memref_slice %arg6[%dma_wait3A_564, %dma_wait3A_569] : memref<8x32xi32, #tpu.memory_space<vmem>> -> memref<1x32xi32, #tpu.memory_space<vmem>>
    %dma_wait3A_571 = tpu.memref_squeeze %dma_wait3A_570 : memref<1x32xi32, #tpu.memory_space<vmem>> -> memref<32xi32, #tpu.memory_space<vmem>>
    %dma_wait3A_572 = arith.constant 0 : i32
    %dma_wait3A_573 = arith.constant 0 : i32
    %dma_wait3A_574 = tpu.memref_slice %arg4[%dma_wait3A_572, %dma_wait3A_573] : memref<12288x768xf32, #tpu.memory_space<hbm>> -> memref<12288x768xf32, #tpu.memory_space<hbm>>
    tpu.wait_indirect_dma semaphore(%arg10 : memref<!tpu.dma_semaphore, #tpu.memory_space<semaphore_mem>>) src(%dma_wait3A_568 : memref<32x768xf32, #tpu.memory_space<vmem>>) dst(%dma_wait3A_574 : memref<12288x768xf32, #tpu.memory_space<hbm>>)
    %dma_start3A_575 = arith.constant 2 : i32
    %dma_start3A_576 = arith.constant 0 : i32
    %dma_start3A_577 = arith.constant 0 : i32
    %dma_start3A_578 = arith.constant 0 : i32
    %dma_start3A_579 = tpu.memref_slice %arg8[%dma_start3A_576, %dma_start3A_577, %dma_start3A_578] : memref<2x32x768xf32, #tpu.memory_space<vmem>> -> memref<1x32x768xf32, #tpu.memory_space<vmem>>
    %dma_start3A_580 = tpu.memref_squeeze %dma_start3A_579 : memref<1x32x768xf32, #tpu.memory_space<vmem>> -> memref<32x768xf32, #tpu.memory_space<vmem>>
    %dma_start3A_581 = arith.constant 0 : i32
    %dma_start3A_582 = tpu.memref_slice %arg7[%dma_start3A_575, %dma_start3A_581] : memref<8x32xi32, #tpu.memory_space<vmem>> -> memref<1x32xi32, #tpu.memory_space<vmem>>
    %dma_start3A_583 = tpu.memref_squeeze %dma_start3A_582 : memref<1x32xi32, #tpu.memory_space<vmem>> -> memref<32xi32, #tpu.memory_space<vmem>>
    %dma_start3A_584 = arith.constant 0 : i32
    %dma_start3A_585 = arith.constant 0 : i32
    %dma_start3A_586 = tpu.memref_slice %arg3[%dma_start3A_584, %dma_start3A_585] : memref<4096x768xf32, #tpu.memory_space<hbm>> -> memref<4096x768xf32, #tpu.memory_space<hbm>>
    tpu.enqueue_indirect_dma source(%dma_start3A_586 : memref<4096x768xf32, #tpu.memory_space<hbm>>) target(%dma_start3A_580 : memref<32x768xf32, #tpu.memory_space<vmem>>) offsets(%dma_start3A_583 : memref<32xi32, #tpu.memory_space<vmem>>) semaphore(%arg9 : memref<!tpu.dma_semaphore, #tpu.memory_space<semaphore_mem>>)
    %dma_wait3A_587 = arith.constant 2 : i32
    %dma_wait3A_588 = arith.constant 0 : i32
    %dma_wait3A_589 = arith.constant 0 : i32
    %dma_wait3A_590 = arith.constant 0 : i32
    %dma_wait3A_591 = tpu.memref_slice %arg8[%dma_wait3A_588, %dma_wait3A_589, %dma_wait3A_590] : memref<2x32x768xf32, #tpu.memory_space<vmem>> -> memref<1x32x768xf32, #tpu.memory_space<vmem>>
    %dma_wait3A_592 = tpu.memref_squeeze %dma_wait3A_591 : memref<1x32x768xf32, #tpu.memory_space<vmem>> -> memref<32x768xf32, #tpu.memory_space<vmem>>
    %dma_wait3A_593 = arith.constant 0 : i32
    %dma_wait3A_594 = tpu.memref_slice %arg7[%dma_wait3A_587, %dma_wait3A_593] : memref<8x32xi32, #tpu.memory_space<vmem>> -> memref<1x32xi32, #tpu.memory_space<vmem>>
    %dma_wait3A_595 = tpu.memref_squeeze %dma_wait3A_594 : memref<1x32xi32, #tpu.memory_space<vmem>> -> memref<32xi32, #tpu.memory_space<vmem>>
    %dma_wait3A_596 = arith.constant 0 : i32
    %dma_wait3A_597 = arith.constant 0 : i32
    %dma_wait3A_598 = tpu.memref_slice %arg3[%dma_wait3A_596, %dma_wait3A_597] : memref<4096x768xf32, #tpu.memory_space<hbm>> -> memref<4096x768xf32, #tpu.memory_space<hbm>>
    tpu.wait_indirect_dma semaphore(%arg9 : memref<!tpu.dma_semaphore, #tpu.memory_space<semaphore_mem>>) src(%dma_wait3A_598 : memref<4096x768xf32, #tpu.memory_space<hbm>>) dst(%dma_wait3A_592 : memref<32x768xf32, #tpu.memory_space<vmem>>)
    %dma_start3A_599 = arith.constant 0 : i32
    %dma_start3A_600 = arith.constant 2 : i32
    %dma_start3A_601 = arith.constant 0 : i32
    %dma_start3A_602 = arith.constant 0 : i32
    %dma_start3A_603 = tpu.memref_slice %arg8[%dma_start3A_599, %dma_start3A_601, %dma_start3A_602] : memref<2x32x768xf32, #tpu.memory_space<vmem>> -> memref<1x32x768xf32, #tpu.memory_space<vmem>>
    %dma_start3A_604 = tpu.memref_squeeze %dma_start3A_603 : memref<1x32x768xf32, #tpu.memory_space<vmem>> -> memref<32x768xf32, #tpu.memory_space<vmem>>
    %dma_start3A_605 = arith.constant 0 : i32
    %dma_start3A_606 = tpu.memref_slice %arg6[%dma_start3A_600, %dma_start3A_605] : memref<8x32xi32, #tpu.memory_space<vmem>> -> memref<1x32xi32, #tpu.memory_space<vmem>>
    %dma_start3A_607 = tpu.memref_squeeze %dma_start3A_606 : memref<1x32xi32, #tpu.memory_space<vmem>> -> memref<32xi32, #tpu.memory_space<vmem>>
    %dma_start3A_608 = arith.constant 0 : i32
    %dma_start3A_609 = arith.constant 0 : i32
    %dma_start3A_610 = tpu.memref_slice %arg4[%dma_start3A_608, %dma_start3A_609] : memref<12288x768xf32, #tpu.memory_space<hbm>> -> memref<12288x768xf32, #tpu.memory_space<hbm>>
    tpu.enqueue_indirect_dma source(%dma_start3A_604 : memref<32x768xf32, #tpu.memory_space<vmem>>) target(%dma_start3A_610 : memref<12288x768xf32, #tpu.memory_space<hbm>>) offsets(%dma_start3A_607 : memref<32xi32, #tpu.memory_space<vmem>>) semaphore(%arg10 : memref<!tpu.dma_semaphore, #tpu.memory_space<semaphore_mem>>)
    %dma_wait3A_611 = arith.constant 1 : i32
    %dma_wait3A_612 = arith.constant 1 : i32
    %dma_wait3A_613 = arith.constant 0 : i32
    %dma_wait3A_614 = arith.constant 0 : i32
    %dma_wait3A_615 = tpu.memref_slice %arg8[%dma_wait3A_611, %dma_wait3A_613, %dma_wait3A_614] : memref<2x32x768xf32, #tpu.memory_space<vmem>> -> memref<1x32x768xf32, #tpu.memory_space<vmem>>
    %dma_wait3A_616 = tpu.memref_squeeze %dma_wait3A_615 : memref<1x32x768xf32, #tpu.memory_space<vmem>> -> memref<32x768xf32, #tpu.memory_space<vmem>>
    %dma_wait3A_617 = arith.constant 0 : i32
    %dma_wait3A_618 = tpu.memref_slice %arg6[%dma_wait3A_612, %dma_wait3A_617] : memref<8x32xi32, #tpu.memory_space<vmem>> -> memref<1x32xi32, #tpu.memory_space<vmem>>
    %dma_wait3A_619 = tpu.memref_squeeze %dma_wait3A_618 : memref<1x32xi32, #tpu.memory_space<vmem>> -> memref<32xi32, #tpu.memory_space<vmem>>
    %dma_wait3A_620 = arith.constant 0 : i32
    %dma_wait3A_621 = arith.constant 0 : i32
    %dma_wait3A_622 = tpu.memref_slice %arg4[%dma_wait3A_620, %dma_wait3A_621] : memref<12288x768xf32, #tpu.memory_space<hbm>> -> memref<12288x768xf32, #tpu.memory_space<hbm>>
    tpu.wait_indirect_dma semaphore(%arg11 : memref<!tpu.dma_semaphore, #tpu.memory_space<semaphore_mem>>) src(%dma_wait3A_616 : memref<32x768xf32, #tpu.memory_space<vmem>>) dst(%dma_wait3A_622 : memref<12288x768xf32, #tpu.memory_space<hbm>>)
    %dma_start3A_623 = arith.constant 3 : i32
    %dma_start3A_624 = arith.constant 1 : i32
    %dma_start3A_625 = arith.constant 0 : i32
    %dma_start3A_626 = arith.constant 0 : i32
    %dma_start3A_627 = tpu.memref_slice %arg8[%dma_start3A_624, %dma_start3A_625, %dma_start3A_626] : memref<2x32x768xf32, #tpu.memory_space<vmem>> -> memref<1x32x768xf32, #tpu.memory_space<vmem>>
    %dma_start3A_628 = tpu.memref_squeeze %dma_start3A_627 : memref<1x32x768xf32, #tpu.memory_space<vmem>> -> memref<32x768xf32, #tpu.memory_space<vmem>>
    %dma_start3A_629 = arith.constant 0 : i32
    %dma_start3A_630 = tpu.memref_slice %arg7[%dma_start3A_623, %dma_start3A_629] : memref<8x32xi32, #tpu.memory_space<vmem>> -> memref<1x32xi32, #tpu.memory_space<vmem>>
    %dma_start3A_631 = tpu.memref_squeeze %dma_start3A_630 : memref<1x32xi32, #tpu.memory_space<vmem>> -> memref<32xi32, #tpu.memory_space<vmem>>
    %dma_start3A_632 = arith.constant 0 : i32
    %dma_start3A_633 = arith.constant 0 : i32
    %dma_start3A_634 = tpu.memref_slice %arg3[%dma_start3A_632, %dma_start3A_633] : memref<4096x768xf32, #tpu.memory_space<hbm>> -> memref<4096x768xf32, #tpu.memory_space<hbm>>
    tpu.enqueue_indirect_dma source(%dma_start3A_634 : memref<4096x768xf32, #tpu.memory_space<hbm>>) target(%dma_start3A_628 : memref<32x768xf32, #tpu.memory_space<vmem>>) offsets(%dma_start3A_631 : memref<32xi32, #tpu.memory_space<vmem>>) semaphore(%arg9 : memref<!tpu.dma_semaphore, #tpu.memory_space<semaphore_mem>>)
    %dma_wait3A_635 = arith.constant 3 : i32
    %dma_wait3A_636 = arith.constant 1 : i32
    %dma_wait3A_637 = arith.constant 0 : i32
    %dma_wait3A_638 = arith.constant 0 : i32
    %dma_wait3A_639 = tpu.memref_slice %arg8[%dma_wait3A_636, %dma_wait3A_637, %dma_wait3A_638] : memref<2x32x768xf32, #tpu.memory_space<vmem>> -> memref<1x32x768xf32, #tpu.memory_space<vmem>>
    %dma_wait3A_640 = tpu.memref_squeeze %dma_wait3A_639 : memref<1x32x768xf32, #tpu.memory_space<vmem>> -> memref<32x768xf32, #tpu.memory_space<vmem>>
    %dma_wait3A_641 = arith.constant 0 : i32
    %dma_wait3A_642 = tpu.memref_slice %arg7[%dma_wait3A_635, %dma_wait3A_641] : memref<8x32xi32, #tpu.memory_space<vmem>> -> memref<1x32xi32, #tpu.memory_space<vmem>>
    %dma_wait3A_643 = tpu.memref_squeeze %dma_wait3A_642 : memref<1x32xi32, #tpu.memory_space<vmem>> -> memref<32xi32, #tpu.memory_space<vmem>>
    %dma_wait3A_644 = arith.constant 0 : i32
    %dma_wait3A_645 = arith.constant 0 : i32
    %dma_wait3A_646 = tpu.memref_slice %arg3[%dma_wait3A_644, %dma_wait3A_645] : memref<4096x768xf32, #tpu.memory_space<hbm>> -> memref<4096x768xf32, #tpu.memory_space<hbm>>
    tpu.wait_indirect_dma semaphore(%arg9 : memref<!tpu.dma_semaphore, #tpu.memory_space<semaphore_mem>>) src(%dma_wait3A_646 : memref<4096x768xf32, #tpu.memory_space<hbm>>) dst(%dma_wait3A_640 : memref<32x768xf32, #tpu.memory_space<vmem>>)
    %dma_start3A_647 = arith.constant 1 : i32
    %dma_start3A_648 = arith.constant 3 : i32
    %dma_start3A_649 = arith.constant 0 : i32
    %dma_start3A_650 = arith.constant 0 : i32
    %dma_start3A_651 = tpu.memref_slice %arg8[%dma_start3A_647, %dma_start3A_649, %dma_start3A_650] : memref<2x32x768xf32, #tpu.memory_space<vmem>> -> memref<1x32x768xf32, #tpu.memory_space<vmem>>
    %dma_start3A_652 = tpu.memref_squeeze %dma_start3A_651 : memref<1x32x768xf32, #tpu.memory_space<vmem>> -> memref<32x768xf32, #tpu.memory_space<vmem>>
    %dma_start3A_653 = arith.constant 0 : i32
    %dma_start3A_654 = tpu.memref_slice %arg6[%dma_start3A_648, %dma_start3A_653] : memref<8x32xi32, #tpu.memory_space<vmem>> -> memref<1x32xi32, #tpu.memory_space<vmem>>
    %dma_start3A_655 = tpu.memref_squeeze %dma_start3A_654 : memref<1x32xi32, #tpu.memory_space<vmem>> -> memref<32xi32, #tpu.memory_space<vmem>>
    %dma_start3A_656 = arith.constant 0 : i32
    %dma_start3A_657 = arith.constant 0 : i32
    %dma_start3A_658 = tpu.memref_slice %arg4[%dma_start3A_656, %dma_start3A_657] : memref<12288x768xf32, #tpu.memory_space<hbm>> -> memref<12288x768xf32, #tpu.memory_space<hbm>>
    tpu.enqueue_indirect_dma source(%dma_start3A_652 : memref<32x768xf32, #tpu.memory_space<vmem>>) target(%dma_start3A_658 : memref<12288x768xf32, #tpu.memory_space<hbm>>) offsets(%dma_start3A_655 : memref<32xi32, #tpu.memory_space<vmem>>) semaphore(%arg11 : memref<!tpu.dma_semaphore, #tpu.memory_space<semaphore_mem>>)
    %dma_wait3A_659 = arith.constant 0 : i32
    %dma_wait3A_660 = arith.constant 2 : i32
    %dma_wait3A_661 = arith.constant 0 : i32
    %dma_wait3A_662 = arith.constant 0 : i32
    %dma_wait3A_663 = tpu.memref_slice %arg8[%dma_wait3A_659, %dma_wait3A_661, %dma_wait3A_662] : memref<2x32x768xf32, #tpu.memory_space<vmem>> -> memref<1x32x768xf32, #tpu.memory_space<vmem>>
    %dma_wait3A_664 = tpu.memref_squeeze %dma_wait3A_663 : memref<1x32x768xf32, #tpu.memory_space<vmem>> -> memref<32x768xf32, #tpu.memory_space<vmem>>
    %dma_wait3A_665 = arith.constant 0 : i32
    %dma_wait3A_666 = tpu.memref_slice %arg6[%dma_wait3A_660, %dma_wait3A_665] : memref<8x32xi32, #tpu.memory_space<vmem>> -> memref<1x32xi32, #tpu.memory_space<vmem>>
    %dma_wait3A_667 = tpu.memref_squeeze %dma_wait3A_666 : memref<1x32xi32, #tpu.memory_space<vmem>> -> memref<32xi32, #tpu.memory_space<vmem>>
    %dma_wait3A_668 = arith.constant 0 : i32
    %dma_wait3A_669 = arith.constant 0 : i32
    %dma_wait3A_670 = tpu.memref_slice %arg4[%dma_wait3A_668, %dma_wait3A_669] : memref<12288x768xf32, #tpu.memory_space<hbm>> -> memref<12288x768xf32, #tpu.memory_space<hbm>>
    tpu.wait_indirect_dma semaphore(%arg10 : memref<!tpu.dma_semaphore, #tpu.memory_space<semaphore_mem>>) src(%dma_wait3A_664 : memref<32x768xf32, #tpu.memory_space<vmem>>) dst(%dma_wait3A_670 : memref<12288x768xf32, #tpu.memory_space<hbm>>)
    %dma_start3A_671 = arith.constant 4 : i32
    %dma_start3A_672 = arith.constant 0 : i32
    %dma_start3A_673 = arith.constant 0 : i32
    %dma_start3A_674 = arith.constant 0 : i32
    %dma_start3A_675 = tpu.memref_slice %arg8[%dma_start3A_672, %dma_start3A_673, %dma_start3A_674] : memref<2x32x768xf32, #tpu.memory_space<vmem>> -> memref<1x32x768xf32, #tpu.memory_space<vmem>>
    %dma_start3A_676 = tpu.memref_squeeze %dma_start3A_675 : memref<1x32x768xf32, #tpu.memory_space<vmem>> -> memref<32x768xf32, #tpu.memory_space<vmem>>
    %dma_start3A_677 = arith.constant 0 : i32
    %dma_start3A_678 = tpu.memref_slice %arg7[%dma_start3A_671, %dma_start3A_677] : memref<8x32xi32, #tpu.memory_space<vmem>> -> memref<1x32xi32, #tpu.memory_space<vmem>>
    %dma_start3A_679 = tpu.memref_squeeze %dma_start3A_678 : memref<1x32xi32, #tpu.memory_space<vmem>> -> memref<32xi32, #tpu.memory_space<vmem>>
    %dma_start3A_680 = arith.constant 0 : i32
    %dma_start3A_681 = arith.constant 0 : i32
    %dma_start3A_682 = tpu.memref_slice %arg3[%dma_start3A_680, %dma_start3A_681] : memref<4096x768xf32, #tpu.memory_space<hbm>> -> memref<4096x768xf32, #tpu.memory_space<hbm>>
    tpu.enqueue_indirect_dma source(%dma_start3A_682 : memref<4096x768xf32, #tpu.memory_space<hbm>>) target(%dma_start3A_676 : memref<32x768xf32, #tpu.memory_space<vmem>>) offsets(%dma_start3A_679 : memref<32xi32, #tpu.memory_space<vmem>>) semaphore(%arg9 : memref<!tpu.dma_semaphore, #tpu.memory_space<semaphore_mem>>)
    %dma_wait3A_683 = arith.constant 4 : i32
    %dma_wait3A_684 = arith.constant 0 : i32
    %dma_wait3A_685 = arith.constant 0 : i32
    %dma_wait3A_686 = arith.constant 0 : i32
    %dma_wait3A_687 = tpu.memref_slice %arg8[%dma_wait3A_684, %dma_wait3A_685, %dma_wait3A_686] : memref<2x32x768xf32, #tpu.memory_space<vmem>> -> memref<1x32x768xf32, #tpu.memory_space<vmem>>
    %dma_wait3A_688 = tpu.memref_squeeze %dma_wait3A_687 : memref<1x32x768xf32, #tpu.memory_space<vmem>> -> memref<32x768xf32, #tpu.memory_space<vmem>>
    %dma_wait3A_689 = arith.constant 0 : i32
    %dma_wait3A_690 = tpu.memref_slice %arg7[%dma_wait3A_683, %dma_wait3A_689] : memref<8x32xi32, #tpu.memory_space<vmem>> -> memref<1x32xi32, #tpu.memory_space<vmem>>
    %dma_wait3A_691 = tpu.memref_squeeze %dma_wait3A_690 : memref<1x32xi32, #tpu.memory_space<vmem>> -> memref<32xi32, #tpu.memory_space<vmem>>
    %dma_wait3A_692 = arith.constant 0 : i32
    %dma_wait3A_693 = arith.constant 0 : i32
    %dma_wait3A_694 = tpu.memref_slice %arg3[%dma_wait3A_692, %dma_wait3A_693] : memref<4096x768xf32, #tpu.memory_space<hbm>> -> memref<4096x768xf32, #tpu.memory_space<hbm>>
    tpu.wait_indirect_dma semaphore(%arg9 : memref<!tpu.dma_semaphore, #tpu.memory_space<semaphore_mem>>) src(%dma_wait3A_694 : memref<4096x768xf32, #tpu.memory_space<hbm>>) dst(%dma_wait3A_688 : memref<32x768xf32, #tpu.memory_space<vmem>>)
    %dma_start3A_695 = arith.constant 0 : i32
    %dma_start3A_696 = arith.constant 4 : i32
    %dma_start3A_697 = arith.constant 0 : i32
    %dma_start3A_698 = arith.constant 0 : i32
    %dma_start3A_699 = tpu.memref_slice %arg8[%dma_start3A_695, %dma_start3A_697, %dma_start3A_698] : memref<2x32x768xf32, #tpu.memory_space<vmem>> -> memref<1x32x768xf32, #tpu.memory_space<vmem>>
    %dma_start3A_700 = tpu.memref_squeeze %dma_start3A_699 : memref<1x32x768xf32, #tpu.memory_space<vmem>> -> memref<32x768xf32, #tpu.memory_space<vmem>>
    %dma_start3A_701 = arith.constant 0 : i32
    %dma_start3A_702 = tpu.memref_slice %arg6[%dma_start3A_696, %dma_start3A_701] : memref<8x32xi32, #tpu.memory_space<vmem>> -> memref<1x32xi32, #tpu.memory_space<vmem>>
    %dma_start3A_703 = tpu.memref_squeeze %dma_start3A_702 : memref<1x32xi32, #tpu.memory_space<vmem>> -> memref<32xi32, #tpu.memory_space<vmem>>
    %dma_start3A_704 = arith.constant 0 : i32
    %dma_start3A_705 = arith.constant 0 : i32
    %dma_start3A_706 = tpu.memref_slice %arg4[%dma_start3A_704, %dma_start3A_705] : memref<12288x768xf32, #tpu.memory_space<hbm>> -> memref<12288x768xf32, #tpu.memory_space<hbm>>
    tpu.enqueue_indirect_dma source(%dma_start3A_700 : memref<32x768xf32, #tpu.memory_space<vmem>>) target(%dma_start3A_706 : memref<12288x768xf32, #tpu.memory_space<hbm>>) offsets(%dma_start3A_703 : memref<32xi32, #tpu.memory_space<vmem>>) semaphore(%arg10 : memref<!tpu.dma_semaphore, #tpu.memory_space<semaphore_mem>>)
    %dma_wait3A_707 = arith.constant 1 : i32
    %dma_wait3A_708 = arith.constant 3 : i32
    %dma_wait3A_709 = arith.constant 0 : i32
    %dma_wait3A_710 = arith.constant 0 : i32
    %dma_wait3A_711 = tpu.memref_slice %arg8[%dma_wait3A_707, %dma_wait3A_709, %dma_wait3A_710] : memref<2x32x768xf32, #tpu.memory_space<vmem>> -> memref<1x32x768xf32, #tpu.memory_space<vmem>>
    %dma_wait3A_712 = tpu.memref_squeeze %dma_wait3A_711 : memref<1x32x768xf32, #tpu.memory_space<vmem>> -> memref<32x768xf32, #tpu.memory_space<vmem>>
    %dma_wait3A_713 = arith.constant 0 : i32
    %dma_wait3A_714 = tpu.memref_slice %arg6[%dma_wait3A_708, %dma_wait3A_713] : memref<8x32xi32, #tpu.memory_space<vmem>> -> memref<1x32xi32, #tpu.memory_space<vmem>>
    %dma_wait3A_715 = tpu.memref_squeeze %dma_wait3A_714 : memref<1x32xi32, #tpu.memory_space<vmem>> -> memref<32xi32, #tpu.memory_space<vmem>>
    %dma_wait3A_716 = arith.constant 0 : i32
    %dma_wait3A_717 = arith.constant 0 : i32
    %dma_wait3A_718 = tpu.memref_slice %arg4[%dma_wait3A_716, %dma_wait3A_717] : memref<12288x768xf32, #tpu.memory_space<hbm>> -> memref<12288x768xf32, #tpu.memory_space<hbm>>
    tpu.wait_indirect_dma semaphore(%arg11 : memref<!tpu.dma_semaphore, #tpu.memory_space<semaphore_mem>>) src(%dma_wait3A_712 : memref<32x768xf32, #tpu.memory_space<vmem>>) dst(%dma_wait3A_718 : memref<12288x768xf32, #tpu.memory_space<hbm>>)
    %dma_start3A_719 = arith.constant 5 : i32
    %dma_start3A_720 = arith.constant 1 : i32
    %dma_start3A_721 = arith.constant 0 : i32
    %dma_start3A_722 = arith.constant 0 : i32
    %dma_start3A_723 = tpu.memref_slice %arg8[%dma_start3A_720, %dma_start3A_721, %dma_start3A_722] : memref<2x32x768xf32, #tpu.memory_space<vmem>> -> memref<1x32x768xf32, #tpu.memory_space<vmem>>
    %dma_start3A_724 = tpu.memref_squeeze %dma_start3A_723 : memref<1x32x768xf32, #tpu.memory_space<vmem>> -> memref<32x768xf32, #tpu.memory_space<vmem>>
    %dma_start3A_725 = arith.constant 0 : i32
    %dma_start3A_726 = tpu.memref_slice %arg7[%dma_start3A_719, %dma_start3A_725] : memref<8x32xi32, #tpu.memory_space<vmem>> -> memref<1x32xi32, #tpu.memory_space<vmem>>
    %dma_start3A_727 = tpu.memref_squeeze %dma_start3A_726 : memref<1x32xi32, #tpu.memory_space<vmem>> -> memref<32xi32, #tpu.memory_space<vmem>>
    %dma_start3A_728 = arith.constant 0 : i32
    %dma_start3A_729 = arith.constant 0 : i32
    %dma_start3A_730 = tpu.memref_slice %arg3[%dma_start3A_728, %dma_start3A_729] : memref<4096x768xf32, #tpu.memory_space<hbm>> -> memref<4096x768xf32, #tpu.memory_space<hbm>>
    tpu.enqueue_indirect_dma source(%dma_start3A_730 : memref<4096x768xf32, #tpu.memory_space<hbm>>) target(%dma_start3A_724 : memref<32x768xf32, #tpu.memory_space<vmem>>) offsets(%dma_start3A_727 : memref<32xi32, #tpu.memory_space<vmem>>) semaphore(%arg9 : memref<!tpu.dma_semaphore, #tpu.memory_space<semaphore_mem>>)
    %dma_wait3A_731 = arith.constant 5 : i32
    %dma_wait3A_732 = arith.constant 1 : i32
    %dma_wait3A_733 = arith.constant 0 : i32
    %dma_wait3A_734 = arith.constant 0 : i32
    %dma_wait3A_735 = tpu.memref_slice %arg8[%dma_wait3A_732, %dma_wait3A_733, %dma_wait3A_734] : memref<2x32x768xf32, #tpu.memory_space<vmem>> -> memref<1x32x768xf32, #tpu.memory_space<vmem>>
    %dma_wait3A_736 = tpu.memref_squeeze %dma_wait3A_735 : memref<1x32x768xf32, #tpu.memory_space<vmem>> -> memref<32x768xf32, #tpu.memory_space<vmem>>
    %dma_wait3A_737 = arith.constant 0 : i32
    %dma_wait3A_738 = tpu.memref_slice %arg7[%dma_wait3A_731, %dma_wait3A_737] : memref<8x32xi32, #tpu.memory_space<vmem>> -> memref<1x32xi32, #tpu.memory_space<vmem>>
    %dma_wait3A_739 = tpu.memref_squeeze %dma_wait3A_738 : memref<1x32xi32, #tpu.memory_space<vmem>> -> memref<32xi32, #tpu.memory_space<vmem>>
    %dma_wait3A_740 = arith.constant 0 : i32
    %dma_wait3A_741 = arith.constant 0 : i32
    %dma_wait3A_742 = tpu.memref_slice %arg3[%dma_wait3A_740, %dma_wait3A_741] : memref<4096x768xf32, #tpu.memory_space<hbm>> -> memref<4096x768xf32, #tpu.memory_space<hbm>>
    tpu.wait_indirect_dma semaphore(%arg9 : memref<!tpu.dma_semaphore, #tpu.memory_space<semaphore_mem>>) src(%dma_wait3A_742 : memref<4096x768xf32, #tpu.memory_space<hbm>>) dst(%dma_wait3A_736 : memref<32x768xf32, #tpu.memory_space<vmem>>)
    %dma_start3A_743 = arith.constant 1 : i32
    %dma_start3A_744 = arith.constant 5 : i32
    %dma_start3A_745 = arith.constant 0 : i32
    %dma_start3A_746 = arith.constant 0 : i32
    %dma_start3A_747 = tpu.memref_slice %arg8[%dma_start3A_743, %dma_start3A_745, %dma_start3A_746] : memref<2x32x768xf32, #tpu.memory_space<vmem>> -> memref<1x32x768xf32, #tpu.memory_space<vmem>>
    %dma_start3A_748 = tpu.memref_squeeze %dma_start3A_747 : memref<1x32x768xf32, #tpu.memory_space<vmem>> -> memref<32x768xf32, #tpu.memory_space<vmem>>
    %dma_start3A_749 = arith.constant 0 : i32
    %dma_start3A_750 = tpu.memref_slice %arg6[%dma_start3A_744, %dma_start3A_749] : memref<8x32xi32, #tpu.memory_space<vmem>> -> memref<1x32xi32, #tpu.memory_space<vmem>>
    %dma_start3A_751 = tpu.memref_squeeze %dma_start3A_750 : memref<1x32xi32, #tpu.memory_space<vmem>> -> memref<32xi32, #tpu.memory_space<vmem>>
    %dma_start3A_752 = arith.constant 0 : i32
    %dma_start3A_753 = arith.constant 0 : i32
    %dma_start3A_754 = tpu.memref_slice %arg4[%dma_start3A_752, %dma_start3A_753] : memref<12288x768xf32, #tpu.memory_space<hbm>> -> memref<12288x768xf32, #tpu.memory_space<hbm>>
    tpu.enqueue_indirect_dma source(%dma_start3A_748 : memref<32x768xf32, #tpu.memory_space<vmem>>) target(%dma_start3A_754 : memref<12288x768xf32, #tpu.memory_space<hbm>>) offsets(%dma_start3A_751 : memref<32xi32, #tpu.memory_space<vmem>>) semaphore(%arg11 : memref<!tpu.dma_semaphore, #tpu.memory_space<semaphore_mem>>)
    %dma_wait3A_755 = arith.constant 0 : i32
    %dma_wait3A_756 = arith.constant 4 : i32
    %dma_wait3A_757 = arith.constant 0 : i32
    %dma_wait3A_758 = arith.constant 0 : i32
    %dma_wait3A_759 = tpu.memref_slice %arg8[%dma_wait3A_755, %dma_wait3A_757, %dma_wait3A_758] : memref<2x32x768xf32, #tpu.memory_space<vmem>> -> memref<1x32x768xf32, #tpu.memory_space<vmem>>
    %dma_wait3A_760 = tpu.memref_squeeze %dma_wait3A_759 : memref<1x32x768xf32, #tpu.memory_space<vmem>> -> memref<32x768xf32, #tpu.memory_space<vmem>>
    %dma_wait3A_761 = arith.constant 0 : i32
    %dma_wait3A_762 = tpu.memref_slice %arg6[%dma_wait3A_756, %dma_wait3A_761] : memref<8x32xi32, #tpu.memory_space<vmem>> -> memref<1x32xi32, #tpu.memory_space<vmem>>
    %dma_wait3A_763 = tpu.memref_squeeze %dma_wait3A_762 : memref<1x32xi32, #tpu.memory_space<vmem>> -> memref<32xi32, #tpu.memory_space<vmem>>
    %dma_wait3A_764 = arith.constant 0 : i32
    %dma_wait3A_765 = arith.constant 0 : i32
    %dma_wait3A_766 = tpu.memref_slice %arg4[%dma_wait3A_764, %dma_wait3A_765] : memref<12288x768xf32, #tpu.memory_space<hbm>> -> memref<12288x768xf32, #tpu.memory_space<hbm>>
    tpu.wait_indirect_dma semaphore(%arg10 : memref<!tpu.dma_semaphore, #tpu.memory_space<semaphore_mem>>) src(%dma_wait3A_760 : memref<32x768xf32, #tpu.memory_space<vmem>>) dst(%dma_wait3A_766 : memref<12288x768xf32, #tpu.memory_space<hbm>>)
    %dma_start3A_767 = arith.constant 6 : i32
    %dma_start3A_768 = arith.constant 0 : i32
    %dma_start3A_769 = arith.constant 0 : i32
    %dma_start3A_770 = arith.constant 0 : i32
    %dma_start3A_771 = tpu.memref_slice %arg8[%dma_start3A_768, %dma_start3A_769, %dma_start3A_770] : memref<2x32x768xf32, #tpu.memory_space<vmem>> -> memref<1x32x768xf32, #tpu.memory_space<vmem>>
    %dma_start3A_772 = tpu.memref_squeeze %dma_start3A_771 : memref<1x32x768xf32, #tpu.memory_space<vmem>> -> memref<32x768xf32, #tpu.memory_space<vmem>>
    %dma_start3A_773 = arith.constant 0 : i32
    %dma_start3A_774 = tpu.memref_slice %arg7[%dma_start3A_767, %dma_start3A_773] : memref<8x32xi32, #tpu.memory_space<vmem>> -> memref<1x32xi32, #tpu.memory_space<vmem>>
    %dma_start3A_775 = tpu.memref_squeeze %dma_start3A_774 : memref<1x32xi32, #tpu.memory_space<vmem>> -> memref<32xi32, #tpu.memory_space<vmem>>
    %dma_start3A_776 = arith.constant 0 : i32
    %dma_start3A_777 = arith.constant 0 : i32
    %dma_start3A_778 = tpu.memref_slice %arg3[%dma_start3A_776, %dma_start3A_777] : memref<4096x768xf32, #tpu.memory_space<hbm>> -> memref<4096x768xf32, #tpu.memory_space<hbm>>
    tpu.enqueue_indirect_dma source(%dma_start3A_778 : memref<4096x768xf32, #tpu.memory_space<hbm>>) target(%dma_start3A_772 : memref<32x768xf32, #tpu.memory_space<vmem>>) offsets(%dma_start3A_775 : memref<32xi32, #tpu.memory_space<vmem>>) semaphore(%arg9 : memref<!tpu.dma_semaphore, #tpu.memory_space<semaphore_mem>>)
    %dma_wait3A_779 = arith.constant 6 : i32
    %dma_wait3A_780 = arith.constant 0 : i32
    %dma_wait3A_781 = arith.constant 0 : i32
    %dma_wait3A_782 = arith.constant 0 : i32
    %dma_wait3A_783 = tpu.memref_slice %arg8[%dma_wait3A_780, %dma_wait3A_781, %dma_wait3A_782] : memref<2x32x768xf32, #tpu.memory_space<vmem>> -> memref<1x32x768xf32, #tpu.memory_space<vmem>>
    %dma_wait3A_784 = tpu.memref_squeeze %dma_wait3A_783 : memref<1x32x768xf32, #tpu.memory_space<vmem>> -> memref<32x768xf32, #tpu.memory_space<vmem>>
    %dma_wait3A_785 = arith.constant 0 : i32
    %dma_wait3A_786 = tpu.memref_slice %arg7[%dma_wait3A_779, %dma_wait3A_785] : memref<8x32xi32, #tpu.memory_space<vmem>> -> memref<1x32xi32, #tpu.memory_space<vmem>>
    %dma_wait3A_787 = tpu.memref_squeeze %dma_wait3A_786 : memref<1x32xi32, #tpu.memory_space<vmem>> -> memref<32xi32, #tpu.memory_space<vmem>>
    %dma_wait3A_788 = arith.constant 0 : i32
    %dma_wait3A_789 = arith.constant 0 : i32
    %dma_wait3A_790 = tpu.memref_slice %arg3[%dma_wait3A_788, %dma_wait3A_789] : memref<4096x768xf32, #tpu.memory_space<hbm>> -> memref<4096x768xf32, #tpu.memory_space<hbm>>
    tpu.wait_indirect_dma semaphore(%arg9 : memref<!tpu.dma_semaphore, #tpu.memory_space<semaphore_mem>>) src(%dma_wait3A_790 : memref<4096x768xf32, #tpu.memory_space<hbm>>) dst(%dma_wait3A_784 : memref<32x768xf32, #tpu.memory_space<vmem>>)
    %dma_start3A_791 = arith.constant 0 : i32
    %dma_start3A_792 = arith.constant 6 : i32
    %dma_start3A_793 = arith.constant 0 : i32
    %dma_start3A_794 = arith.constant 0 : i32
    %dma_start3A_795 = tpu.memref_slice %arg8[%dma_start3A_791, %dma_start3A_793, %dma_start3A_794] : memref<2x32x768xf32, #tpu.memory_space<vmem>> -> memref<1x32x768xf32, #tpu.memory_space<vmem>>
    %dma_start3A_796 = tpu.memref_squeeze %dma_start3A_795 : memref<1x32x768xf32, #tpu.memory_space<vmem>> -> memref<32x768xf32, #tpu.memory_space<vmem>>
    %dma_start3A_797 = arith.constant 0 : i32
    %dma_start3A_798 = tpu.memref_slice %arg6[%dma_start3A_792, %dma_start3A_797] : memref<8x32xi32, #tpu.memory_space<vmem>> -> memref<1x32xi32, #tpu.memory_space<vmem>>
    %dma_start3A_799 = tpu.memref_squeeze %dma_start3A_798 : memref<1x32xi32, #tpu.memory_space<vmem>> -> memref<32xi32, #tpu.memory_space<vmem>>
    %dma_start3A_800 = arith.constant 0 : i32
    %dma_start3A_801 = arith.constant 0 : i32
    %dma_start3A_802 = tpu.memref_slice %arg4[%dma_start3A_800, %dma_start3A_801] : memref<12288x768xf32, #tpu.memory_space<hbm>> -> memref<12288x768xf32, #tpu.memory_space<hbm>>
    tpu.enqueue_indirect_dma source(%dma_start3A_796 : memref<32x768xf32, #tpu.memory_space<vmem>>) target(%dma_start3A_802 : memref<12288x768xf32, #tpu.memory_space<hbm>>) offsets(%dma_start3A_799 : memref<32xi32, #tpu.memory_space<vmem>>) semaphore(%arg10 : memref<!tpu.dma_semaphore, #tpu.memory_space<semaphore_mem>>)
    %dma_wait3A_803 = arith.constant 1 : i32
    %dma_wait3A_804 = arith.constant 5 : i32
    %dma_wait3A_805 = arith.constant 0 : i32
    %dma_wait3A_806 = arith.constant 0 : i32
    %dma_wait3A_807 = tpu.memref_slice %arg8[%dma_wait3A_803, %dma_wait3A_805, %dma_wait3A_806] : memref<2x32x768xf32, #tpu.memory_space<vmem>> -> memref<1x32x768xf32, #tpu.memory_space<vmem>>
    %dma_wait3A_808 = tpu.memref_squeeze %dma_wait3A_807 : memref<1x32x768xf32, #tpu.memory_space<vmem>> -> memref<32x768xf32, #tpu.memory_space<vmem>>
    %dma_wait3A_809 = arith.constant 0 : i32
    %dma_wait3A_810 = tpu.memref_slice %arg6[%dma_wait3A_804, %dma_wait3A_809] : memref<8x32xi32, #tpu.memory_space<vmem>> -> memref<1x32xi32, #tpu.memory_space<vmem>>
    %dma_wait3A_811 = tpu.memref_squeeze %dma_wait3A_810 : memref<1x32xi32, #tpu.memory_space<vmem>> -> memref<32xi32, #tpu.memory_space<vmem>>
    %dma_wait3A_812 = arith.constant 0 : i32
    %dma_wait3A_813 = arith.constant 0 : i32
    %dma_wait3A_814 = tpu.memref_slice %arg4[%dma_wait3A_812, %dma_wait3A_813] : memref<12288x768xf32, #tpu.memory_space<hbm>> -> memref<12288x768xf32, #tpu.memory_space<hbm>>
    tpu.wait_indirect_dma semaphore(%arg11 : memref<!tpu.dma_semaphore, #tpu.memory_space<semaphore_mem>>) src(%dma_wait3A_808 : memref<32x768xf32, #tpu.memory_space<vmem>>) dst(%dma_wait3A_814 : memref<12288x768xf32, #tpu.memory_space<hbm>>)
    %dma_start3A_815 = arith.constant 7 : i32
    %dma_start3A_816 = arith.constant 1 : i32
    %dma_start3A_817 = arith.constant 0 : i32
    %dma_start3A_818 = arith.constant 0 : i32
    %dma_start3A_819 = tpu.memref_slice %arg8[%dma_start3A_816, %dma_start3A_817, %dma_start3A_818] : memref<2x32x768xf32, #tpu.memory_space<vmem>> -> memref<1x32x768xf32, #tpu.memory_space<vmem>>
    %dma_start3A_820 = tpu.memref_squeeze %dma_start3A_819 : memref<1x32x768xf32, #tpu.memory_space<vmem>> -> memref<32x768xf32, #tpu.memory_space<vmem>>
    %dma_start3A_821 = arith.constant 0 : i32
    %dma_start3A_822 = tpu.memref_slice %arg7[%dma_start3A_815, %dma_start3A_821] : memref<8x32xi32, #tpu.memory_space<vmem>> -> memref<1x32xi32, #tpu.memory_space<vmem>>
    %dma_start3A_823 = tpu.memref_squeeze %dma_start3A_822 : memref<1x32xi32, #tpu.memory_space<vmem>> -> memref<32xi32, #tpu.memory_space<vmem>>
    %dma_start3A_824 = arith.constant 0 : i32
    %dma_start3A_825 = arith.constant 0 : i32
    %dma_start3A_826 = tpu.memref_slice %arg3[%dma_start3A_824, %dma_start3A_825] : memref<4096x768xf32, #tpu.memory_space<hbm>> -> memref<4096x768xf32, #tpu.memory_space<hbm>>
    tpu.enqueue_indirect_dma source(%dma_start3A_826 : memref<4096x768xf32, #tpu.memory_space<hbm>>) target(%dma_start3A_820 : memref<32x768xf32, #tpu.memory_space<vmem>>) offsets(%dma_start3A_823 : memref<32xi32, #tpu.memory_space<vmem>>) semaphore(%arg9 : memref<!tpu.dma_semaphore, #tpu.memory_space<semaphore_mem>>)
    %dma_wait3A_827 = arith.constant 7 : i32
    %dma_wait3A_828 = arith.constant 1 : i32
    %dma_wait3A_829 = arith.constant 0 : i32
    %dma_wait3A_830 = arith.constant 0 : i32
    %dma_wait3A_831 = tpu.memref_slice %arg8[%dma_wait3A_828, %dma_wait3A_829, %dma_wait3A_830] : memref<2x32x768xf32, #tpu.memory_space<vmem>> -> memref<1x32x768xf32, #tpu.memory_space<vmem>>
    %dma_wait3A_832 = tpu.memref_squeeze %dma_wait3A_831 : memref<1x32x768xf32, #tpu.memory_space<vmem>> -> memref<32x768xf32, #tpu.memory_space<vmem>>
    %dma_wait3A_833 = arith.constant 0 : i32
    %dma_wait3A_834 = tpu.memref_slice %arg7[%dma_wait3A_827, %dma_wait3A_833] : memref<8x32xi32, #tpu.memory_space<vmem>> -> memref<1x32xi32, #tpu.memory_space<vmem>>
    %dma_wait3A_835 = tpu.memref_squeeze %dma_wait3A_834 : memref<1x32xi32, #tpu.memory_space<vmem>> -> memref<32xi32, #tpu.memory_space<vmem>>
    %dma_wait3A_836 = arith.constant 0 : i32
    %dma_wait3A_837 = arith.constant 0 : i32
    %dma_wait3A_838 = tpu.memref_slice %arg3[%dma_wait3A_836, %dma_wait3A_837] : memref<4096x768xf32, #tpu.memory_space<hbm>> -> memref<4096x768xf32, #tpu.memory_space<hbm>>
    tpu.wait_indirect_dma semaphore(%arg9 : memref<!tpu.dma_semaphore, #tpu.memory_space<semaphore_mem>>) src(%dma_wait3A_838 : memref<4096x768xf32, #tpu.memory_space<hbm>>) dst(%dma_wait3A_832 : memref<32x768xf32, #tpu.memory_space<vmem>>)
    %dma_start3A_839 = arith.constant 1 : i32
    %dma_start3A_840 = arith.constant 7 : i32
    %dma_start3A_841 = arith.constant 0 : i32
    %dma_start3A_842 = arith.constant 0 : i32
    %dma_start3A_843 = tpu.memref_slice %arg8[%dma_start3A_839, %dma_start3A_841, %dma_start3A_842] : memref<2x32x768xf32, #tpu.memory_space<vmem>> -> memref<1x32x768xf32, #tpu.memory_space<vmem>>
    %dma_start3A_844 = tpu.memref_squeeze %dma_start3A_843 : memref<1x32x768xf32, #tpu.memory_space<vmem>> -> memref<32x768xf32, #tpu.memory_space<vmem>>
    %dma_start3A_845 = arith.constant 0 : i32
    %dma_start3A_846 = tpu.memref_slice %arg6[%dma_start3A_840, %dma_start3A_845] : memref<8x32xi32, #tpu.memory_space<vmem>> -> memref<1x32xi32, #tpu.memory_space<vmem>>
    %dma_start3A_847 = tpu.memref_squeeze %dma_start3A_846 : memref<1x32xi32, #tpu.memory_space<vmem>> -> memref<32xi32, #tpu.memory_space<vmem>>
    %dma_start3A_848 = arith.constant 0 : i32
    %dma_start3A_849 = arith.constant 0 : i32
    %dma_start3A_850 = tpu.memref_slice %arg4[%dma_start3A_848, %dma_start3A_849] : memref<12288x768xf32, #tpu.memory_space<hbm>> -> memref<12288x768xf32, #tpu.memory_space<hbm>>
    tpu.enqueue_indirect_dma source(%dma_start3A_844 : memref<32x768xf32, #tpu.memory_space<vmem>>) target(%dma_start3A_850 : memref<12288x768xf32, #tpu.memory_space<hbm>>) offsets(%dma_start3A_847 : memref<32xi32, #tpu.memory_space<vmem>>) semaphore(%arg11 : memref<!tpu.dma_semaphore, #tpu.memory_space<semaphore_mem>>)
    %dma_wait3A_851 = arith.constant 0 : i32
    %dma_wait3A_852 = arith.constant 6 : i32
    %dma_wait3A_853 = arith.constant 0 : i32
    %dma_wait3A_854 = arith.constant 0 : i32
    %dma_wait3A_855 = tpu.memref_slice %arg8[%dma_wait3A_851, %dma_wait3A_853, %dma_wait3A_854] : memref<2x32x768xf32, #tpu.memory_space<vmem>> -> memref<1x32x768xf32, #tpu.memory_space<vmem>>
    %dma_wait3A_856 = tpu.memref_squeeze %dma_wait3A_855 : memref<1x32x768xf32, #tpu.memory_space<vmem>> -> memref<32x768xf32, #tpu.memory_space<vmem>>
    %dma_wait3A_857 = arith.constant 0 : i32
    %dma_wait3A_858 = tpu.memref_slice %arg6[%dma_wait3A_852, %dma_wait3A_857] : memref<8x32xi32, #tpu.memory_space<vmem>> -> memref<1x32xi32, #tpu.memory_space<vmem>>
    %dma_wait3A_859 = tpu.memref_squeeze %dma_wait3A_858 : memref<1x32xi32, #tpu.memory_space<vmem>> -> memref<32xi32, #tpu.memory_space<vmem>>
    %dma_wait3A_860 = arith.constant 0 : i32
    %dma_wait3A_861 = arith.constant 0 : i32
    %dma_wait3A_862 = tpu.memref_slice %arg4[%dma_wait3A_860, %dma_wait3A_861] : memref<12288x768xf32, #tpu.memory_space<hbm>> -> memref<12288x768xf32, #tpu.memory_space<hbm>>
    tpu.wait_indirect_dma semaphore(%arg10 : memref<!tpu.dma_semaphore, #tpu.memory_space<semaphore_mem>>) src(%dma_wait3A_856 : memref<32x768xf32, #tpu.memory_space<vmem>>) dst(%dma_wait3A_862 : memref<12288x768xf32, #tpu.memory_space<hbm>>)
    %dma_wait3A_863 = arith.constant 1 : i32
    %dma_wait3A_864 = arith.constant 7 : i32
    %dma_wait3A_865 = arith.constant 0 : i32
    %dma_wait3A_866 = arith.constant 0 : i32
    %dma_wait3A_867 = tpu.memref_slice %arg8[%dma_wait3A_863, %dma_wait3A_865, %dma_wait3A_866] : memref<2x32x768xf32, #tpu.memory_space<vmem>> -> memref<1x32x768xf32, #tpu.memory_space<vmem>>
    %dma_wait3A_868 = tpu.memref_squeeze %dma_wait3A_867 : memref<1x32x768xf32, #tpu.memory_space<vmem>> -> memref<32x768xf32, #tpu.memory_space<vmem>>
    %dma_wait3A_869 = arith.constant 0 : i32
    %dma_wait3A_870 = tpu.memref_slice %arg6[%dma_wait3A_864, %dma_wait3A_869] : memref<8x32xi32, #tpu.memory_space<vmem>> -> memref<1x32xi32, #tpu.memory_space<vmem>>
    %dma_wait3A_871 = tpu.memref_squeeze %dma_wait3A_870 : memref<1x32xi32, #tpu.memory_space<vmem>> -> memref<32xi32, #tpu.memory_space<vmem>>
    %dma_wait3A_872 = arith.constant 0 : i32
    %dma_wait3A_873 = arith.constant 0 : i32
    %dma_wait3A_874 = tpu.memref_slice %arg4[%dma_wait3A_872, %dma_wait3A_873] : memref<12288x768xf32, #tpu.memory_space<hbm>> -> memref<12288x768xf32, #tpu.memory_space<hbm>>
    tpu.wait_indirect_dma semaphore(%arg11 : memref<!tpu.dma_semaphore, #tpu.memory_space<semaphore_mem>>) src(%dma_wait3A_868 : memref<32x768xf32, #tpu.memory_space<vmem>>) dst(%dma_wait3A_874 : memref<12288x768xf32, #tpu.memory_space<hbm>>)
    return
  }
}

module attributes {stable_mosaic.version = 14 : i64} {
  func.func @_ffn_body(%arg0: i32, %arg1: memref<3x32xi32, #tpu.memory_space<smem>>, %arg2: memref<512x768xf32, #tpu.memory_space<vmem>>, %arg3: memref<1x768x768xf32, #tpu.memory_space<vmem>>, %arg4: memref<1x1x768xf32, #tpu.memory_space<vmem>>, %arg5: memref<1x768x768xf32, #tpu.memory_space<vmem>>, %arg6: memref<1x1x768xf32, #tpu.memory_space<vmem>>, %arg7: memref<1x1x768xf32, #tpu.memory_space<vmem>>, %arg8: memref<1x1x768xf32, #tpu.memory_space<vmem>>, %arg9: memref<1x768xf32, #tpu.memory_space<vmem>>, %arg10: memref<1x768xf32, #tpu.memory_space<vmem>>, %arg11: memref<1x2x768xf32, #tpu.memory_space<vmem>>) attributes {dimension_semantics = [#tpu.dimension_semantics<arbitrary>], iteration_bounds = array<i64: 24>, scalar_prefetch = 1 : i64, scratch_operands = 0 : i64, tpu.core_type = #tpu.core_type<tc>, window_params = [{transform_indices = @transform_0, window_bounds = array<i64: 512, 768>}, {transform_indices = @transform_1, window_bounds = array<i64: 1, 768, 768>}, {transform_indices = @transform_2, window_bounds = array<i64: 1, 1, 768>}, {transform_indices = @transform_3, window_bounds = array<i64: 1, 768, 768>}, {transform_indices = @transform_4, window_bounds = array<i64: 1, 1, 768>}, {transform_indices = @transform_5, window_bounds = array<i64: 1, 1, 768>}, {transform_indices = @transform_6, window_bounds = array<i64: 1, 1, 768>}, {pipeline_mode = #tpu.pipeline_mode<synchronous>, transform_indices = @transform_7, window_bounds = array<i64: 1, 768>}, {pipeline_mode = #tpu.pipeline_mode<synchronous>, transform_indices = @transform_8, window_bounds = array<i64: 1, 768>}, {transform_indices = @transform_9, window_bounds = array<i64: 1, 2, 768>}]} {
    %get3A = arith.constant 0 : index
    %get3A_0 = arith.index_cast %arg0 : i32 to index
    %get3A_1 = memref.load %arg1[%get3A, %get3A_0] : memref<3x32xi32, #tpu.memory_space<smem>>
    %get3A_2 = arith.constant 1 : index
    %get3A_3 = arith.index_cast %arg0 : i32 to index
    %get3A_4 = memref.load %arg1[%get3A_2, %get3A_3] : memref<3x32xi32, #tpu.memory_space<smem>>
    %get3A_5 = arith.constant 2 : index
    %get3A_6 = arith.index_cast %arg0 : i32 to index
    %get3A_7 = memref.load %arg1[%get3A_5, %get3A_6] : memref<3x32xi32, #tpu.memory_space<smem>>
    %sub3A = arith.constant 1 : i32
    %sub3A_8 = arith.subi %arg0, %sub3A : i32
    %max3A = arith.constant 0 : i32
    %max3A_9 = arith.maxsi %sub3A_8, %max3A : i32
    %get3A_10 = arith.constant 0 : index
    %get3A_11 = arith.index_cast %max3A_9 : i32 to index
    %get3A_12 = memref.load %arg1[%get3A_10, %get3A_11] : memref<3x32xi32, #tpu.memory_space<smem>>
    %eq3A = arith.constant 0 : i32
    %eq3A_13 = arith.cmpi eq, %arg0, %eq3A : i32
    %ne3A = arith.cmpi ne, %get3A_12, %get3A_1 : i32
    %or3A = arith.ori %eq3A_13, %ne3A : i1
    %convert_element_type3A = arith.extui %or3A : i1 to i32
    %cond3A = arith.constant 0 : i32
    %cond3A_14 = arith.cmpi ne, %convert_element_type3A, %cond3A : i32
    scf.if %cond3A_14 {
      %broadcast_in_dim3A = arith.constant 0.000000e+00 : f32
      %broadcast_in_dim3A_30 = vector.broadcast %broadcast_in_dim3A : f32 to vector<1x2x768xf32>
      %swap3A = arith.constant 0 : index
      %swap3A_31 = arith.constant 0 : index
      %swap3A_32 = arith.constant 0 : index
      %swap3A_33 = vector.load %arg11[%swap3A, %swap3A_31, %swap3A_32] : memref<1x2x768xf32, #tpu.memory_space<vmem>>, vector<1x2x768xf32>
      tpu.vector_store %arg11[%swap3A, %swap3A_31, %swap3A_32], %broadcast_in_dim3A_30 {strides = array<i32>} : memref<1x2x768xf32, #tpu.memory_space<vmem>>, vector<1x2x768xf32>,
    } else {
    }
    %gt3A = arith.constant 0 : i32
    %gt3A_15 = arith.cmpi sgt, %get3A_7, %gt3A : i32
    %convert_element_type3A_16 = arith.extui %gt3A_15 : i1 to i32
    %cond3A_17 = arith.constant 0 : i32
    %cond3A_18 = arith.cmpi ne, %convert_element_type3A_16, %cond3A_17 : i32
    scf.if %cond3A_18 {
      %get3A_30 = arith.constant 0 : index
      %get3A_31 = arith.constant 0 : index
      %get3A_32 = vector.load %arg2[%get3A_30, %get3A_31] : memref<512x768xf32, #tpu.memory_space<vmem>>, vector<512x768xf32>
      %get3A_33 = arith.constant 0 : index
      %get3A_34 = arith.constant 0 : index
      %get3A_35 = arith.constant 0 : index
      %get3A_36 = vector.load %arg3[%get3A_33, %get3A_34, %get3A_35] : memref<1x768x768xf32, #tpu.memory_space<vmem>>, vector<1x768x768xf32>
      %get3A_37 = vector.shape_cast %get3A_36 : vector<1x768x768xf32> to vector<768x768xf32>
      %dot_general3A = arith.constant dense<0.000000e+00> : vector<512x768xf32>
      %dot_general3A_38 = tpu.matmul %get3A_32, %get3A_37, %dot_general3A {dimension_numbers = #tpu.dot_dimension_numbers<[1], [0], [0], [1], [0, 0, 1, 1], [], []>, transpose_lhs_hint = false} : vector<512x768xf32>, vector<768x768xf32>, vector<512x768xf32> -> vector<512x768xf32>
      %get3A_39 = arith.constant 0 : index
      %get3A_40 = arith.constant 0 : index
      %get3A_41 = arith.constant 0 : index
      %get3A_42 = vector.load %arg4[%get3A_39, %get3A_40, %get3A_41] : memref<1x1x768xf32, #tpu.memory_space<vmem>>, vector<1x1x768xf32>
      %get3A_43 = vector.shape_cast %get3A_42 : vector<1x1x768xf32> to vector<1x768xf32>
      %add3A_44 = vector.broadcast %get3A_43 : vector<1x768xf32> to vector<512x768xf32>
      %add3A_45 = arith.addf %dot_general3A_38, %add3A_44 : vector<512x768xf32>
      %mul3A = arith.constant 5.000000e-01 : f32
      %mul3A_46 = vector.broadcast %mul3A : f32 to vector<512x768xf32>
      %mul3A_47 = arith.mulf %mul3A_46, %add3A_45 : vector<512x768xf32>
      %mul3A_48 = arith.constant 0.707106769 : f32
      %mul3A_49 = vector.broadcast %mul3A_48 : f32 to vector<512x768xf32>
      %mul3A_50 = arith.mulf %add3A_45, %mul3A_49 : vector<512x768xf32>
      %erf3A = math.erf %mul3A_50 : vector<512x768xf32>
      %add3A_51 = arith.constant 1.000000e+00 : f32
      %add3A_52 = vector.broadcast %add3A_51 : f32 to vector<512x768xf32>
      %add3A_53 = arith.addf %add3A_52, %erf3A : vector<512x768xf32>
      %mul3A_54 = arith.mulf %mul3A_47, %add3A_53 : vector<512x768xf32>
      %get3A_55 = arith.constant 0 : index
      %get3A_56 = arith.constant 0 : index
      %get3A_57 = arith.constant 0 : index
      %get3A_58 = vector.load %arg5[%get3A_55, %get3A_56, %get3A_57] : memref<1x768x768xf32, #tpu.memory_space<vmem>>, vector<1x768x768xf32>
      %get3A_59 = vector.shape_cast %get3A_58 : vector<1x768x768xf32> to vector<768x768xf32>
      %dot_general3A_60 = arith.constant dense<0.000000e+00> : vector<512x768xf32>
      %dot_general3A_61 = tpu.matmul %mul3A_54, %get3A_59, %dot_general3A_60 {dimension_numbers = #tpu.dot_dimension_numbers<[1], [0], [0], [1], [0, 0, 1, 1], [], []>, transpose_lhs_hint = false} : vector<512x768xf32>, vector<768x768xf32>, vector<512x768xf32> -> vector<512x768xf32>
      %get3A_62 = arith.constant 0 : index
      %get3A_63 = arith.constant 0 : index
      %get3A_64 = arith.constant 0 : index
      %get3A_65 = vector.load %arg6[%get3A_62, %get3A_63, %get3A_64] : memref<1x1x768xf32, #tpu.memory_space<vmem>>, vector<1x1x768xf32>
      %get3A_66 = vector.shape_cast %get3A_65 : vector<1x1x768xf32> to vector<1x768xf32>
      %add3A_67 = vector.broadcast %get3A_66 : vector<1x768xf32> to vector<512x768xf32>
      %add3A_68 = arith.addf %dot_general3A_61, %add3A_67 : vector<512x768xf32>
      %add3A_69 = arith.addf %add3A_68, %get3A_32 : vector<512x768xf32>
      %reduce_sum3A = arith.constant dense<0.000000e+00> : vector<512xf32>
      %reduce_sum3A_70 = vector.multi_reduction <add>, %add3A_69, %reduce_sum3A [1] : vector<512x768xf32> to vector<512xf32>
      %broadcast_in_dim3A = vector.shape_cast %reduce_sum3A_70 : vector<512xf32> to vector<512x1xf32>
      %div3A = arith.constant 7.680000e+02 : f32
      %div3A_71 = vector.broadcast %div3A : f32 to vector<512x1xf32>
      %div3A_72 = arith.divf %broadcast_in_dim3A, %div3A_71 : vector<512x1xf32>
      %sub3A_73 = vector.broadcast %div3A_72 : vector<512x1xf32> to vector<512x768xf32>
      %sub3A_74 = arith.subf %add3A_69, %sub3A_73 : vector<512x768xf32>
      %integer_pow3A = arith.mulf %sub3A_74, %sub3A_74 : vector<512x768xf32>
      %reduce_sum3A_75 = arith.constant dense<0.000000e+00> : vector<512xf32>
      %reduce_sum3A_76 = vector.multi_reduction <add>, %integer_pow3A, %reduce_sum3A_75 [1] : vector<512x768xf32> to vector<512xf32>
      %broadcast_in_dim3A_77 = vector.shape_cast %reduce_sum3A_76 : vector<512xf32> to vector<512x1xf32>
      %div3A_78 = arith.constant 7.680000e+02 : f32
      %div3A_79 = vector.broadcast %div3A_78 : f32 to vector<512x1xf32>
      %div3A_80 = arith.divf %broadcast_in_dim3A_77, %div3A_79 : vector<512x1xf32>
      %sub3A_81 = vector.broadcast %div3A_72 : vector<512x1xf32> to vector<512x768xf32>
      %sub3A_82 = arith.subf %add3A_69, %sub3A_81 : vector<512x768xf32>
      %add3A_83 = arith.constant 9.99999974E-6 : f32
      %add3A_84 = vector.broadcast %add3A_83 : f32 to vector<512x1xf32>
      %add3A_85 = arith.addf %div3A_80, %add3A_84 : vector<512x1xf32>
      %rsqrt3A = math.rsqrt %add3A_85 : vector<512x1xf32>
      %mul3A_86 = vector.broadcast %rsqrt3A : vector<512x1xf32> to vector<512x768xf32>
      %mul3A_87 = arith.mulf %sub3A_82, %mul3A_86 : vector<512x768xf32>
      %get3A_88 = arith.constant 0 : index
      %get3A_89 = arith.constant 0 : index
      %get3A_90 = arith.constant 0 : index
      %get3A_91 = vector.load %arg7[%get3A_88, %get3A_89, %get3A_90] : memref<1x1x768xf32, #tpu.memory_space<vmem>>, vector<1x1x768xf32>
      %get3A_92 = vector.shape_cast %get3A_91 : vector<1x1x768xf32> to vector<1x768xf32>
      %mul3A_93 = vector.broadcast %get3A_92 : vector<1x768xf32> to vector<512x768xf32>
      %mul3A_94 = arith.mulf %mul3A_87, %mul3A_93 : vector<512x768xf32>
      %get3A_95 = arith.constant 0 : index
      %get3A_96 = arith.constant 0 : index
      %get3A_97 = arith.constant 0 : index
      %get3A_98 = vector.load %arg8[%get3A_95, %get3A_96, %get3A_97] : memref<1x1x768xf32, #tpu.memory_space<vmem>>, vector<1x1x768xf32>
      %get3A_99 = vector.shape_cast %get3A_98 : vector<1x1x768xf32> to vector<1x768xf32>
      %add3A_100 = vector.broadcast %get3A_99 : vector<1x768xf32> to vector<512x768xf32>
      %add3A_101 = arith.addf %mul3A_94, %add3A_100 : vector<512x768xf32>
      %iota3A = tpu.iota {dimensions = array<i32: 0>} : vector<512x1xi32>
      %lt3A = vector.broadcast %get3A_4 : i32 to vector<512x1xi32>
      %lt3A_102 = arith.cmpi slt, %iota3A, %lt3A : vector<512x1xi32>
      %jit3A = arith.constant 0.000000e+00 : f32
      %broadcast_in_dim3A_103 = vector.shape_cast %lt3A_102 : vector<512x1xi1> to vector<512x1xi1>
      %broadcast_in_dim3A_104 = vector.broadcast %broadcast_in_dim3A_103 : vector<512x1xi1> to vector<512x768xi1>
      %broadcast_in_dim3A_105 = vector.broadcast %jit3A : f32 to vector<512x768xf32>
      %select_n3A = arith.select %broadcast_in_dim3A_104, %add3A_101, %broadcast_in_dim3A_105 : vector<512x768xi1>, vector<512x768xf32>
      %reduce_sum3A_106 = arith.constant dense<0.000000e+00> : vector<768xf32>
      %reduce_sum3A_107 = vector.multi_reduction <add>, %select_n3A, %reduce_sum3A_106 [0] : vector<512x768xf32> to vector<768xf32>
      %broadcast_in_dim3A_108 = vector.shape_cast %reduce_sum3A_107 : vector<768xf32> to vector<1x768xf32>
      %ge3A = vector.broadcast %get3A_4 : i32 to vector<512x1xi32>
      %ge3A_109 = arith.cmpi sge, %iota3A, %ge3A : vector<512x1xi32>
      %lt3A_110 = vector.broadcast %get3A_7 : i32 to vector<512x1xi32>
      %lt3A_111 = arith.cmpi slt, %iota3A, %lt3A_110 : vector<512x1xi32>
      %and3A = arith.andi %ge3A_109, %lt3A_111 : vector<512x1xi1>
      %jit3A_112 = arith.constant 0.000000e+00 : f32
      %broadcast_in_dim3A_113 = vector.shape_cast %and3A : vector<512x1xi1> to vector<512x1xi1>
      %broadcast_in_dim3A_114 = vector.broadcast %broadcast_in_dim3A_113 : vector<512x1xi1> to vector<512x768xi1>
      %broadcast_in_dim3A_115 = vector.broadcast %jit3A_112 : f32 to vector<512x768xf32>
      %select_n3A_116 = arith.select %broadcast_in_dim3A_114, %add3A_101, %broadcast_in_dim3A_115 : vector<512x768xi1>, vector<512x768xf32>
      %reduce_sum3A_117 = arith.constant dense<0.000000e+00> : vector<768xf32>
      %reduce_sum3A_118 = vector.multi_reduction <add>, %select_n3A_116, %reduce_sum3A_117 [0] : vector<512x768xf32> to vector<768xf32>
      %broadcast_in_dim3A_119 = vector.shape_cast %reduce_sum3A_118 : vector<768xf32> to vector<1x768xf32>
      %get3A_120 = arith.constant 0 : index
      %get3A_121 = arith.constant 0 : index
      %get3A_122 = arith.constant 0 : index
      %get3A_123 = vector.load %arg11[%get3A_120, %get3A_121, %get3A_122] : memref<1x2x768xf32, #tpu.memory_space<vmem>>, vector<1x1x768xf32>
      %get3A_124 = vector.shape_cast %get3A_123 : vector<1x1x768xf32> to vector<768xf32>
      %squeeze3A = vector.shape_cast %broadcast_in_dim3A_108 : vector<1x768xf32> to vector<768xf32>
      %add3A_125 = arith.addf %get3A_124, %squeeze3A : vector<768xf32>
      %swap3A = arith.constant 0 : index
      %swap3A_126 = arith.constant 0 : index
      %swap3A_127 = arith.constant 0 : index
      %swap3A_128 = vector.load %arg11[%swap3A, %swap3A_126, %swap3A_127] : memref<1x2x768xf32, #tpu.memory_space<vmem>>, vector<1x1x768xf32>
      %swap3A_129 = vector.shape_cast %swap3A_128 : vector<1x1x768xf32> to vector<768xf32>
      %swap3A_130 = vector.shape_cast %add3A_125 : vector<768xf32> to vector<1x1x768xf32>
      tpu.vector_store %arg11[%swap3A, %swap3A_126, %swap3A_127], %swap3A_130 {strides = array<i32>} : memref<1x2x768xf32, #tpu.memory_space<vmem>>, vector<1x1x768xf32>,
      %get3A_131 = arith.constant 0 : index
      %get3A_132 = arith.constant 1 : index
      %get3A_133 = arith.constant 0 : index
      %get3A_134 = vector.load %arg11[%get3A_131, %get3A_132, %get3A_133] : memref<1x2x768xf32, #tpu.memory_space<vmem>>, vector<1x1x768xf32>
      %get3A_135 = vector.shape_cast %get3A_134 : vector<1x1x768xf32> to vector<768xf32>
      %squeeze3A_136 = vector.shape_cast %broadcast_in_dim3A_119 : vector<1x768xf32> to vector<768xf32>
      %add3A_137 = arith.addf %get3A_135, %squeeze3A_136 : vector<768xf32>
      %swap3A_138 = arith.constant 0 : index
      %swap3A_139 = arith.constant 1 : index
      %swap3A_140 = arith.constant 0 : index
      %swap3A_141 = vector.load %arg11[%swap3A_138, %swap3A_139, %swap3A_140] : memref<1x2x768xf32, #tpu.memory_space<vmem>>, vector<1x1x768xf32>
      %swap3A_142 = vector.shape_cast %swap3A_141 : vector<1x1x768xf32> to vector<768xf32>
      %swap3A_143 = vector.shape_cast %add3A_137 : vector<768xf32> to vector<1x1x768xf32>
      tpu.vector_store %arg11[%swap3A_138, %swap3A_139, %swap3A_140], %swap3A_143 {strides = array<i32>} : memref<1x2x768xf32, #tpu.memory_space<vmem>>, vector<1x1x768xf32>,
    } else {
    }
    %add3A = arith.constant 1 : i32
    %add3A_19 = arith.addi %arg0, %add3A : i32
    %get3A_20 = arith.constant 0 : index
    %get3A_21 = arith.index_cast %add3A_19 : i32 to index
    %get3A_22 = memref.load %arg1[%get3A_20, %get3A_21] : memref<3x32xi32, #tpu.memory_space<smem>>
    %eq3A_23 = arith.constant 23 : i32
    %eq3A_24 = arith.cmpi eq, %arg0, %eq3A_23 : i32
    %ne3A_25 = arith.cmpi ne, %get3A_22, %get3A_1 : i32
    %or3A_26 = arith.ori %eq3A_24, %ne3A_25 : i1
    %convert_element_type3A_27 = arith.extui %or3A_26 : i1 to i32
    %cond3A_28 = arith.constant 0 : i32
    %cond3A_29 = arith.cmpi ne, %convert_element_type3A_27, %cond3A_28 : i32
    scf.if %cond3A_29 {
      %get3A_30 = arith.constant 0 : index
      %get3A_31 = arith.constant 0 : index
      %get3A_32 = arith.constant 0 : index
      %get3A_33 = vector.load %arg11[%get3A_30, %get3A_31, %get3A_32] : memref<1x2x768xf32, #tpu.memory_space<vmem>>, vector<1x2x768xf32>
      %get3A_34 = vector.shape_cast %get3A_33 : vector<1x2x768xf32> to vector<2x768xf32>
      %reduce_sum3A = arith.constant dense<0.000000e+00> : vector<2xf32>
      %reduce_sum3A_35 = vector.multi_reduction <add>, %get3A_34, %reduce_sum3A [1] : vector<2x768xf32> to vector<2xf32>
      %broadcast_in_dim3A = vector.shape_cast %reduce_sum3A_35 : vector<2xf32> to vector<2x1xf32>
      %div3A = arith.constant 7.680000e+02 : f32
      %div3A_36 = vector.broadcast %div3A : f32 to vector<2x1xf32>
      %div3A_37 = arith.divf %broadcast_in_dim3A, %div3A_36 : vector<2x1xf32>
      %sub3A_38 = vector.broadcast %div3A_37 : vector<2x1xf32> to vector<2x768xf32>
      %sub3A_39 = arith.subf %get3A_34, %sub3A_38 : vector<2x768xf32>
      %integer_pow3A = arith.mulf %sub3A_39, %sub3A_39 : vector<2x768xf32>
      %reduce_sum3A_40 = arith.constant dense<0.000000e+00> : vector<2xf32>
      %reduce_sum3A_41 = vector.multi_reduction <add>, %integer_pow3A, %reduce_sum3A_40 [1] : vector<2x768xf32> to vector<2xf32>
      %broadcast_in_dim3A_42 = vector.shape_cast %reduce_sum3A_41 : vector<2xf32> to vector<2x1xf32>
      %div3A_43 = arith.constant 7.680000e+02 : f32
      %div3A_44 = vector.broadcast %div3A_43 : f32 to vector<2x1xf32>
      %div3A_45 = arith.divf %broadcast_in_dim3A_42, %div3A_44 : vector<2x1xf32>
      %sub3A_46 = vector.broadcast %div3A_37 : vector<2x1xf32> to vector<2x768xf32>
      %sub3A_47 = arith.subf %get3A_34, %sub3A_46 : vector<2x768xf32>
      %add3A_48 = arith.constant 9.99999974E-6 : f32
      %add3A_49 = vector.broadcast %add3A_48 : f32 to vector<2x1xf32>
      %add3A_50 = arith.addf %div3A_45, %add3A_49 : vector<2x1xf32>
      %rsqrt3A = math.rsqrt %add3A_50 : vector<2x1xf32>
      %mul3A = vector.broadcast %rsqrt3A : vector<2x1xf32> to vector<2x768xf32>
      %mul3A_51 = arith.mulf %sub3A_47, %mul3A : vector<2x768xf32>
      %get3A_52 = arith.constant 0 : index
      %get3A_53 = arith.constant 0 : index
      %get3A_54 = vector.load %arg9[%get3A_52, %get3A_53] : memref<1x768xf32, #tpu.memory_space<vmem>>, vector<1x768xf32>
      %mul3A_55 = vector.broadcast %get3A_54 : vector<1x768xf32> to vector<2x768xf32>
      %mul3A_56 = arith.mulf %mul3A_51, %mul3A_55 : vector<2x768xf32>
      %get3A_57 = arith.constant 0 : index
      %get3A_58 = arith.constant 0 : index
      %get3A_59 = vector.load %arg10[%get3A_57, %get3A_58] : memref<1x768xf32, #tpu.memory_space<vmem>>, vector<1x768xf32>
      %add3A_60 = vector.broadcast %get3A_59 : vector<1x768xf32> to vector<2x768xf32>
      %add3A_61 = arith.addf %mul3A_56, %add3A_60 : vector<2x768xf32>
      %swap3A = arith.constant 0 : index
      %swap3A_62 = arith.constant 0 : index
      %swap3A_63 = arith.constant 0 : index
      %swap3A_64 = vector.load %arg11[%swap3A, %swap3A_62, %swap3A_63] : memref<1x2x768xf32, #tpu.memory_space<vmem>>, vector<1x2x768xf32>
      %swap3A_65 = vector.shape_cast %swap3A_64 : vector<1x2x768xf32> to vector<2x768xf32>
      %swap3A_66 = vector.shape_cast %add3A_61 : vector<2x768xf32> to vector<1x2x768xf32>
      tpu.vector_store %arg11[%swap3A, %swap3A_62, %swap3A_63], %swap3A_66 {strides = array<i32>} : memref<1x2x768xf32, #tpu.memory_space<vmem>>, vector<1x2x768xf32>,
    } else {
    }
    return
  }
  func.func @transform_0(%arg0: i32, %arg1: memref<3x32xi32, #tpu.memory_space<smem>>) -> (i32, i32) {
    %c0_i32 = arith.constant 0 : i32
    %c0_i32_0 = arith.constant 0 : i32
    return %arg0, %c0_i32 : i32, i32
  }
  func.func @transform_1(%arg0: i32, %arg1: memref<3x32xi32, #tpu.memory_space<smem>>) -> (i32, i32, i32) {
    %get3A = arith.constant 0 : index
    %get3A_0 = arith.index_cast %arg0 : i32 to index
    %get3A_1 = memref.load %arg1[%get3A, %get3A_0] : memref<3x32xi32, #tpu.memory_space<smem>>
    %c0_i32 = arith.constant 0 : i32
    %c0_i32_2 = arith.constant 0 : i32
    %c0_i32_3 = arith.constant 0 : i32
    return %get3A_1, %c0_i32, %c0_i32_2 : i32, i32, i32
  }
  func.func @transform_2(%arg0: i32, %arg1: memref<3x32xi32, #tpu.memory_space<smem>>) -> (i32, i32, i32) {
    %get3A = arith.constant 0 : index
    %get3A_0 = arith.index_cast %arg0 : i32 to index
    %get3A_1 = memref.load %arg1[%get3A, %get3A_0] : memref<3x32xi32, #tpu.memory_space<smem>>
    %c0_i32 = arith.constant 0 : i32
    %c0_i32_2 = arith.constant 0 : i32
    %c0_i32_3 = arith.constant 0 : i32
    return %get3A_1, %c0_i32, %c0_i32_2 : i32, i32, i32
  }
  func.func @transform_3(%arg0: i32, %arg1: memref<3x32xi32, #tpu.memory_space<smem>>) -> (i32, i32, i32) {
    %get3A = arith.constant 0 : index
    %get3A_0 = arith.index_cast %arg0 : i32 to index
    %get3A_1 = memref.load %arg1[%get3A, %get3A_0] : memref<3x32xi32, #tpu.memory_space<smem>>
    %c0_i32 = arith.constant 0 : i32
    %c0_i32_2 = arith.constant 0 : i32
    %c0_i32_3 = arith.constant 0 : i32
    return %get3A_1, %c0_i32, %c0_i32_2 : i32, i32, i32
  }
  func.func @transform_4(%arg0: i32, %arg1: memref<3x32xi32, #tpu.memory_space<smem>>) -> (i32, i32, i32) {
    %get3A = arith.constant 0 : index
    %get3A_0 = arith.index_cast %arg0 : i32 to index
    %get3A_1 = memref.load %arg1[%get3A, %get3A_0] : memref<3x32xi32, #tpu.memory_space<smem>>
    %c0_i32 = arith.constant 0 : i32
    %c0_i32_2 = arith.constant 0 : i32
    %c0_i32_3 = arith.constant 0 : i32
    return %get3A_1, %c0_i32, %c0_i32_2 : i32, i32, i32
  }
  func.func @transform_5(%arg0: i32, %arg1: memref<3x32xi32, #tpu.memory_space<smem>>) -> (i32, i32, i32) {
    %get3A = arith.constant 0 : index
    %get3A_0 = arith.index_cast %arg0 : i32 to index
    %get3A_1 = memref.load %arg1[%get3A, %get3A_0] : memref<3x32xi32, #tpu.memory_space<smem>>
    %c0_i32 = arith.constant 0 : i32
    %c0_i32_2 = arith.constant 0 : i32
    %c0_i32_3 = arith.constant 0 : i32
    return %get3A_1, %c0_i32, %c0_i32_2 : i32, i32, i32
  }
  func.func @transform_6(%arg0: i32, %arg1: memref<3x32xi32, #tpu.memory_space<smem>>) -> (i32, i32, i32) {
    %get3A = arith.constant 0 : index
    %get3A_0 = arith.index_cast %arg0 : i32 to index
    %get3A_1 = memref.load %arg1[%get3A, %get3A_0] : memref<3x32xi32, #tpu.memory_space<smem>>
    %c0_i32 = arith.constant 0 : i32
    %c0_i32_2 = arith.constant 0 : i32
    %c0_i32_3 = arith.constant 0 : i32
    return %get3A_1, %c0_i32, %c0_i32_2 : i32, i32, i32
  }
  func.func @transform_7(%arg0: i32, %arg1: memref<3x32xi32, #tpu.memory_space<smem>>) -> (i32, i32) {
    %c0_i32 = arith.constant 0 : i32
    %c0_i32_0 = arith.constant 0 : i32
    %c0_i32_1 = arith.constant 0 : i32
    return %c0_i32, %c0_i32_0 : i32, i32
  }
  func.func @transform_8(%arg0: i32, %arg1: memref<3x32xi32, #tpu.memory_space<smem>>) -> (i32, i32) {
    %c0_i32 = arith.constant 0 : i32
    %c0_i32_0 = arith.constant 0 : i32
    %c0_i32_1 = arith.constant 0 : i32
    return %c0_i32, %c0_i32_0 : i32, i32
  }
  func.func @transform_9(%arg0: i32, %arg1: memref<3x32xi32, #tpu.memory_space<smem>>) -> (i32, i32, i32) {
    %get3A = arith.constant 0 : index
    %get3A_0 = arith.index_cast %arg0 : i32 to index
    %get3A_1 = memref.load %arg1[%get3A, %get3A_0] : memref<3x32xi32, #tpu.memory_space<smem>>
    %c0_i32 = arith.constant 0 : i32
    %c0_i32_2 = arith.constant 0 : i32
    %c0_i32_3 = arith.constant 0 : i32
    return %get3A_1, %c0_i32, %c0_i32_2 : i32, i32, i32
  }
}

module attributes {stable_mosaic.version = 14 : i64} {
  func.func @_prep_body(%arg0: i32, %arg1: memref<512x768xf32, #tpu.memory_space<vmem>>, %arg2: memref<768x8xf32, #tpu.memory_space<vmem>>, %arg3: memref<1x8xf32, #tpu.memory_space<vmem>>, %arg4: memref<3x32xi32, #tpu.memory_space<vmem>>, %arg5: memref<1x1x512xi32, #tpu.memory_space<vmem>>, %arg6: memref<8x2x512xi32, #tpu.memory_space<vmem>>, %arg7: memref<1x16xi32, #tpu.memory_space<vmem>>, %arg8: memref<1x16xi32, #tpu.memory_space<vmem>>, %arg9: memref<512x512xf32, #tpu.memory_space<vmem>>) attributes {dimension_semantics = [#tpu.dimension_semantics<arbitrary>], iteration_bounds = array<i64: 25>, scalar_prefetch = 0 : i64, scratch_operands = 4 : i64, tpu.core_type = #tpu.core_type<tc>, window_params = [{transform_indices = @transform_0, window_bounds = array<i64: 512, 768>}, {pipeline_mode = #tpu.pipeline_mode<synchronous>, transform_indices = @transform_1, window_bounds = array<i64: 768, 8>}, {pipeline_mode = #tpu.pipeline_mode<synchronous>, transform_indices = @transform_2, window_bounds = array<i64: 1, 8>}, {pipeline_mode = #tpu.pipeline_mode<synchronous>, transform_indices = @transform_3, window_bounds = array<i64: 3, 32>}, {transform_indices = @transform_4, window_bounds = array<i64: 1, 1, 512>}]} {
    %iota3A = tpu.iota {dimensions = array<i32: 1>} : vector<1x16xi32>
    %eq3A = arith.constant 0 : i32
    %eq3A_0 = arith.cmpi eq, %arg0, %eq3A : i32
    %convert_element_type3A = arith.extui %eq3A_0 : i1 to i32
    %cond3A = arith.constant 0 : i32
    %cond3A_1 = arith.cmpi ne, %convert_element_type3A, %cond3A : i32
    scf.if %cond3A_1 {
      %broadcast_in_dim3A = arith.constant 0 : i32
      %broadcast_in_dim3A_15 = vector.broadcast %broadcast_in_dim3A : i32 to vector<1x16xi32>
      %swap3A = arith.constant 0 : index
      %swap3A_16 = arith.constant 0 : index
      %swap3A_17 = vector.load %arg7[%swap3A, %swap3A_16] : memref<1x16xi32, #tpu.memory_space<vmem>>, vector<1x16xi32>
      tpu.vector_store %arg7[%swap3A, %swap3A_16], %broadcast_in_dim3A_15 {strides = array<i32>} : memref<1x16xi32, #tpu.memory_space<vmem>>, vector<1x16xi32>,
    } else {
    }
    %lt3A = arith.constant 8 : i32
    %lt3A_2 = arith.cmpi slt, %arg0, %lt3A : i32
    %convert_element_type3A_3 = arith.extui %lt3A_2 : i1 to i32
    %cond3A_4 = arith.constant 0 : i32
    %cond3A_5 = arith.cmpi ne, %convert_element_type3A_3, %cond3A_4 : i32
    scf.if %cond3A_5 {
      %get3A = arith.constant 0 : index
      %get3A_15 = arith.constant 0 : index
      %get3A_16 = vector.load %arg1[%get3A, %get3A_15] : memref<512x768xf32, #tpu.memory_space<vmem>>, vector<512x768xf32>
      %get3A_17 = arith.constant 0 : index
      %get3A_18 = arith.constant 0 : index
      %get3A_19 = vector.load %arg2[%get3A_17, %get3A_18] : memref<768x8xf32, #tpu.memory_space<vmem>>, vector<768x8xf32>
      %dot_general3A = arith.constant dense<0.000000e+00> : vector<512x8xf32>
      %dot_general3A_20 = tpu.matmul %get3A_16, %get3A_19, %dot_general3A {dimension_numbers = #tpu.dot_dimension_numbers<[1], [0], [0], [1], [0, 0, 1, 1], [], []>, transpose_lhs_hint = false} : vector<512x768xf32>, vector<768x8xf32>, vector<512x8xf32> -> vector<512x8xf32>
      %get3A_21 = arith.constant 0 : index
      %get3A_22 = arith.constant 0 : index
      %get3A_23 = vector.load %arg3[%get3A_21, %get3A_22] : memref<1x8xf32, #tpu.memory_space<vmem>>, vector<1x8xf32>
      %add3A = vector.broadcast %get3A_23 : vector<1x8xf32> to vector<512x8xf32>
      %add3A_24 = arith.addf %dot_general3A_20, %add3A : vector<512x8xf32>
      %iota3A_25 = tpu.iota {dimensions = array<i32: 1>} : vector<512x8xi32>
      %reduce_max3A = arith.constant dense<0xFF800000> : vector<512xf32>
      %reduce_max3A_26 = vector.multi_reduction <maximumf>, %add3A_24, %reduce_max3A [1] : vector<512x8xf32> to vector<512xf32>
      %broadcast_in_dim3A = vector.shape_cast %reduce_max3A_26 : vector<512xf32> to vector<512x1xf32>
      %eq3A_27 = vector.broadcast %broadcast_in_dim3A : vector<512x1xf32> to vector<512x8xf32>
      %eq3A_28 = arith.cmpf oeq, %add3A_24, %eq3A_27 : vector<512x8xf32>
      %jit3A = arith.constant 8 : i32
      %broadcast_in_dim3A_29 = vector.broadcast %jit3A : i32 to vector<512x8xi32>
      %select_n3A = arith.select %eq3A_28, %iota3A_25, %broadcast_in_dim3A_29 : vector<512x8xi1>, vector<512x8xi32>
      %reduce_min3A = arith.constant dense<2147483647> : vector<512xi32>
      %reduce_min3A_30 = vector.multi_reduction <minsi>, %select_n3A, %reduce_min3A [1] : vector<512x8xi32> to vector<512xi32>
      %broadcast_in_dim3A_31 = vector.shape_cast %reduce_min3A_30 : vector<512xi32> to vector<512x1xi32>
      %eq3A_32 = vector.broadcast %broadcast_in_dim3A_31 : vector<512x1xi32> to vector<512x8xi32>
      %eq3A_33 = arith.cmpi eq, %iota3A_25, %eq3A_32 : vector<512x8xi32>
      %jit3A_34 = arith.constant 0xFF800000 : f32
      %broadcast_in_dim3A_35 = vector.broadcast %jit3A_34 : f32 to vector<512x8xf32>
      %select_n3A_36 = arith.select %eq3A_33, %broadcast_in_dim3A_35, %add3A_24 : vector<512x8xi1>, vector<512x8xf32>
      %reduce_max3A_37 = arith.constant dense<0xFF800000> : vector<512xf32>
      %reduce_max3A_38 = vector.multi_reduction <maximumf>, %select_n3A_36, %reduce_max3A_37 [1] : vector<512x8xf32> to vector<512xf32>
      %broadcast_in_dim3A_39 = vector.shape_cast %reduce_max3A_38 : vector<512xf32> to vector<512x1xf32>
      %eq3A_40 = vector.broadcast %broadcast_in_dim3A_39 : vector<512x1xf32> to vector<512x8xf32>
      %eq3A_41 = arith.cmpf oeq, %select_n3A_36, %eq3A_40 : vector<512x8xf32>
      %jit3A_42 = arith.constant 8 : i32
      %broadcast_in_dim3A_43 = vector.broadcast %jit3A_42 : i32 to vector<512x8xi32>
      %select_n3A_44 = arith.select %eq3A_41, %iota3A_25, %broadcast_in_dim3A_43 : vector<512x8xi1>, vector<512x8xi32>
      %reduce_min3A_45 = arith.constant dense<2147483647> : vector<512xi32>
      %reduce_min3A_46 = vector.multi_reduction <minsi>, %select_n3A_44, %reduce_min3A_45 [1] : vector<512x8xi32> to vector<512xi32>
      %broadcast_in_dim3A_47 = vector.shape_cast %reduce_min3A_46 : vector<512xi32> to vector<512x1xi32>
      %ge3A = arith.constant 4 : i32
      %ge3A_48 = arith.cmpi sge, %arg0, %ge3A : i32
      %convert_element_type3A_49 = arith.extui %ge3A_48 : i1 to i32
      %mul3A = arith.constant 2 : i32
      %mul3A_50 = vector.broadcast %mul3A : i32 to vector<512x1xi32>
      %mul3A_51 = arith.muli %broadcast_in_dim3A_31, %mul3A_50 : vector<512x1xi32>
      %add3A_52 = vector.broadcast %convert_element_type3A_49 : i32 to vector<512x1xi32>
      %add3A_53 = arith.addi %mul3A_51, %add3A_52 : vector<512x1xi32>
      %mul3A_54 = arith.constant 2 : i32
      %mul3A_55 = vector.broadcast %mul3A_54 : i32 to vector<512x1xi32>
      %mul3A_56 = arith.muli %broadcast_in_dim3A_47, %mul3A_55 : vector<512x1xi32>
      %add3A_57 = vector.broadcast %convert_element_type3A_49 : i32 to vector<512x1xi32>
      %add3A_58 = arith.addi %mul3A_56, %add3A_57 : vector<512x1xi32>
      %squeeze3A = vector.shape_cast %add3A_53 : vector<512x1xi32> to vector<512xi32>
      %swap3A = arith.index_cast %arg0 : i32 to index
      %swap3A_59 = arith.constant 0 : index
      %swap3A_60 = arith.constant 0 : index
      %swap3A_61 = vector.load %arg6[%swap3A, %swap3A_59, %swap3A_60] : memref<8x2x512xi32, #tpu.memory_space<vmem>>, vector<1x1x512xi32>
      %swap3A_62 = vector.shape_cast %swap3A_61 : vector<1x1x512xi32> to vector<512xi32>
      %swap3A_63 = vector.shape_cast %squeeze3A : vector<512xi32> to vector<1x1x512xi32>
      tpu.vector_store %arg6[%swap3A, %swap3A_59, %swap3A_60], %swap3A_63 {strides = array<i32>} : memref<8x2x512xi32, #tpu.memory_space<vmem>>, vector<1x1x512xi32>,
      %squeeze3A_64 = vector.shape_cast %add3A_58 : vector<512x1xi32> to vector<512xi32>
      %swap3A_65 = arith.index_cast %arg0 : i32 to index
      %swap3A_66 = arith.constant 1 : index
      %swap3A_67 = arith.constant 0 : index
      %swap3A_68 = vector.load %arg6[%swap3A_65, %swap3A_66, %swap3A_67] : memref<8x2x512xi32, #tpu.memory_space<vmem>>, vector<1x1x512xi32>
      %swap3A_69 = vector.shape_cast %swap3A_68 : vector<1x1x512xi32> to vector<512xi32>
      %swap3A_70 = vector.shape_cast %squeeze3A_64 : vector<512xi32> to vector<1x1x512xi32>
      tpu.vector_store %arg6[%swap3A_65, %swap3A_66, %swap3A_67], %swap3A_70 {strides = array<i32>} : memref<8x2x512xi32, #tpu.memory_space<vmem>>, vector<1x1x512xi32>,
      %eq3A_71 = vector.broadcast %add3A_53 : vector<512x1xi32> to vector<512x16xi32>
      %eq3A_72 = vector.broadcast %iota3A : vector<1x16xi32> to vector<512x16xi32>
      %eq3A_73 = arith.cmpi eq, %eq3A_71, %eq3A_72 : vector<512x16xi32>
      %convert_element_type3A_74 = arith.extui %eq3A_73 : vector<512x16xi1> to vector<512x16xi32>
      %eq3A_75 = vector.broadcast %add3A_58 : vector<512x1xi32> to vector<512x16xi32>
      %eq3A_76 = vector.broadcast %iota3A : vector<1x16xi32> to vector<512x16xi32>
      %eq3A_77 = arith.cmpi eq, %eq3A_75, %eq3A_76 : vector<512x16xi32>
      %convert_element_type3A_78 = arith.extui %eq3A_77 : vector<512x16xi1> to vector<512x16xi32>
      %add3A_79 = arith.addi %convert_element_type3A_74, %convert_element_type3A_78 : vector<512x16xi32>
      %get3A_80 = arith.constant 0 : index
      %get3A_81 = arith.constant 0 : index
      %get3A_82 = vector.load %arg7[%get3A_80, %get3A_81] : memref<1x16xi32, #tpu.memory_space<vmem>>, vector<1x16xi32>
      %reduce_sum3A = arith.constant dense<0> : vector<16xi32>
      %reduce_sum3A_83 = vector.multi_reduction <add>, %add3A_79, %reduce_sum3A [0] : vector<512x16xi32> to vector<16xi32>
      %broadcast_in_dim3A_84 = vector.shape_cast %reduce_sum3A_83 : vector<16xi32> to vector<1x16xi32>
      %add3A_85 = arith.addi %get3A_82, %broadcast_in_dim3A_84 : vector<1x16xi32>
      %swap3A_86 = arith.constant 0 : index
      %swap3A_87 = arith.constant 0 : index
      %swap3A_88 = vector.load %arg7[%swap3A_86, %swap3A_87] : memref<1x16xi32, #tpu.memory_space<vmem>>, vector<1x16xi32>
      tpu.vector_store %arg7[%swap3A_86, %swap3A_87], %add3A_85 {strides = array<i32>} : memref<1x16xi32, #tpu.memory_space<vmem>>, vector<1x16xi32>,
    } else {
    }
    %eq3A_6 = arith.constant 8 : i32
    %eq3A_7 = arith.cmpi eq, %arg0, %eq3A_6 : i32
    %convert_element_type3A_8 = arith.extui %eq3A_7 : i1 to i32
    %cond3A_9 = arith.constant 0 : i32
    %cond3A_10 = arith.cmpi ne, %convert_element_type3A_8, %cond3A_9 : i32
    scf.if %cond3A_10 {
      %get3A = arith.constant 0 : index
      %get3A_15 = arith.constant 0 : index
      %get3A_16 = vector.load %arg7[%get3A, %get3A_15] : memref<1x16xi32, #tpu.memory_space<vmem>>, vector<1x16xi32>
      %iota3A_17 = tpu.iota {dimensions = array<i32: 1>} : vector<1x32xi32>
      %slice3A = vector.extract_strided_slice %get3A_16 {offsets = [0, 0], sizes = [1, 1], strides = [1, 1]} : vector<1x16xi32> to vector<1x1xi32>
      %squeeze3A = vector.extract %slice3A[0, 0] : i32 from vector<1x1xi32>
      %slice3A_18 = vector.extract_strided_slice %get3A_16 {offsets = [0, 1], sizes = [1, 1], strides = [1, 1]} : vector<1x16xi32> to vector<1x1xi32>
      %squeeze3A_19 = vector.extract %slice3A_18[0, 0] : i32 from vector<1x1xi32>
      %add3A = arith.addi %squeeze3A, %squeeze3A_19 : i32
      %add3A_20 = arith.constant 511 : i32
      %add3A_21 = arith.addi %add3A, %add3A_20 : i32
      %shift_right_arithmetic3A = arith.constant 9 : i32
      %shift_right_arithmetic3A_22 = arith.shrsi %add3A_21, %shift_right_arithmetic3A : i32
      %max3A = arith.constant 1 : i32
      %max3A_23 = arith.maxsi %shift_right_arithmetic3A_22, %max3A : i32
      %add3A_24 = arith.constant 0 : i32
      %add3A_25 = arith.addi %add3A_24, %max3A_23 : i32
      %slice3A_26 = vector.extract_strided_slice %get3A_16 {offsets = [0, 2], sizes = [1, 1], strides = [1, 1]} : vector<1x16xi32> to vector<1x1xi32>
      %squeeze3A_27 = vector.extract %slice3A_26[0, 0] : i32 from vector<1x1xi32>
      %slice3A_28 = vector.extract_strided_slice %get3A_16 {offsets = [0, 3], sizes = [1, 1], strides = [1, 1]} : vector<1x16xi32> to vector<1x1xi32>
      %squeeze3A_29 = vector.extract %slice3A_28[0, 0] : i32 from vector<1x1xi32>
      %add3A_30 = arith.addi %squeeze3A_27, %squeeze3A_29 : i32
      %add3A_31 = arith.constant 511 : i32
      %add3A_32 = arith.addi %add3A_30, %add3A_31 : i32
      %shift_right_arithmetic3A_33 = arith.constant 9 : i32
      %shift_right_arithmetic3A_34 = arith.shrsi %add3A_32, %shift_right_arithmetic3A_33 : i32
      %max3A_35 = arith.constant 1 : i32
      %max3A_36 = arith.maxsi %shift_right_arithmetic3A_34, %max3A_35 : i32
      %add3A_37 = arith.addi %add3A_25, %max3A_36 : i32
      %slice3A_38 = vector.extract_strided_slice %get3A_16 {offsets = [0, 4], sizes = [1, 1], strides = [1, 1]} : vector<1x16xi32> to vector<1x1xi32>
      %squeeze3A_39 = vector.extract %slice3A_38[0, 0] : i32 from vector<1x1xi32>
      %slice3A_40 = vector.extract_strided_slice %get3A_16 {offsets = [0, 5], sizes = [1, 1], strides = [1, 1]} : vector<1x16xi32> to vector<1x1xi32>
      %squeeze3A_41 = vector.extract %slice3A_40[0, 0] : i32 from vector<1x1xi32>
      %add3A_42 = arith.addi %squeeze3A_39, %squeeze3A_41 : i32
      %add3A_43 = arith.constant 511 : i32
      %add3A_44 = arith.addi %add3A_42, %add3A_43 : i32
      %shift_right_arithmetic3A_45 = arith.constant 9 : i32
      %shift_right_arithmetic3A_46 = arith.shrsi %add3A_44, %shift_right_arithmetic3A_45 : i32
      %max3A_47 = arith.constant 1 : i32
      %max3A_48 = arith.maxsi %shift_right_arithmetic3A_46, %max3A_47 : i32
      %add3A_49 = arith.addi %add3A_37, %max3A_48 : i32
      %slice3A_50 = vector.extract_strided_slice %get3A_16 {offsets = [0, 6], sizes = [1, 1], strides = [1, 1]} : vector<1x16xi32> to vector<1x1xi32>
      %squeeze3A_51 = vector.extract %slice3A_50[0, 0] : i32 from vector<1x1xi32>
      %slice3A_52 = vector.extract_strided_slice %get3A_16 {offsets = [0, 7], sizes = [1, 1], strides = [1, 1]} : vector<1x16xi32> to vector<1x1xi32>
      %squeeze3A_53 = vector.extract %slice3A_52[0, 0] : i32 from vector<1x1xi32>
      %add3A_54 = arith.addi %squeeze3A_51, %squeeze3A_53 : i32
      %add3A_55 = arith.constant 511 : i32
      %add3A_56 = arith.addi %add3A_54, %add3A_55 : i32
      %shift_right_arithmetic3A_57 = arith.constant 9 : i32
      %shift_right_arithmetic3A_58 = arith.shrsi %add3A_56, %shift_right_arithmetic3A_57 : i32
      %max3A_59 = arith.constant 1 : i32
      %max3A_60 = arith.maxsi %shift_right_arithmetic3A_58, %max3A_59 : i32
      %add3A_61 = arith.addi %add3A_49, %max3A_60 : i32
      %slice3A_62 = vector.extract_strided_slice %get3A_16 {offsets = [0, 8], sizes = [1, 1], strides = [1, 1]} : vector<1x16xi32> to vector<1x1xi32>
      %squeeze3A_63 = vector.extract %slice3A_62[0, 0] : i32 from vector<1x1xi32>
      %slice3A_64 = vector.extract_strided_slice %get3A_16 {offsets = [0, 9], sizes = [1, 1], strides = [1, 1]} : vector<1x16xi32> to vector<1x1xi32>
      %squeeze3A_65 = vector.extract %slice3A_64[0, 0] : i32 from vector<1x1xi32>
      %add3A_66 = arith.addi %squeeze3A_63, %squeeze3A_65 : i32
      %add3A_67 = arith.constant 511 : i32
      %add3A_68 = arith.addi %add3A_66, %add3A_67 : i32
      %shift_right_arithmetic3A_69 = arith.constant 9 : i32
      %shift_right_arithmetic3A_70 = arith.shrsi %add3A_68, %shift_right_arithmetic3A_69 : i32
      %max3A_71 = arith.constant 1 : i32
      %max3A_72 = arith.maxsi %shift_right_arithmetic3A_70, %max3A_71 : i32
      %add3A_73 = arith.addi %add3A_61, %max3A_72 : i32
      %slice3A_74 = vector.extract_strided_slice %get3A_16 {offsets = [0, 10], sizes = [1, 1], strides = [1, 1]} : vector<1x16xi32> to vector<1x1xi32>
      %squeeze3A_75 = vector.extract %slice3A_74[0, 0] : i32 from vector<1x1xi32>
      %slice3A_76 = vector.extract_strided_slice %get3A_16 {offsets = [0, 11], sizes = [1, 1], strides = [1, 1]} : vector<1x16xi32> to vector<1x1xi32>
      %squeeze3A_77 = vector.extract %slice3A_76[0, 0] : i32 from vector<1x1xi32>
      %add3A_78 = arith.addi %squeeze3A_75, %squeeze3A_77 : i32
      %add3A_79 = arith.constant 511 : i32
      %add3A_80 = arith.addi %add3A_78, %add3A_79 : i32
      %shift_right_arithmetic3A_81 = arith.constant 9 : i32
      %shift_right_arithmetic3A_82 = arith.shrsi %add3A_80, %shift_right_arithmetic3A_81 : i32
      %max3A_83 = arith.constant 1 : i32
      %max3A_84 = arith.maxsi %shift_right_arithmetic3A_82, %max3A_83 : i32
      %add3A_85 = arith.addi %add3A_73, %max3A_84 : i32
      %slice3A_86 = vector.extract_strided_slice %get3A_16 {offsets = [0, 12], sizes = [1, 1], strides = [1, 1]} : vector<1x16xi32> to vector<1x1xi32>
      %squeeze3A_87 = vector.extract %slice3A_86[0, 0] : i32 from vector<1x1xi32>
      %slice3A_88 = vector.extract_strided_slice %get3A_16 {offsets = [0, 13], sizes = [1, 1], strides = [1, 1]} : vector<1x16xi32> to vector<1x1xi32>
      %squeeze3A_89 = vector.extract %slice3A_88[0, 0] : i32 from vector<1x1xi32>
      %add3A_90 = arith.addi %squeeze3A_87, %squeeze3A_89 : i32
      %add3A_91 = arith.constant 511 : i32
      %add3A_92 = arith.addi %add3A_90, %add3A_91 : i32
      %shift_right_arithmetic3A_93 = arith.constant 9 : i32
      %shift_right_arithmetic3A_94 = arith.shrsi %add3A_92, %shift_right_arithmetic3A_93 : i32
      %max3A_95 = arith.constant 1 : i32
      %max3A_96 = arith.maxsi %shift_right_arithmetic3A_94, %max3A_95 : i32
      %add3A_97 = arith.addi %add3A_85, %max3A_96 : i32
      %slice3A_98 = vector.extract_strided_slice %get3A_16 {offsets = [0, 14], sizes = [1, 1], strides = [1, 1]} : vector<1x16xi32> to vector<1x1xi32>
      %squeeze3A_99 = vector.extract %slice3A_98[0, 0] : i32 from vector<1x1xi32>
      %slice3A_100 = vector.extract_strided_slice %get3A_16 {offsets = [0, 15], sizes = [1, 1], strides = [1, 1]} : vector<1x16xi32> to vector<1x1xi32>
      %squeeze3A_101 = vector.extract %slice3A_100[0, 0] : i32 from vector<1x1xi32>
      %add3A_102 = arith.addi %squeeze3A_99, %squeeze3A_101 : i32
      %add3A_103 = arith.constant 511 : i32
      %add3A_104 = arith.addi %add3A_102, %add3A_103 : i32
      %shift_right_arithmetic3A_105 = arith.constant 9 : i32
      %shift_right_arithmetic3A_106 = arith.shrsi %add3A_104, %shift_right_arithmetic3A_105 : i32
      %max3A_107 = arith.constant 1 : i32
      %max3A_108 = arith.maxsi %shift_right_arithmetic3A_106, %max3A_107 : i32
      %add3A_109 = arith.addi %add3A_97, %max3A_108 : i32
      %broadcast_in_dim3A = arith.constant 0 : i32
      %broadcast_in_dim3A_110 = vector.broadcast %broadcast_in_dim3A : i32 to vector<1x32xi32>
      %ge3A = vector.broadcast %add3A_25 : i32 to vector<1x32xi32>
      %ge3A_111 = arith.cmpi sge, %iota3A_17, %ge3A : vector<1x32xi32>
      %convert_element_type3A_112 = arith.extui %ge3A_111 : vector<1x32xi1> to vector<1x32xi32>
      %add3A_113 = arith.addi %broadcast_in_dim3A_110, %convert_element_type3A_112 : vector<1x32xi32>
      %ge3A_114 = vector.broadcast %add3A_37 : i32 to vector<1x32xi32>
      %ge3A_115 = arith.cmpi sge, %iota3A_17, %ge3A_114 : vector<1x32xi32>
      %convert_element_type3A_116 = arith.extui %ge3A_115 : vector<1x32xi1> to vector<1x32xi32>
      %add3A_117 = arith.addi %add3A_113, %convert_element_type3A_116 : vector<1x32xi32>
      %ge3A_118 = vector.broadcast %add3A_49 : i32 to vector<1x32xi32>
      %ge3A_119 = arith.cmpi sge, %iota3A_17, %ge3A_118 : vector<1x32xi32>
      %convert_element_type3A_120 = arith.extui %ge3A_119 : vector<1x32xi1> to vector<1x32xi32>
      %add3A_121 = arith.addi %add3A_117, %convert_element_type3A_120 : vector<1x32xi32>
      %ge3A_122 = vector.broadcast %add3A_61 : i32 to vector<1x32xi32>
      %ge3A_123 = arith.cmpi sge, %iota3A_17, %ge3A_122 : vector<1x32xi32>
      %convert_element_type3A_124 = arith.extui %ge3A_123 : vector<1x32xi1> to vector<1x32xi32>
      %add3A_125 = arith.addi %add3A_121, %convert_element_type3A_124 : vector<1x32xi32>
      %ge3A_126 = vector.broadcast %add3A_73 : i32 to vector<1x32xi32>
      %ge3A_127 = arith.cmpi sge, %iota3A_17, %ge3A_126 : vector<1x32xi32>
      %convert_element_type3A_128 = arith.extui %ge3A_127 : vector<1x32xi1> to vector<1x32xi32>
      %add3A_129 = arith.addi %add3A_125, %convert_element_type3A_128 : vector<1x32xi32>
      %ge3A_130 = vector.broadcast %add3A_85 : i32 to vector<1x32xi32>
      %ge3A_131 = arith.cmpi sge, %iota3A_17, %ge3A_130 : vector<1x32xi32>
      %convert_element_type3A_132 = arith.extui %ge3A_131 : vector<1x32xi1> to vector<1x32xi32>
      %add3A_133 = arith.addi %add3A_129, %convert_element_type3A_132 : vector<1x32xi32>
      %ge3A_134 = vector.broadcast %add3A_97 : i32 to vector<1x32xi32>
      %ge3A_135 = arith.cmpi sge, %iota3A_17, %ge3A_134 : vector<1x32xi32>
      %convert_element_type3A_136 = arith.extui %ge3A_135 : vector<1x32xi1> to vector<1x32xi32>
      %add3A_137 = arith.addi %add3A_133, %convert_element_type3A_136 : vector<1x32xi32>
      %ge3A_138 = vector.broadcast %add3A_109 : i32 to vector<1x32xi32>
      %ge3A_139 = arith.cmpi sge, %iota3A_17, %ge3A_138 : vector<1x32xi32>
      %convert_element_type3A_140 = arith.extui %ge3A_139 : vector<1x32xi1> to vector<1x32xi32>
      %add3A_141 = arith.addi %add3A_137, %convert_element_type3A_140 : vector<1x32xi32>
      %min3A = arith.constant 7 : i32
      %min3A_142 = vector.broadcast %min3A : i32 to vector<1x32xi32>
      %min3A_143 = arith.minsi %add3A_141, %min3A_142 : vector<1x32xi32>
      %broadcast_in_dim3A_144 = arith.constant 0 : i32
      %broadcast_in_dim3A_145 = vector.broadcast %broadcast_in_dim3A_144 : i32 to vector<1x32xi32>
      %broadcast_in_dim3A_146 = arith.constant 0 : i32
      %broadcast_in_dim3A_147 = vector.broadcast %broadcast_in_dim3A_146 : i32 to vector<1x32xi32>
      %broadcast_in_dim3A_148 = arith.constant 0 : i32
      %broadcast_in_dim3A_149 = vector.broadcast %broadcast_in_dim3A_148 : i32 to vector<1x32xi32>
      %broadcast_in_dim3A_150 = arith.constant 0 : i32
      %broadcast_in_dim3A_151 = vector.broadcast %broadcast_in_dim3A_150 : i32 to vector<1x16xi32>
      %eq3A_152 = arith.constant 0 : i32
      %eq3A_153 = vector.broadcast %eq3A_152 : i32 to vector<1x32xi32>
      %eq3A_154 = arith.cmpi eq, %min3A_143, %eq3A_153 : vector<1x32xi32>
      %jit3A = arith.constant 0 : i32
      %broadcast_in_dim3A_155 = vector.broadcast %jit3A : i32 to vector<1x32xi32>
      %select_n3A = arith.select %eq3A_154, %broadcast_in_dim3A_155, %broadcast_in_dim3A_145 : vector<1x32xi1>, vector<1x32xi32>
      %slice3A_156 = vector.extract_strided_slice %get3A_16 {offsets = [0, 0], sizes = [1, 1], strides = [1, 1]} : vector<1x16xi32> to vector<1x1xi32>
      %squeeze3A_157 = vector.extract %slice3A_156[0, 0] : i32 from vector<1x1xi32>
      %broadcast_in_dim3A_158 = vector.broadcast %squeeze3A_157 : i32 to vector<1x32xi32>
      %select_n3A_159 = arith.select %eq3A_154, %broadcast_in_dim3A_158, %broadcast_in_dim3A_147 : vector<1x32xi1>, vector<1x32xi32>
      %slice3A_160 = vector.extract_strided_slice %get3A_16 {offsets = [0, 1], sizes = [1, 1], strides = [1, 1]} : vector<1x16xi32> to vector<1x1xi32>
      %squeeze3A_161 = vector.extract %slice3A_160[0, 0] : i32 from vector<1x1xi32>
      %broadcast_in_dim3A_162 = vector.broadcast %squeeze3A_161 : i32 to vector<1x32xi32>
      %select_n3A_163 = arith.select %eq3A_154, %broadcast_in_dim3A_162, %broadcast_in_dim3A_149 : vector<1x32xi1>, vector<1x32xi32>
      %eq3A_164 = arith.constant 0 : i32
      %eq3A_165 = vector.broadcast %eq3A_164 : i32 to vector<1x16xi32>
      %eq3A_166 = arith.cmpi eq, %iota3A, %eq3A_165 : vector<1x16xi32>
      %jit3A_167 = arith.constant 0 : i32
      %broadcast_in_dim3A_168 = vector.broadcast %jit3A_167 : i32 to vector<1x16xi32>
      %select_n3A_169 = arith.select %eq3A_166, %broadcast_in_dim3A_168, %broadcast_in_dim3A_151 : vector<1x16xi1>, vector<1x16xi32>
      %eq3A_170 = arith.constant 1 : i32
      %eq3A_171 = vector.broadcast %eq3A_170 : i32 to vector<1x16xi32>
      %eq3A_172 = arith.cmpi eq, %iota3A, %eq3A_171 : vector<1x16xi32>
      %slice3A_173 = vector.extract_strided_slice %get3A_16 {offsets = [0, 0], sizes = [1, 1], strides = [1, 1]} : vector<1x16xi32> to vector<1x1xi32>
      %squeeze3A_174 = vector.extract %slice3A_173[0, 0] : i32 from vector<1x1xi32>
      %add3A_175 = arith.constant 0 : i32
      %add3A_176 = arith.addi %add3A_175, %squeeze3A_174 : i32
      %broadcast_in_dim3A_177 = vector.broadcast %add3A_176 : i32 to vector<1x16xi32>
      %select_n3A_178 = arith.select %eq3A_172, %broadcast_in_dim3A_177, %select_n3A_169 : vector<1x16xi1>, vector<1x16xi32>
      %eq3A_179 = arith.constant 1 : i32
      %eq3A_180 = vector.broadcast %eq3A_179 : i32 to vector<1x32xi32>
      %eq3A_181 = arith.cmpi eq, %min3A_143, %eq3A_180 : vector<1x32xi32>
      %mul3A = arith.constant 512 : i32
      %mul3A_182 = arith.muli %add3A_25, %mul3A : i32
      %broadcast_in_dim3A_183 = vector.broadcast %mul3A_182 : i32 to vector<1x32xi32>
      %select_n3A_184 = arith.select %eq3A_181, %broadcast_in_dim3A_183, %select_n3A : vector<1x32xi1>, vector<1x32xi32>
      %slice3A_185 = vector.extract_strided_slice %get3A_16 {offsets = [0, 2], sizes = [1, 1], strides = [1, 1]} : vector<1x16xi32> to vector<1x1xi32>
      %squeeze3A_186 = vector.extract %slice3A_185[0, 0] : i32 from vector<1x1xi32>
      %broadcast_in_dim3A_187 = vector.broadcast %squeeze3A_186 : i32 to vector<1x32xi32>
      %select_n3A_188 = arith.select %eq3A_181, %broadcast_in_dim3A_187, %select_n3A_159 : vector<1x32xi1>, vector<1x32xi32>
      %slice3A_189 = vector.extract_strided_slice %get3A_16 {offsets = [0, 3], sizes = [1, 1], strides = [1, 1]} : vector<1x16xi32> to vector<1x1xi32>
      %squeeze3A_190 = vector.extract %slice3A_189[0, 0] : i32 from vector<1x1xi32>
      %broadcast_in_dim3A_191 = vector.broadcast %squeeze3A_190 : i32 to vector<1x32xi32>
      %select_n3A_192 = arith.select %eq3A_181, %broadcast_in_dim3A_191, %select_n3A_163 : vector<1x32xi1>, vector<1x32xi32>
      %eq3A_193 = arith.constant 2 : i32
      %eq3A_194 = vector.broadcast %eq3A_193 : i32 to vector<1x16xi32>
      %eq3A_195 = arith.cmpi eq, %iota3A, %eq3A_194 : vector<1x16xi32>
      %broadcast_in_dim3A_196 = vector.broadcast %mul3A_182 : i32 to vector<1x16xi32>
      %select_n3A_197 = arith.select %eq3A_195, %broadcast_in_dim3A_196, %select_n3A_178 : vector<1x16xi1>, vector<1x16xi32>
      %eq3A_198 = arith.constant 3 : i32
      %eq3A_199 = vector.broadcast %eq3A_198 : i32 to vector<1x16xi32>
      %eq3A_200 = arith.cmpi eq, %iota3A, %eq3A_199 : vector<1x16xi32>
      %slice3A_201 = vector.extract_strided_slice %get3A_16 {offsets = [0, 2], sizes = [1, 1], strides = [1, 1]} : vector<1x16xi32> to vector<1x1xi32>
      %squeeze3A_202 = vector.extract %slice3A_201[0, 0] : i32 from vector<1x1xi32>
      %add3A_203 = arith.addi %mul3A_182, %squeeze3A_202 : i32
      %broadcast_in_dim3A_204 = vector.broadcast %add3A_203 : i32 to vector<1x16xi32>
      %select_n3A_205 = arith.select %eq3A_200, %broadcast_in_dim3A_204, %select_n3A_197 : vector<1x16xi1>, vector<1x16xi32>
      %eq3A_206 = arith.constant 2 : i32
      %eq3A_207 = vector.broadcast %eq3A_206 : i32 to vector<1x32xi32>
      %eq3A_208 = arith.cmpi eq, %min3A_143, %eq3A_207 : vector<1x32xi32>
      %mul3A_209 = arith.constant 512 : i32
      %mul3A_210 = arith.muli %add3A_37, %mul3A_209 : i32
      %broadcast_in_dim3A_211 = vector.broadcast %mul3A_210 : i32 to vector<1x32xi32>
      %select_n3A_212 = arith.select %eq3A_208, %broadcast_in_dim3A_211, %select_n3A_184 : vector<1x32xi1>, vector<1x32xi32>
      %slice3A_213 = vector.extract_strided_slice %get3A_16 {offsets = [0, 4], sizes = [1, 1], strides = [1, 1]} : vector<1x16xi32> to vector<1x1xi32>
      %squeeze3A_214 = vector.extract %slice3A_213[0, 0] : i32 from vector<1x1xi32>
      %broadcast_in_dim3A_215 = vector.broadcast %squeeze3A_214 : i32 to vector<1x32xi32>
      %select_n3A_216 = arith.select %eq3A_208, %broadcast_in_dim3A_215, %select_n3A_188 : vector<1x32xi1>, vector<1x32xi32>
      %slice3A_217 = vector.extract_strided_slice %get3A_16 {offsets = [0, 5], sizes = [1, 1], strides = [1, 1]} : vector<1x16xi32> to vector<1x1xi32>
      %squeeze3A_218 = vector.extract %slice3A_217[0, 0] : i32 from vector<1x1xi32>
      %broadcast_in_dim3A_219 = vector.broadcast %squeeze3A_218 : i32 to vector<1x32xi32>
      %select_n3A_220 = arith.select %eq3A_208, %broadcast_in_dim3A_219, %select_n3A_192 : vector<1x32xi1>, vector<1x32xi32>
      %eq3A_221 = arith.constant 4 : i32
      %eq3A_222 = vector.broadcast %eq3A_221 : i32 to vector<1x16xi32>
      %eq3A_223 = arith.cmpi eq, %iota3A, %eq3A_222 : vector<1x16xi32>
      %broadcast_in_dim3A_224 = vector.broadcast %mul3A_210 : i32 to vector<1x16xi32>
      %select_n3A_225 = arith.select %eq3A_223, %broadcast_in_dim3A_224, %select_n3A_205 : vector<1x16xi1>, vector<1x16xi32>
      %eq3A_226 = arith.constant 5 : i32
      %eq3A_227 = vector.broadcast %eq3A_226 : i32 to vector<1x16xi32>
      %eq3A_228 = arith.cmpi eq, %iota3A, %eq3A_227 : vector<1x16xi32>
      %slice3A_229 = vector.extract_strided_slice %get3A_16 {offsets = [0, 4], sizes = [1, 1], strides = [1, 1]} : vector<1x16xi32> to vector<1x1xi32>
      %squeeze3A_230 = vector.extract %slice3A_229[0, 0] : i32 from vector<1x1xi32>
      %add3A_231 = arith.addi %mul3A_210, %squeeze3A_230 : i32
      %broadcast_in_dim3A_232 = vector.broadcast %add3A_231 : i32 to vector<1x16xi32>
      %select_n3A_233 = arith.select %eq3A_228, %broadcast_in_dim3A_232, %select_n3A_225 : vector<1x16xi1>, vector<1x16xi32>
      %eq3A_234 = arith.constant 3 : i32
      %eq3A_235 = vector.broadcast %eq3A_234 : i32 to vector<1x32xi32>
      %eq3A_236 = arith.cmpi eq, %min3A_143, %eq3A_235 : vector<1x32xi32>
      %mul3A_237 = arith.constant 512 : i32
      %mul3A_238 = arith.muli %add3A_49, %mul3A_237 : i32
      %broadcast_in_dim3A_239 = vector.broadcast %mul3A_238 : i32 to vector<1x32xi32>
      %select_n3A_240 = arith.select %eq3A_236, %broadcast_in_dim3A_239, %select_n3A_212 : vector<1x32xi1>, vector<1x32xi32>
      %slice3A_241 = vector.extract_strided_slice %get3A_16 {offsets = [0, 6], sizes = [1, 1], strides = [1, 1]} : vector<1x16xi32> to vector<1x1xi32>
      %squeeze3A_242 = vector.extract %slice3A_241[0, 0] : i32 from vector<1x1xi32>
      %broadcast_in_dim3A_243 = vector.broadcast %squeeze3A_242 : i32 to vector<1x32xi32>
      %select_n3A_244 = arith.select %eq3A_236, %broadcast_in_dim3A_243, %select_n3A_216 : vector<1x32xi1>, vector<1x32xi32>
      %slice3A_245 = vector.extract_strided_slice %get3A_16 {offsets = [0, 7], sizes = [1, 1], strides = [1, 1]} : vector<1x16xi32> to vector<1x1xi32>
      %squeeze3A_246 = vector.extract %slice3A_245[0, 0] : i32 from vector<1x1xi32>
      %broadcast_in_dim3A_247 = vector.broadcast %squeeze3A_246 : i32 to vector<1x32xi32>
      %select_n3A_248 = arith.select %eq3A_236, %broadcast_in_dim3A_247, %select_n3A_220 : vector<1x32xi1>, vector<1x32xi32>
      %eq3A_249 = arith.constant 6 : i32
      %eq3A_250 = vector.broadcast %eq3A_249 : i32 to vector<1x16xi32>
      %eq3A_251 = arith.cmpi eq, %iota3A, %eq3A_250 : vector<1x16xi32>
      %broadcast_in_dim3A_252 = vector.broadcast %mul3A_238 : i32 to vector<1x16xi32>
      %select_n3A_253 = arith.select %eq3A_251, %broadcast_in_dim3A_252, %select_n3A_233 : vector<1x16xi1>, vector<1x16xi32>
      %eq3A_254 = arith.constant 7 : i32
      %eq3A_255 = vector.broadcast %eq3A_254 : i32 to vector<1x16xi32>
      %eq3A_256 = arith.cmpi eq, %iota3A, %eq3A_255 : vector<1x16xi32>
      %slice3A_257 = vector.extract_strided_slice %get3A_16 {offsets = [0, 6], sizes = [1, 1], strides = [1, 1]} : vector<1x16xi32> to vector<1x1xi32>
      %squeeze3A_258 = vector.extract %slice3A_257[0, 0] : i32 from vector<1x1xi32>
      %add3A_259 = arith.addi %mul3A_238, %squeeze3A_258 : i32
      %broadcast_in_dim3A_260 = vector.broadcast %add3A_259 : i32 to vector<1x16xi32>
      %select_n3A_261 = arith.select %eq3A_256, %broadcast_in_dim3A_260, %select_n3A_253 : vector<1x16xi1>, vector<1x16xi32>
      %eq3A_262 = arith.constant 4 : i32
      %eq3A_263 = vector.broadcast %eq3A_262 : i32 to vector<1x32xi32>
      %eq3A_264 = arith.cmpi eq, %min3A_143, %eq3A_263 : vector<1x32xi32>
      %mul3A_265 = arith.constant 512 : i32
      %mul3A_266 = arith.muli %add3A_61, %mul3A_265 : i32
      %broadcast_in_dim3A_267 = vector.broadcast %mul3A_266 : i32 to vector<1x32xi32>
      %select_n3A_268 = arith.select %eq3A_264, %broadcast_in_dim3A_267, %select_n3A_240 : vector<1x32xi1>, vector<1x32xi32>
      %slice3A_269 = vector.extract_strided_slice %get3A_16 {offsets = [0, 8], sizes = [1, 1], strides = [1, 1]} : vector<1x16xi32> to vector<1x1xi32>
      %squeeze3A_270 = vector.extract %slice3A_269[0, 0] : i32 from vector<1x1xi32>
      %broadcast_in_dim3A_271 = vector.broadcast %squeeze3A_270 : i32 to vector<1x32xi32>
      %select_n3A_272 = arith.select %eq3A_264, %broadcast_in_dim3A_271, %select_n3A_244 : vector<1x32xi1>, vector<1x32xi32>
      %slice3A_273 = vector.extract_strided_slice %get3A_16 {offsets = [0, 9], sizes = [1, 1], strides = [1, 1]} : vector<1x16xi32> to vector<1x1xi32>
      %squeeze3A_274 = vector.extract %slice3A_273[0, 0] : i32 from vector<1x1xi32>
      %broadcast_in_dim3A_275 = vector.broadcast %squeeze3A_274 : i32 to vector<1x32xi32>
      %select_n3A_276 = arith.select %eq3A_264, %broadcast_in_dim3A_275, %select_n3A_248 : vector<1x32xi1>, vector<1x32xi32>
      %eq3A_277 = arith.constant 8 : i32
      %eq3A_278 = vector.broadcast %eq3A_277 : i32 to vector<1x16xi32>
      %eq3A_279 = arith.cmpi eq, %iota3A, %eq3A_278 : vector<1x16xi32>
      %broadcast_in_dim3A_280 = vector.broadcast %mul3A_266 : i32 to vector<1x16xi32>
      %select_n3A_281 = arith.select %eq3A_279, %broadcast_in_dim3A_280, %select_n3A_261 : vector<1x16xi1>, vector<1x16xi32>
      %eq3A_282 = arith.constant 9 : i32
      %eq3A_283 = vector.broadcast %eq3A_282 : i32 to vector<1x16xi32>
      %eq3A_284 = arith.cmpi eq, %iota3A, %eq3A_283 : vector<1x16xi32>
      %slice3A_285 = vector.extract_strided_slice %get3A_16 {offsets = [0, 8], sizes = [1, 1], strides = [1, 1]} : vector<1x16xi32> to vector<1x1xi32>
      %squeeze3A_286 = vector.extract %slice3A_285[0, 0] : i32 from vector<1x1xi32>
      %add3A_287 = arith.addi %mul3A_266, %squeeze3A_286 : i32
      %broadcast_in_dim3A_288 = vector.broadcast %add3A_287 : i32 to vector<1x16xi32>
      %select_n3A_289 = arith.select %eq3A_284, %broadcast_in_dim3A_288, %select_n3A_281 : vector<1x16xi1>, vector<1x16xi32>
      %eq3A_290 = arith.constant 5 : i32
      %eq3A_291 = vector.broadcast %eq3A_290 : i32 to vector<1x32xi32>
      %eq3A_292 = arith.cmpi eq, %min3A_143, %eq3A_291 : vector<1x32xi32>
      %mul3A_293 = arith.constant 512 : i32
      %mul3A_294 = arith.muli %add3A_73, %mul3A_293 : i32
      %broadcast_in_dim3A_295 = vector.broadcast %mul3A_294 : i32 to vector<1x32xi32>
      %select_n3A_296 = arith.select %eq3A_292, %broadcast_in_dim3A_295, %select_n3A_268 : vector<1x32xi1>, vector<1x32xi32>
      %slice3A_297 = vector.extract_strided_slice %get3A_16 {offsets = [0, 10], sizes = [1, 1], strides = [1, 1]} : vector<1x16xi32> to vector<1x1xi32>
      %squeeze3A_298 = vector.extract %slice3A_297[0, 0] : i32 from vector<1x1xi32>
      %broadcast_in_dim3A_299 = vector.broadcast %squeeze3A_298 : i32 to vector<1x32xi32>
      %select_n3A_300 = arith.select %eq3A_292, %broadcast_in_dim3A_299, %select_n3A_272 : vector<1x32xi1>, vector<1x32xi32>
      %slice3A_301 = vector.extract_strided_slice %get3A_16 {offsets = [0, 11], sizes = [1, 1], strides = [1, 1]} : vector<1x16xi32> to vector<1x1xi32>
      %squeeze3A_302 = vector.extract %slice3A_301[0, 0] : i32 from vector<1x1xi32>
      %broadcast_in_dim3A_303 = vector.broadcast %squeeze3A_302 : i32 to vector<1x32xi32>
      %select_n3A_304 = arith.select %eq3A_292, %broadcast_in_dim3A_303, %select_n3A_276 : vector<1x32xi1>, vector<1x32xi32>
      %eq3A_305 = arith.constant 10 : i32
      %eq3A_306 = vector.broadcast %eq3A_305 : i32 to vector<1x16xi32>
      %eq3A_307 = arith.cmpi eq, %iota3A, %eq3A_306 : vector<1x16xi32>
      %broadcast_in_dim3A_308 = vector.broadcast %mul3A_294 : i32 to vector<1x16xi32>
      %select_n3A_309 = arith.select %eq3A_307, %broadcast_in_dim3A_308, %select_n3A_289 : vector<1x16xi1>, vector<1x16xi32>
      %eq3A_310 = arith.constant 11 : i32
      %eq3A_311 = vector.broadcast %eq3A_310 : i32 to vector<1x16xi32>
      %eq3A_312 = arith.cmpi eq, %iota3A, %eq3A_311 : vector<1x16xi32>
      %slice3A_313 = vector.extract_strided_slice %get3A_16 {offsets = [0, 10], sizes = [1, 1], strides = [1, 1]} : vector<1x16xi32> to vector<1x1xi32>
      %squeeze3A_314 = vector.extract %slice3A_313[0, 0] : i32 from vector<1x1xi32>
      %add3A_315 = arith.addi %mul3A_294, %squeeze3A_314 : i32
      %broadcast_in_dim3A_316 = vector.broadcast %add3A_315 : i32 to vector<1x16xi32>
      %select_n3A_317 = arith.select %eq3A_312, %broadcast_in_dim3A_316, %select_n3A_309 : vector<1x16xi1>, vector<1x16xi32>
      %eq3A_318 = arith.constant 6 : i32
      %eq3A_319 = vector.broadcast %eq3A_318 : i32 to vector<1x32xi32>
      %eq3A_320 = arith.cmpi eq, %min3A_143, %eq3A_319 : vector<1x32xi32>
      %mul3A_321 = arith.constant 512 : i32
      %mul3A_322 = arith.muli %add3A_85, %mul3A_321 : i32
      %broadcast_in_dim3A_323 = vector.broadcast %mul3A_322 : i32 to vector<1x32xi32>
      %select_n3A_324 = arith.select %eq3A_320, %broadcast_in_dim3A_323, %select_n3A_296 : vector<1x32xi1>, vector<1x32xi32>
      %slice3A_325 = vector.extract_strided_slice %get3A_16 {offsets = [0, 12], sizes = [1, 1], strides = [1, 1]} : vector<1x16xi32> to vector<1x1xi32>
      %squeeze3A_326 = vector.extract %slice3A_325[0, 0] : i32 from vector<1x1xi32>
      %broadcast_in_dim3A_327 = vector.broadcast %squeeze3A_326 : i32 to vector<1x32xi32>
      %select_n3A_328 = arith.select %eq3A_320, %broadcast_in_dim3A_327, %select_n3A_300 : vector<1x32xi1>, vector<1x32xi32>
      %slice3A_329 = vector.extract_strided_slice %get3A_16 {offsets = [0, 13], sizes = [1, 1], strides = [1, 1]} : vector<1x16xi32> to vector<1x1xi32>
      %squeeze3A_330 = vector.extract %slice3A_329[0, 0] : i32 from vector<1x1xi32>
      %broadcast_in_dim3A_331 = vector.broadcast %squeeze3A_330 : i32 to vector<1x32xi32>
      %select_n3A_332 = arith.select %eq3A_320, %broadcast_in_dim3A_331, %select_n3A_304 : vector<1x32xi1>, vector<1x32xi32>
      %eq3A_333 = arith.constant 12 : i32
      %eq3A_334 = vector.broadcast %eq3A_333 : i32 to vector<1x16xi32>
      %eq3A_335 = arith.cmpi eq, %iota3A, %eq3A_334 : vector<1x16xi32>
      %broadcast_in_dim3A_336 = vector.broadcast %mul3A_322 : i32 to vector<1x16xi32>
      %select_n3A_337 = arith.select %eq3A_335, %broadcast_in_dim3A_336, %select_n3A_317 : vector<1x16xi1>, vector<1x16xi32>
      %eq3A_338 = arith.constant 13 : i32
      %eq3A_339 = vector.broadcast %eq3A_338 : i32 to vector<1x16xi32>
      %eq3A_340 = arith.cmpi eq, %iota3A, %eq3A_339 : vector<1x16xi32>
      %slice3A_341 = vector.extract_strided_slice %get3A_16 {offsets = [0, 12], sizes = [1, 1], strides = [1, 1]} : vector<1x16xi32> to vector<1x1xi32>
      %squeeze3A_342 = vector.extract %slice3A_341[0, 0] : i32 from vector<1x1xi32>
      %add3A_343 = arith.addi %mul3A_322, %squeeze3A_342 : i32
      %broadcast_in_dim3A_344 = vector.broadcast %add3A_343 : i32 to vector<1x16xi32>
      %select_n3A_345 = arith.select %eq3A_340, %broadcast_in_dim3A_344, %select_n3A_337 : vector<1x16xi1>, vector<1x16xi32>
      %eq3A_346 = arith.constant 7 : i32
      %eq3A_347 = vector.broadcast %eq3A_346 : i32 to vector<1x32xi32>
      %eq3A_348 = arith.cmpi eq, %min3A_143, %eq3A_347 : vector<1x32xi32>
      %mul3A_349 = arith.constant 512 : i32
      %mul3A_350 = arith.muli %add3A_97, %mul3A_349 : i32
      %broadcast_in_dim3A_351 = vector.broadcast %mul3A_350 : i32 to vector<1x32xi32>
      %select_n3A_352 = arith.select %eq3A_348, %broadcast_in_dim3A_351, %select_n3A_324 : vector<1x32xi1>, vector<1x32xi32>
      %slice3A_353 = vector.extract_strided_slice %get3A_16 {offsets = [0, 14], sizes = [1, 1], strides = [1, 1]} : vector<1x16xi32> to vector<1x1xi32>
      %squeeze3A_354 = vector.extract %slice3A_353[0, 0] : i32 from vector<1x1xi32>
      %broadcast_in_dim3A_355 = vector.broadcast %squeeze3A_354 : i32 to vector<1x32xi32>
      %select_n3A_356 = arith.select %eq3A_348, %broadcast_in_dim3A_355, %select_n3A_328 : vector<1x32xi1>, vector<1x32xi32>
      %slice3A_357 = vector.extract_strided_slice %get3A_16 {offsets = [0, 15], sizes = [1, 1], strides = [1, 1]} : vector<1x16xi32> to vector<1x1xi32>
      %squeeze3A_358 = vector.extract %slice3A_357[0, 0] : i32 from vector<1x1xi32>
      %broadcast_in_dim3A_359 = vector.broadcast %squeeze3A_358 : i32 to vector<1x32xi32>
      %select_n3A_360 = arith.select %eq3A_348, %broadcast_in_dim3A_359, %select_n3A_332 : vector<1x32xi1>, vector<1x32xi32>
      %eq3A_361 = arith.constant 14 : i32
      %eq3A_362 = vector.broadcast %eq3A_361 : i32 to vector<1x16xi32>
      %eq3A_363 = arith.cmpi eq, %iota3A, %eq3A_362 : vector<1x16xi32>
      %broadcast_in_dim3A_364 = vector.broadcast %mul3A_350 : i32 to vector<1x16xi32>
      %select_n3A_365 = arith.select %eq3A_363, %broadcast_in_dim3A_364, %select_n3A_345 : vector<1x16xi1>, vector<1x16xi32>
      %eq3A_366 = arith.constant 15 : i32
      %eq3A_367 = vector.broadcast %eq3A_366 : i32 to vector<1x16xi32>
      %eq3A_368 = arith.cmpi eq, %iota3A, %eq3A_367 : vector<1x16xi32>
      %slice3A_369 = vector.extract_strided_slice %get3A_16 {offsets = [0, 14], sizes = [1, 1], strides = [1, 1]} : vector<1x16xi32> to vector<1x1xi32>
      %squeeze3A_370 = vector.extract %slice3A_369[0, 0] : i32 from vector<1x1xi32>
      %add3A_371 = arith.addi %mul3A_350, %squeeze3A_370 : i32
      %broadcast_in_dim3A_372 = vector.broadcast %add3A_371 : i32 to vector<1x16xi32>
      %select_n3A_373 = arith.select %eq3A_368, %broadcast_in_dim3A_372, %select_n3A_365 : vector<1x16xi1>, vector<1x16xi32>
      %mul3A_374 = arith.constant 512 : i32
      %mul3A_375 = vector.broadcast %mul3A_374 : i32 to vector<1x32xi32>
      %mul3A_376 = arith.muli %iota3A_17, %mul3A_375 : vector<1x32xi32>
      %sub3A = arith.subi %mul3A_376, %select_n3A_352 : vector<1x32xi32>
      %sub3A_377 = arith.subi %select_n3A_356, %sub3A : vector<1x32xi32>
      %jit3A_378 = arith.constant 0 : i32
      %jit3A_379 = arith.constant 512 : i32
      %max3A_380 = vector.broadcast %jit3A_378 : i32 to vector<1x32xi32>
      %max3A_381 = arith.maxsi %max3A_380, %sub3A_377 : vector<1x32xi32>
      %min3A_382 = vector.broadcast %jit3A_379 : i32 to vector<1x32xi32>
      %min3A_383 = arith.minsi %min3A_382, %max3A_381 : vector<1x32xi32>
      %add3A_384 = arith.addi %select_n3A_356, %select_n3A_360 : vector<1x32xi32>
      %sub3A_385 = arith.subi %add3A_384, %sub3A : vector<1x32xi32>
      %jit3A_386 = arith.constant 0 : i32
      %jit3A_387 = arith.constant 512 : i32
      %max3A_388 = vector.broadcast %jit3A_386 : i32 to vector<1x32xi32>
      %max3A_389 = arith.maxsi %max3A_388, %sub3A_385 : vector<1x32xi32>
      %min3A_390 = vector.broadcast %jit3A_387 : i32 to vector<1x32xi32>
      %min3A_391 = arith.minsi %min3A_390, %max3A_389 : vector<1x32xi32>
      %squeeze3A_392 = vector.shape_cast %min3A_143 : vector<1x32xi32> to vector<32xi32>
      %swap3A = arith.constant 0 : index
      %swap3A_393 = arith.constant 0 : index
      %swap3A_394 = vector.load %arg4[%swap3A, %swap3A_393] : memref<3x32xi32, #tpu.memory_space<vmem>>, vector<1x32xi32>
      %swap3A_395 = vector.shape_cast %swap3A_394 : vector<1x32xi32> to vector<32xi32>
      %swap3A_396 = vector.shape_cast %squeeze3A_392 : vector<32xi32> to vector<1x32xi32>
      tpu.vector_store %arg4[%swap3A, %swap3A_393], %swap3A_396 {strides = array<i32>} : memref<3x32xi32, #tpu.memory_space<vmem>>, vector<1x32xi32>,
      %squeeze3A_397 = vector.shape_cast %min3A_383 : vector<1x32xi32> to vector<32xi32>
      %swap3A_398 = arith.constant 1 : index
      %swap3A_399 = arith.constant 0 : index
      %swap3A_400 = vector.load %arg4[%swap3A_398, %swap3A_399] : memref<3x32xi32, #tpu.memory_space<vmem>>, vector<1x32xi32>
      %swap3A_401 = vector.shape_cast %swap3A_400 : vector<1x32xi32> to vector<32xi32>
      %swap3A_402 = vector.shape_cast %squeeze3A_397 : vector<32xi32> to vector<1x32xi32>
      tpu.vector_store %arg4[%swap3A_398, %swap3A_399], %swap3A_402 {strides = array<i32>} : memref<3x32xi32, #tpu.memory_space<vmem>>, vector<1x32xi32>,
      %squeeze3A_403 = vector.shape_cast %min3A_391 : vector<1x32xi32> to vector<32xi32>
      %swap3A_404 = arith.constant 2 : index
      %swap3A_405 = arith.constant 0 : index
      %swap3A_406 = vector.load %arg4[%swap3A_404, %swap3A_405] : memref<3x32xi32, #tpu.memory_space<vmem>>, vector<1x32xi32>
      %swap3A_407 = vector.shape_cast %swap3A_406 : vector<1x32xi32> to vector<32xi32>
      %swap3A_408 = vector.shape_cast %squeeze3A_403 : vector<32xi32> to vector<1x32xi32>
      tpu.vector_store %arg4[%swap3A_404, %swap3A_405], %swap3A_408 {strides = array<i32>} : memref<3x32xi32, #tpu.memory_space<vmem>>, vector<1x32xi32>,
      %swap3A_409 = arith.constant 0 : index
      %swap3A_410 = arith.constant 0 : index
      %swap3A_411 = vector.load %arg8[%swap3A_409, %swap3A_410] : memref<1x16xi32, #tpu.memory_space<vmem>>, vector<1x16xi32>
      tpu.vector_store %arg8[%swap3A_409, %swap3A_410], %select_n3A_373 {strides = array<i32>} : memref<1x16xi32, #tpu.memory_space<vmem>>, vector<1x16xi32>,
      %broadcast_in_dim3A_412 = arith.constant 0 : i32
      %broadcast_in_dim3A_413 = vector.broadcast %broadcast_in_dim3A_412 : i32 to vector<1x16xi32>
      %swap3A_414 = arith.constant 0 : index
      %swap3A_415 = arith.constant 0 : index
      %swap3A_416 = vector.load %arg7[%swap3A_414, %swap3A_415] : memref<1x16xi32, #tpu.memory_space<vmem>>, vector<1x16xi32>
      tpu.vector_store %arg7[%swap3A_414, %swap3A_415], %broadcast_in_dim3A_413 {strides = array<i32>} : memref<1x16xi32, #tpu.memory_space<vmem>>, vector<1x16xi32>,
      %iota3A_417 = tpu.iota {dimensions = array<i32: 0>} : vector<512x512xi32>
      %iota3A_418 = tpu.iota {dimensions = array<i32: 1>} : vector<512x512xi32>
      %gt3A_419 = arith.cmpi sgt, %iota3A_417, %iota3A_418 : vector<512x512xi32>
      %convert_element_type3A_420 = arith.extui %gt3A_419 : vector<512x512xi1> to vector<512x512xi32>
      %convert_element_type3A_421 = arith.sitofp %convert_element_type3A_420 : vector<512x512xi32> to vector<512x512xf32>
      %swap3A_422 = arith.constant 0 : index
      %swap3A_423 = arith.constant 0 : index
      %swap3A_424 = vector.load %arg9[%swap3A_422, %swap3A_423] : memref<512x512xf32, #tpu.memory_space<vmem>>, vector<512x512xf32>
      tpu.vector_store %arg9[%swap3A_422, %swap3A_423], %convert_element_type3A_421 {strides = array<i32>} : memref<512x512xf32, #tpu.memory_space<vmem>>, vector<512x512xf32>,
    } else {
    }
    %gt3A = arith.constant 8 : i32
    %gt3A_11 = arith.cmpi sgt, %arg0, %gt3A : i32
    %convert_element_type3A_12 = arith.extui %gt3A_11 : i1 to i32
    %cond3A_13 = arith.constant 0 : i32
    %cond3A_14 = arith.cmpi ne, %convert_element_type3A_12, %cond3A_13 : i32
    scf.if %cond3A_14 {
      %sub3A = arith.constant 8 : i32
      %sub3A_15 = arith.subi %arg0, %sub3A : i32
      %sub3A_16 = arith.constant 1 : i32
      %sub3A_17 = arith.subi %sub3A_15, %sub3A_16 : i32
      %shift_right_arithmetic3A = arith.constant 1 : i32
      %shift_right_arithmetic3A_18 = arith.shrsi %sub3A_17, %shift_right_arithmetic3A : i32
      %and3A = arith.constant 1 : i32
      %and3A_19 = arith.andi %sub3A_17, %and3A : i32
      %get3A = arith.index_cast %shift_right_arithmetic3A_18 : i32 to index
      %get3A_20 = arith.index_cast %and3A_19 : i32 to index
      %get3A_21 = arith.constant 0 : index
      %get3A_22 = vector.load %arg6[%get3A, %get3A_20, %get3A_21] : memref<8x2x512xi32, #tpu.memory_space<vmem>>, vector<1x1x512xi32>
      %get3A_23 = vector.shape_cast %get3A_22 : vector<1x1x512xi32> to vector<512xi32>
      %reshape3A = vector.shape_cast %get3A_23 : vector<512xi32> to vector<512x1xi32>
      %eq3A_24 = vector.broadcast %reshape3A : vector<512x1xi32> to vector<512x16xi32>
      %eq3A_25 = vector.broadcast %iota3A : vector<1x16xi32> to vector<512x16xi32>
      %eq3A_26 = arith.cmpi eq, %eq3A_24, %eq3A_25 : vector<512x16xi32>
      %convert_element_type3A_27 = arith.extui %eq3A_26 : vector<512x16xi1> to vector<512x16xi32>
      %convert_element_type3A_28 = arith.sitofp %convert_element_type3A_27 : vector<512x16xi32> to vector<512x16xf32>
      %get3A_29 = arith.constant 0 : index
      %get3A_30 = arith.constant 0 : index
      %get3A_31 = vector.load %arg9[%get3A_29, %get3A_30] : memref<512x512xf32, #tpu.memory_space<vmem>>, vector<512x512xf32>
      %dot_general3A = arith.constant dense<0.000000e+00> : vector<512x16xf32>
      %dot_general3A_32 = tpu.matmul %get3A_31, %convert_element_type3A_28, %dot_general3A {dimension_numbers = #tpu.dot_dimension_numbers<[1], [0], [0], [1], [0, 0, 1, 1], [], []>, transpose_lhs_hint = false} : vector<512x512xf32>, vector<512x16xf32>, vector<512x16xf32> -> vector<512x16xf32>
      %get3A_33 = arith.constant 0 : index
      %get3A_34 = arith.constant 0 : index
      %get3A_35 = vector.load %arg7[%get3A_33, %get3A_34] : memref<1x16xi32, #tpu.memory_space<vmem>>, vector<1x16xi32>
      %get3A_36 = arith.constant 0 : index
      %get3A_37 = arith.constant 0 : index
      %get3A_38 = vector.load %arg8[%get3A_36, %get3A_37] : memref<1x16xi32, #tpu.memory_space<vmem>>, vector<1x16xi32>
      %add3A = arith.addi %get3A_35, %get3A_38 : vector<1x16xi32>
      %convert_element_type3A_39 = arith.sitofp %add3A : vector<1x16xi32> to vector<1x16xf32>
      %add3A_40 = vector.broadcast %convert_element_type3A_39 : vector<1x16xf32> to vector<512x16xf32>
      %add3A_41 = arith.addf %add3A_40, %dot_general3A_32 : vector<512x16xf32>
      %mul3A = arith.mulf %convert_element_type3A_28, %add3A_41 : vector<512x16xf32>
      %reduce_sum3A = arith.constant dense<0.000000e+00> : vector<512xf32>
      %reduce_sum3A_42 = vector.multi_reduction <add>, %mul3A, %reduce_sum3A [1] : vector<512x16xf32> to vector<512xf32>
      %convert_element_type3A_43 = arith.fptosi %reduce_sum3A_42 : vector<512xf32> to vector<512xi32>
      %swap3A = arith.constant 0 : index
      %swap3A_44 = arith.constant 0 : index
      %swap3A_45 = arith.constant 0 : index
      %swap3A_46 = vector.load %arg5[%swap3A, %swap3A_44, %swap3A_45] : memref<1x1x512xi32, #tpu.memory_space<vmem>>, vector<1x1x512xi32>
      %swap3A_47 = vector.shape_cast %swap3A_46 : vector<1x1x512xi32> to vector<512xi32>
      %swap3A_48 = vector.shape_cast %convert_element_type3A_43 : vector<512xi32> to vector<1x1x512xi32>
      tpu.vector_store %arg5[%swap3A, %swap3A_44, %swap3A_45], %swap3A_48 {strides = array<i32>} : memref<1x1x512xi32, #tpu.memory_space<vmem>>, vector<1x1x512xi32>,
      %get3A_49 = arith.constant 0 : index
      %get3A_50 = arith.constant 0 : index
      %get3A_51 = vector.load %arg7[%get3A_49, %get3A_50] : memref<1x16xi32, #tpu.memory_space<vmem>>, vector<1x16xi32>
      %convert_element_type3A_52 = arith.extui %eq3A_26 : vector<512x16xi1> to vector<512x16xi32>
      %reduce_sum3A_53 = arith.constant dense<0> : vector<16xi32>
      %reduce_sum3A_54 = vector.multi_reduction <add>, %convert_element_type3A_52, %reduce_sum3A_53 [0] : vector<512x16xi32> to vector<16xi32>
      %broadcast_in_dim3A = vector.shape_cast %reduce_sum3A_54 : vector<16xi32> to vector<1x16xi32>
      %add3A_55 = arith.addi %get3A_51, %broadcast_in_dim3A : vector<1x16xi32>
      %swap3A_56 = arith.constant 0 : index
      %swap3A_57 = arith.constant 0 : index
      %swap3A_58 = vector.load %arg7[%swap3A_56, %swap3A_57] : memref<1x16xi32, #tpu.memory_space<vmem>>, vector<1x16xi32>
      tpu.vector_store %arg7[%swap3A_56, %swap3A_57], %add3A_55 {strides = array<i32>} : memref<1x16xi32, #tpu.memory_space<vmem>>, vector<1x16xi32>,
    } else {
    }
    return
  }
  func.func @transform_0(%arg0: i32) -> (i32, i32) {
    %min3A = arith.constant 7 : i32
    %min3A_0 = arith.minsi %arg0, %min3A : i32
    %c0_i32 = arith.constant 0 : i32
    %c0_i32_1 = arith.constant 0 : i32
    return %min3A_0, %c0_i32 : i32, i32
  }
  func.func @transform_1(%arg0: i32) -> (i32, i32) {
    %c0_i32 = arith.constant 0 : i32
    %c0_i32_0 = arith.constant 0 : i32
    %c0_i32_1 = arith.constant 0 : i32
    return %c0_i32, %c0_i32_0 : i32, i32
  }
  func.func @transform_2(%arg0: i32) -> (i32, i32) {
    %c0_i32 = arith.constant 0 : i32
    %c0_i32_0 = arith.constant 0 : i32
    %c0_i32_1 = arith.constant 0 : i32
    return %c0_i32, %c0_i32_0 : i32, i32
  }
  func.func @transform_3(%arg0: i32) -> (i32, i32) {
    %c0_i32 = arith.constant 0 : i32
    %c0_i32_0 = arith.constant 0 : i32
    %c0_i32_1 = arith.constant 0 : i32
    return %c0_i32, %c0_i32_0 : i32, i32
  }
  func.func @transform_4(%arg0: i32) -> (i32, i32, i32) {
    %sub3A = arith.constant 8 : i32
    %sub3A_0 = arith.subi %arg0, %sub3A : i32
    %sub3A_1 = arith.constant 1 : i32
    %sub3A_2 = arith.subi %sub3A_0, %sub3A_1 : i32
    %jit3A = arith.constant 0 : i32
    %jit3A_3 = arith.constant 15 : i32
    %max3A = arith.maxsi %jit3A, %sub3A_2 : i32
    %min3A = arith.minsi %jit3A_3, %max3A : i32
    %c0_i32 = arith.constant 0 : i32
    %c0_i32_4 = arith.constant 0 : i32
    %c0_i32_5 = arith.constant 0 : i32
    return %min3A, %c0_i32, %c0_i32_4 : i32, i32, i32
  }
}

</mosaic_0001>

<sc_bundles>
// kernel: _run.5.cloned.1.call-start
scs
__scs_entry_jumppad:
0x0: {  	(pc) =	sbr.rel $0x88, $3  }
0x1: {  	(tag) =	ssettag $0x0;
	lr =	simm.s32 $0x1  }
0x2: {  	[smem:$0x3F96] =	sst lr;
	_ =	strace $0xD0000000  }
0x3: {  	_ = 	snop  }
0x4: {  	_ = 	snop  }
0x5: {  	_ = 	snop  }
0x6: {  	_ = 	snop  }
0x7: {  	_ = 	snop  }
__scs_overlays_trampoline_lowered:
0x8: {  	[smem:$0x3FA5] =	sst s0  }
0x9: {  	[smem:$0x3FA6] =	sst s1  }
0xa: {  	[smem:$0x3FA7] =	sst s2  }
0xb: {  	[smem:$0x3FA8] =	sst s3  }
0xc: {  	[smem:$0x3FA9] =	sst s4  }
0xd: {  	[smem:$0x3FAA] =	sst s5  }
0xe: {  	[smem:$0x3FAB] =	sst s6  }
0xf: {  	[smem:$0x3FAC] =	sst s7  }
0x10: {  	[smem:$0x3FAD] =	sst s8  }
0x11: {  	[smem:$0x3FAE] =	sst s9;
	s0 =	simm.s32 @!p0 $0x0  }
0x12: {  	s1 =	sld [smem:$0x3F94];
	s0 =	simm.s32 @p0 $0x1  }
0x13: {  	[smem:$0x3FAF] =	sst s0;
	s0 =	simm.s32 @!p1 $0x0  }
0x14: {  	s2 =	sld [smem:$0x3F93];
	s0 =	simm.s32 @p1 $0x1  }
0x15: {  	[smem:$0x3FB0] =	sst s0;
	s0 =	simm.s32 @!p2 $0x0  }
0x16: {  	s3 =	sld [smem:$0x3FDB];
	s0 =	simm.s32 @p2 $0x1  }
0x17: {  	s4 =	simm.s32 $0x1BF5;
	[smem:$0x3FB2] =	sst s0  }
0x18: {  	s0 =	sld [smem:$0x3F95];
	_ =	swait.ge [sflag:s4], $0x0  }
0x19: {  	s7 =	sld [smem:$0x3F96]  }
0x1a: {  	s8 =	sadd.s32 $0xFFFFE003, lr  }
0x1b: {  	s9 =	sadd.s32 $0xFFFFFEF7, lr;
	s5 =	simm.s32 $0xFFFFFFFF;
	p2 =	slt.u32 s8, $0xFFFFF086  }
0x1c: {  	p1 =	slt.u32 s9, $0xF7A;
	s5 =	simm.s32 @!p2 $0x0  }
0x1d: {  	s5 =	simm.s32 @p1 $0x1;
	p0 =	seq.s32 s7, s2  }
0x1e: {  	s7 =	smul.u32 @!p0 $0xF7A, s2;
	p2 =	seq.s32 @!p0 s5, $0x0  }
0x1f: {  	s9 =	smul.u32 $0xF7A, s1;
	s8 =	simm.s32 @!p0 $0x1BF5;
	p2 =	por !p2, p0  }
0x20: {  	[sflag:s8] =	ssyncset.s32 @!p0 $0xFFFFF086;
	s6 =	sadd.s32 @!p0 s3, s7;
	s7 =	simm.s32 @!p0 $0x108  }
0x21: {  	s3 =	sadd.s32 s3, s9;
	s6 =	sadd.s32 @!p0 $0x88, s6;
	s7 =	simm.s32 @p2 $0x1082  }
0x22: {  	[simem:s7], [sflag:s8] =	dma.local @!p0 [hbm:s6], $0xF7A  }
0x23: {  	s9 =	sor.u32 $0xD0000000, s2;
	s6 =	simm.s32 $0x108;
	_ =	swait.ge @!p0 [sflag:s8], $0x0  }
0x24: {  	s3 =	sadd.s32 $0x88, s3;
	s6 =	simm.s32 @!p1 $0x1082;
	[sflag:s4] =	ssyncset.s32 $0xFFFFF086  }
0x25: {  	[simem:s6], [sflag:s4] =	dma.local [hbm:s3], $0xF7A  }
0x26: {  	[smem:$0x3F96] =	sst s1;
	(tag) =	ssettag s2;
	_ =	strace s9  }
0x27: {  	s1 =	sld [smem:$0x3FA6]  }
0x28: {  	s2 =	sld [smem:$0x3FA7]  }
0x29: {  	s4 =	sld [smem:$0x3FA9]  }
0x2a: {  	p0 =	seq.s32 s5, $0x0;
	s5 =	sld [smem:$0x3FAA]  }
0x2b: {  	s6 =	sld [smem:$0x3FAB]  }
0x2c: {  	s7 =	sld [smem:$0x3FAC]  }
0x2d: {  	s3 =	simm.s32 $0x108;
	s8 =	sld [smem:$0x3FAD]  }
0x2e: {  	s3 =	simm.s32 @!p0 $0x1082;
	s9 =	sld [smem:$0x3FAE]  }
0x2f: {  	lr =	sadd.s32 s0, s3;
	s0 =	sld [smem:$0x3FA5]  }
0x30: {  	s3 =	sld [smem:$0x3FA8]  }
0x31: {  	[smem:$0x3FB1] =	sst s10  }
0x32: {  	s10 =	sld [smem:$0x3FAF];
	_ =	sdelay $0x3  }
0x33: {  	p0 =	seq.s32 s10, $0x1;
	s10 =	sld [smem:$0x3FB1];
	_ =	sdelay $0x3  }
0x34: {  	[smem:$0x3FB1] =	sst s10  }
0x35: {  	s10 =	sld [smem:$0x3FB0];
	_ =	sdelay $0x3  }
0x36: {  	p1 =	seq.s32 s10, $0x1;
	s10 =	sld [smem:$0x3FB1];
	_ =	sdelay $0x3  }
0x37: {  	[smem:$0x3FB1] =	sst s10  }
0x38: {  	s10 =	sld [smem:$0x3FB2]  }
0x39: {  	_ = 	snop;
	(pc) =	sbr.ind lr, $3  }
0x3a: {  	_ = 	snop  }
0x3b: {  	_ = 	snop  }
0x3c: {  	p2 =	seq.s32 s10, $0x1;
	s10 =	sld [smem:$0x3FB1]  }
0x3d: {  	_ =	shalt  }
0x3e: {  	_ =	shalt  }
0x3f: {  	_ =	shalt  }
0x40: {  	_ =	shalt  }
0x41: {  	_ =	shalt  }
0x42: {  	_ =	shalt  }
0x43: {  	_ =	shalt  }
0x44: {  	_ =	shalt  }
0x45: {  	_ =	shalt  }
0x46: {  	_ =	shalt  }
0x47: {  	_ =	shalt  }
0x48: {  	_ =	shalt  }
0x49: {  	_ =	shalt  }
0x4a: {  	_ =	shalt  }
0x4b: {  	_ =	shalt  }
0x4c: {  	_ =	shalt  }
0x4d: {  	_ =	shalt  }
0x4e: {  	_ =	shalt  }
0x4f: {  	_ =	shalt  }
0x50: {  	_ =	shalt  }
0x51: {  	_ =	shalt  }
0x52: {  	_ =	shalt  }
0x53: {  	_ =	shalt  }
0x54: {  	_ =	shalt  }
0x55: {  	_ =	shalt  }
0x56: {  	_ =	shalt  }
0x57: {  	_ =	shalt  }
0x58: {  	_ =	shalt  }
0x59: {  	_ =	shalt  }
0x5a: {  	_ =	shalt  }
0x5b: {  	_ =	shalt  }
0x5c: {  	_ =	shalt  }
0x5d: {  	_ =	shalt  }
0x5e: {  	_ =	shalt  }
0x5f: {  	_ =	shalt  }
0x60: {  	_ =	shalt  }
0x61: {  	_ =	shalt  }
0x62: {  	_ =	shalt  }
0x63: {  	_ =	shalt  }
0x64: {  	_ =	shalt  }
0x65: {  	_ =	shalt  }
0x66: {  	_ =	shalt  }
0x67: {  	_ =	shalt  }
0x68: {  	_ =	shalt  }
0x69: {  	_ =	shalt  }
0x6a: {  	_ =	shalt  }
0x6b: {  	_ =	shalt  }
0x6c: {  	_ =	shalt  }
0x6d: {  	_ =	shalt  }
0x6e: {  	_ =	shalt  }
0x6f: {  	_ =	shalt  }
0x70: {  	_ =	shalt  }
0x71: {  	_ =	shalt  }
0x72: {  	_ =	shalt  }
0x73: {  	_ =	shalt  }
0x74: {  	_ =	shalt  }
0x75: {  	_ =	shalt  }
0x76: {  	_ =	shalt  }
0x77: {  	_ =	shalt  }
0x78: {  	_ =	shalt  }
0x79: {  	_ =	shalt  }
0x7a: {  	_ =	shalt  }
0x7b: {  	_ =	shalt  }
0x7c: {  	_ =	shalt  }
0x7d: {  	_ =	shalt  }
0x7e: {  	_ =	shalt  }
0x7f: {  	_ =	shalt  }
0x80: {  	_ =	shalt  }
0x81: {  	_ =	shalt  }
0x82: {  	_ =	shalt  }
0x83: {  	_ =	shalt  }
0x84: {  	_ =	shalt  }
0x85: {  	_ =	shalt  }
0x86: {  	_ =	shalt  }
0x87: {  	_ =	shalt  }
.Lfunc_end0:
.L_simem_size_0:
called_computation_lowered:
.L_overlay_start_0:
0x88: {  	s2 =	sld [smem:$0x3FD9]  }
0x89: {  	s3 =	sld [smem:$0x3FFE];
	_ =	sdelay $0x1  }
0x8a: {  	s1 =	srdreg.scid  }
0x8b: {  	s0 =	sand.u32 $0x1, s1  }
0x8c: {  	s14 =	sshll.u32 s0, $0xA;
	s2 =	sadd.s32 s3, s2  }
0x8d: {  	s2 =	sadd.s32 s2, s14  }
0x8e: {  	[smem:$0x3FBD] =	sst s2  }
0x8f: {  	_ = 	snop  }
0x90: {  	s2 =	sld [smem:$0x3FD0];
	_ =	sdelay $0x2  }
0x91: {  	s4 =	simm.s32 $0xA;
	s5 =	simm.s32 $0x10;
	s15 =	sld [smem:$0x3FC9]  }
0x92: {  	[smem:s5], [sflag:s4] =	dma.local [hbm:s2], $0x1  }
0x93: {  	_ =	swait.eq [sflag:s4], $0x1  }
0x94: {  	[sflag:s4] =	ssyncset.done $0x0  }
0x95: {  	[sflag:s4] =	ssyncadd.s32 $0xFFFFFFFF  }
0x96: {  	s16 =	sld [smem:$0x10];
	(tm) =	ssettm $0x1  }
0x97: {  	s17 =	sld [smem:$0x3FFB];
	_ =	sdelay $0x3  }
0x98: {  	_ =	strace s17  }
0x99: {  	s4 =	sld [smem:$0x3FFC];
	_ =	sdelay $0x3  }
0x9a: {  	_ =	strace s4  }
0x9b: {  	s4 =	sld [smem:$0x3FFD];
	_ =	sdelay $0x3  }
0x9c: {  	_ =	strace s4  }
0x9d: {  	_ =	strace $0x8FFFFFFF  }
0x9e: {  	s18 =	sld [smem:$0x3FDB];
	_ =	sdelay $0x1  }
0x9f: {  	s19 =	simm.s32 $_scs_section_size  }
0xa0: {  	s6 =	simm.s32 $_size__tile_overlayer_lowered;
	s7 =	simm.s32 $_tile_overlayer_lowered  }
0xa1: {  	s22 =	simm.s32 $0x1BFF;
	s21 =	sshll.u32 s7, $0x1;
	s4 =	sadd.s32 s19, s18  }
0xa2: {  	s8 =	simm.s32 $0x0;
	s20 =	sshll.u32 s6, $0x1;
	s6 =	sadd.s32 s21, s4  }
0xa3: {  	[timem:s8], [sflag:s22] =	dma.local [hbm:s6], s20  }
0xa4: {  	_ =	swait.ge [sflag:s22], s20  }
0xa5: {  	s5 =	ssub.s32 $0x0, s20;
	[sflag:s22] =	ssyncset.done $0x0  }
0xa6: {  	[sflag:s22] =	ssyncadd.s32 s5;
	_ =	sdelay $0x1  }
0xa7: {  	s23 =	simm.s32 $0x1B8B  }
0xa8: {  	_ =	swait.ge [sflag:s23], $0x1  }
0xa9: {  	[sflag:s23] =	ssyncset.done $0x0  }
0xaa: {  	s25 =	simm.s32 $0x1B8E;
	s24 =	sld [smem:$0x3FFE];
	[sflag:s23] =	ssyncadd.s32 $0xFFFFFFFF  }
0xab: {  	s26 =	simm.s32 $execute0_lowered;
	[smem:$0x3FD2] =	sst s25  }
0xac: {  	s6 =	sshll.u32 s26, $0x1;
	_ =	strace $0x80000046;
	[dreg:$0x1] =	wrdreg $0xFFFFFFFF  }
0xad: {  	s28 =	simm.s32 $_size_execute0_lowered;
	s4 =	sadd.s32 s4, s6;
	[dreg:$0x0] =	wrdreg $0x0  }
0xae: {  	s6 =	sshll.u32 s28, $0x1;
	[dreg:$0x2] =	wrdreg s4  }
0xaf: {  	[dreg:$0x3] =	wrdreg s6  }
0xb0: {  	[dreg:$0x4] =	wrdreg $0xC0  }
0xb1: {  	_ =	task [dreg:s8], $0x5FFFF  }
0xb2: {  	[dreg:$0x1] =	wrdreg $0xFFFFFFFF  }
0xb3: {  	[dreg:$0x0] =	wrdreg $0x60  }
0xb4: {  	[dreg:$0x2] =	wrdreg s16  }
0xb5: {  	[dreg:$0x3] =	wrdreg s15  }
0xb6: {  	[dreg:$0x4] =	wrdreg s24  }
0xb7: {  	[dreg:$0x5] =	wrdreg $0x9  }
0xb8: {  	_ =	task.clear_ibuf [dreg:s8], $0x6FFFF;
	_ =	strace $0x90000046  }
0xb9: {  	s29 =	simm.s32 $0x9;
	_ =	strace $0x80000048  }
0xba: {  	_ =	swait.ge [sflag:s29], $0x1  }
0xbb: {  	[sflag:s29] =	ssyncadd.s32 $0xFFFFFFFF  }
0xbc: {  	_ =	strace $0x90000048  }
0xbd: {  	_ =	sfence  }
0xbe: {  	s30 =	sld [smem:$0x0];
	_ =	sdelay $0x2  }
0xbf: {  	s31 =	sshll.u32 s1, $0xD;
	s1 =	sshrl.u32 s1, $0x2  }
0xc0: {  	s3 =	sand.u32 $0x4000, s31;
	s1 =	sadd.s32 s1, s30  }
0xc1: {  	s0 =	sor.u32 s3, s0;
	s1 =	sshll.u32 s1, $0x11  }
0xc2: {  	s0 =	sor.u32 s1, s0  }
0xc3: {  	s0 =	sadd.s32 $0x8F2B, s0  }
0xc4: {  	[sflag:s0] =	ssyncadd.remote.s32 $0x1  }
0xc5: {  	_ =	sfence.sel $0xFFFF  }
0xc6: {  	[dreg:$0x0] =	wrdreg $0xFFFFFFFF;
	(pc) =	sbr.abs _section_cstart, $3  }
0xc7: {  	[dreg:$0x1] =	wrdreg $0xFFFFFFFF  }
0xc8: {  	_ =	task.clear_ibuf [dreg:s8], $0x2FFFF;
	_ =	strace $0x9FFFFFFF  }
0xc9: {  	(tm) =	ssettm $0x7FFFFFFF  }
tec
execute0_lowered:
.L_overlay_start_1:
0x0: {  	(tag) =	ssettag $0x1  }
0x1: {  	s0 =	srdreg.scid  }
0x2: {  	s1 =	stileid.u32;
	s2 =	sand.u32 $0x1, s0  }
0x3: {  	s20 =	sshll.u32 s1, $0x9;
	s21 =	sshll.u32 s2, $0x8  }
0x4: {  	v18 =	vlaneseq.u32;
	s0 =	sor.u32 s21, s20  }
0x5: {  	v0 =	vmov s0;
	v1 =	vor.u32 s0, v18;
	s1 =	sor.u32 $0x10, s0  }
0x6: {  	s3 =	sor.u32 $0x20, s0;
	s22 =	sor.u32 $0x30, s0;
	s23 =	sor.u32 $0x40, s0;
	v0 =	vshrl.u32 v0, $0x1;
	v1 =	vand.u32 $0x10F, v1;
	v2 =	vmov s1  }
0x7: {  	s24 =	sor.u32 $0x50, s0;
	s25 =	sor.u32 $0x60, s0;
	s26 =	sor.u32 $0x70, s0;
	v3 =	vmov s3;
	v4 =	vor.u32 s3, v18;
	v5 =	vmov s22  }
0x8: {  	s4 =	sor.u32 $0x80, s0;
	s6 =	sor.u32 $0x90, s0;
	s7 =	sor.u32 $0xA0, s0;
	v6 =	vor.u32 s23, v18;
	v7 =	vmov s24;
	v8 =	vor.u32 s25, v18  }
0x9: {  	s9 =	sshrl.u32 s0, $0x3;
	s30 =	sor.u32 $0xB0, s0;
	s10 =	sor.u32 $0xD0, s0;
	v9 =	vmov s26;
	v10 =	vor.u32 s4, v18;
	v11 =	vmov s6  }
0xa: {  	s31 =	sor.u32 $0xC0, s0;
	s11 =	sor.u32 $0xE0, s0;
	s0 =	sor.u32 $0xF0, s0;
	v12 =	vor.u32 s7, v18;
	v13 =	vmov s30;
	v14 =	vmov s10  }
0xb: {  	v15 =	vor.u32 s31, v18;
	v16 =	vor.u32 s10, v18;
	v17 =	vmov s0  }
0xc: {  	v19 =	vor.u32 s0, v18;
	v0 =	vand.u32 $0xE00, v0;
	v3 =	vshrl.u32 v3, $0x1  }
0xd: {  	v0 =	vor.u32 v1, v0;
	v1 =	vshrl.u32 v2, $0x1;
	v2 =	vor.u32 s1, v18  }
0xe: {  	v4 =	vand.u32 $0x12F, v4;
	v1 =	vand.u32 $0x3FFFFE00, v1;
	v2 =	vand.u32 $0x11F, v2  }
0xf: {  	v6 =	vand.u32 $0x14F, v6;
	v3 =	vand.u32 $0x3FFFFE00, v3;
	v1 =	vor.u32 v2, v1  }
0x10: {  	v2 =	vor.u32 v4, v3;
	v3 =	vshrl.u32 v5, $0x1;
	v5 =	vmov s23  }
0x11: {  	v8 =	vand.u32 $0x16F, v8;
	v4 =	vor.u32 s22, v18;
	v5 =	vshrl.u32 v5, $0x1  }
0x12: {  	v3 =	vand.u32 $0x3FFFFE00, v3;
	v4 =	vand.u32 $0x13F, v4;
	v5 =	vand.u32 $0x3FFFFE00, v5  }
0x13: {  	v10 =	vand.u32 $0x18F, v10;
	v3 =	vor.u32 v4, v3;
	v4 =	vor.u32 v6, v5  }
0x14: {  	v5 =	vshrl.u32 v7, $0x1;
	v6 =	vor.u32 s24, v18;
	v7 =	vmov s25  }
0x15: {  	v5 =	vand.u32 $0x3FFFFE00, v5;
	v6 =	vand.u32 $0x15F, v6;
	v7 =	vshrl.u32 v7, $0x1  }
0x16: {  	v12 =	vand.u32 $0x1AF, v12;
	v7 =	vand.u32 $0x3FFFFE00, v7;
	v5 =	vor.u32 v6, v5  }
0x17: {  	v6 =	vor.u32 v8, v7;
	v7 =	vshrl.u32 v9, $0x1;
	v9 =	vmov s4  }
0x18: {  	v14 =	vshrl.u32 v14, $0x1;
	v8 =	vor.u32 s26, v18;
	v9 =	vshrl.u32 v9, $0x1  }
0x19: {  	v7 =	vand.u32 $0x3FFFFE00, v7;
	v8 =	vand.u32 $0x17F, v8;
	v9 =	vand.u32 $0x3FFFFE00, v9  }
0x1a: {  	v15 =	vand.u32 $0x1CF, v15;
	v7 =	vor.u32 v8, v7;
	v8 =	vor.u32 v10, v9  }
0x1b: {  	v9 =	vshrl.u32 v11, $0x1;
	v10 =	vor.u32 s6, v18;
	v11 =	vmov s7  }
0x1c: {  	v9 =	vand.u32 $0x3FFFFE00, v9;
	v10 =	vand.u32 $0x19F, v10;
	v11 =	vshrl.u32 v11, $0x1  }
0x1d: {  	v17 =	vshrl.u32 v17, $0x1;
	v11 =	vand.u32 $0x3FFFFE00, v11;
	v9 =	vor.u32 v10, v9  }
0x1e: {  	v10 =	vor.u32 v12, v11;
	v11 =	vshrl.u32 v13, $0x1;
	v13 =	vmov s31  }
0x1f: {  	v14 =	vand.u32 $0x3FFFFE00, v14;
	v12 =	vor.u32 s30, v18;
	v13 =	vshrl.u32 v13, $0x1  }
0x20: {  	s5 =	rddreg [dreg:$0x0];
	v11 =	vand.u32 $0x3FFFFE00, v11;
	v12 =	vand.u32 $0x1BF, v12;
	v13 =	vand.u32 $0x3FFFFE00, v13  }
0x21: {  	s28 =	rddreg [dreg:$0x1];
	s2 =	ssub.s32 $0x2, s2;
	v11 =	vor.u32 v12, v11;
	v12 =	vor.u32 v15, v13;
	v15 =	vmov s11  }
0x22: {  	s8 =	rddreg [dreg:$0x2];
	s29 =	sshrl.u32 s2, $0x1;
	s3 =	simm.s32 $0x0;
	v13 =	vand.u32 $0x1DF, v16;
	v16 =	vor.u32 s11, v18;
	v15 =	vshrl.u32 v15, $0x1  }
0x23: {  	s2 =	ssub.s32 s2, s29;
	[smem:$0x7FF] =	sst s3;
	v17 =	vand.u32 $0x3FFFFE00, v17;
	v16 =	vand.u32 $0x1EF, v16;
	v15 =	vand.u32 $0x3FFFFE00, v15  }
0x24: {  	s5 =	sadd.s32 s5, s9;
	s2 =	smax.u32 s2, $0x1;
	_ =	strace $0x80000047;
	v13 =	vor.u32 v13, v14;
	v14 =	vor.u32 v16, v15;
	v15 =	vand.u32 $0x1FF, v19  }
0x25: {  	vm0 =	vmmov $0xffff;
	[dreg:$0x4] =	wrdreg s5;
	s5 =	sadd.s32 $0x100, s28;
	s4 =	sadd.s32 $0x2C00, s8;
	v15 =	vor.u32 v15, v17;
	v17 =	vshrl.u32 v18, $0x3  }
0x26: {  	s6 =	sadd.s32 $0x200, s28;
	s7 =	sadd.s32 $0x2D00, s8;
	s8 =	sadd.s32 $0x2E00, s8;
	v16 =	vand.u32 $0x7, v18;
	v18 =	vor.u32 $0x8, v18;
	v17 =	vmul.u32 $0x8, v17  }
.LBB2_1:
0x27: {  	[dreg:$0x5] =	wrdreg s2  }
0x28: {  	s15 =	rddreg [dreg:$0x4];
	s14 =	simm.s32 $0x4  }
0x29: {  	[tilespmem:s3], [sflag:$0x4] =	stream.linear.gather [hbm4b:s15+s3], $0x100, $0x38;
	[tilespmem:$0xC900] =	vst v63  }
0x2a: {  	_ =	swait.ge [sflag:s14], $0x100  }
0x2b: {  	[sflag:s14] =	ssyncset.done $0x0  }
0x2c: {  	[sflag:s14] =	ssyncadd.s32 $0xFFFFFF00  }
0x2d: {  	v19 =	vld [tilespmem:$0x0]  }
0x2e: {  	v20 =	vld [tilespmem:$0x10];
	_ =	sdelay $0x3  }
0x2f: {  	[tilespmem:$0x100] =	vst v19;
	v19 =	vld [tilespmem:$0x50]  }
0x30: {  	[tilespmem:$0x110] =	vst v20;
	v20 =	vld [tilespmem:$0x60]  }
0x31: {  	[tilespmem:$0x500] =	vst v0  }
0x32: {  	[tilespmem:$0x510] =	vst v1  }
0x33: {  	[tilespmem:$0x580] =	vst v2  }
0x34: {  	[tilespmem:$0x210] =	vst v19;
	v19 =	vld [tilespmem:$0x80]  }
0x35: {  	[tilespmem:$0x280] =	vst v20;
	v20 =	vld [tilespmem:$0x90]  }
0x36: {  	[tilespmem:$0x590] =	vst v3  }
0x37: {  	[tilespmem:$0x600] =	vst v4  }
0x38: {  	[tilespmem:$0x610] =	vst v5  }
0x39: {  	[tilespmem:$0x300] =	vst v19;
	v19 =	vld [tilespmem:$0xB0]  }
0x3a: {  	[tilespmem:$0x310] =	vst v20;
	v20 =	vld [tilespmem:$0xC0]  }
0x3b: {  	[tilespmem:$0x680] =	vst v6  }
0x3c: {  	[tilespmem:$0x690] =	vst v7  }
0x3d: {  	[tilespmem:$0x700] =	vst v8  }
0x3e: {  	[tilespmem:$0x390] =	vst v19;
	v19 =	vld [tilespmem:$0xE0]  }
0x3f: {  	[tilespmem:$0x400] =	vst v20;
	v20 =	vld [tilespmem:$0x500]  }
0x40: {  	[tilespmem:$0x710] =	vst v9  }
0x41: {  	[tilespmem:$0x780] =	vst v10  }
0x42: {  	[tilespmem:$0x790] =	vst v11  }
0x43: {  	v21 =	vld [tilespmem:$0x20];
	[tilespmem:$0x800] =	vst v12  }
0x44: {  	v22 =	vld [tilespmem:$0x30];
	[tilespmem:$0x480] =	vst v19;
	v19 =	vshrl.u32 v20, $0x3  }
0x45: {  	v23 =	vld [tilespmem:$0x40];
	[tilespmem:$0x810] =	vst v13;
	v19 =	vmul.u32 $0x30, v19  }
0x46: {  	v60 =	vld [tilespmem:$0x70];
	[tilespmem:$0x880] =	vst v14;
	v20 =	vand.u32 $0x7, v20  }
0x47: {  	v61 =	vld [tilespmem:$0xA0];
	[tilespmem:$0x890] =	vst v15;
	v19 =	vor.u32 v20, v19  }
0x48: {  	v62 =	vld [tilespmem:$0xD0];
	[tilespmem:$0x180] =	vst v21;
	v20 =	vperm.xlane v19, v16  }
0x49: {  	v63 =	vld [tilespmem:$0xF0];
	[tilespmem:$0x190] =	vst v22  }
0x4a: {  	[tilespmem:$0x200] =	vst v23;
	v20 =	vadd.s32 v17, v20  }
0x4b: {  	[tilespmem:$0x290] =	vst v60  }
0x4c: {  	[tilespmem:$0x380] =	vst v61  }
0x4d: {  	[tilespmem:$0x410] =	vst v62  }
0x4e: {  	s0 =	simm.s32 $0x900;
	s1 =	rddreg [dreg:$0x1];
	[tilespmem:$0x490] =	vst v63;
	v19 =	vperm.xlane v19, v18  }
0x4f: {  	[tilespmem:s0], [sflag:$0x1] =	stream.indirect_vreg.gather [hbm4b:s1+s3], $0x80, v20, vm0, $0xb8;
	[tilespmem:$0xC900] =	vst v63  }
0x50: {  	s16 =	simm.s32 $0x1100;
	v19 =	vadd.s32 v17, v19  }
0x51: {  	[tilespmem:s16], [sflag:$0x1] =	stream.indirect_vreg.gather [hbm4b:s5+s3], $0x80, v20, vm0, $0xb8;
	[tilespmem:$0xC900] =	vst v63  }
0x52: {  	s17 =	simm.s32 $0x1900  }
0x53: {  	[tilespmem:s17], [sflag:$0x1] =	stream.indirect_vreg.gather [hbm4b:s6+s3], $0x80, v20, vm0, $0xb8;
	[tilespmem:$0xC900] =	vst v63  }
0x54: {  	s9 =	simm.s32 $0x2100  }
0x55: {  	[tilespmem:s9], [sflag:$0x1] =	stream.indirect_vreg.gather [hbm4b:s1+s3], $0x80, v19, vm0, $0xb8;
	[tilespmem:$0xC900] =	vst v63  }
0x56: {  	s10 =	simm.s32 $0x2900  }
0x57: {  	[tilespmem:s10], [sflag:$0x1] =	stream.indirect_vreg.gather [hbm4b:s5+s3], $0x80, v19, vm0, $0xb8;
	[tilespmem:$0xC900] =	vst v63  }
0x58: {  	s11 =	simm.s32 $0x3100  }
0x59: {  	[tilespmem:s11], [sflag:$0x1] =	stream.indirect_vreg.gather [hbm4b:s6+s3], $0x80, v19, vm0, $0xb8;
	[tilespmem:$0xC900] =	vst v63  }
0x5a: {  	v19 =	vld [tilespmem:$0x510];
	_ =	sdelay $0x4  }
0x5b: {  	v20 =	vshrl.u32 v19, $0x3  }
0x5c: {  	v20 =	vmul.u32 $0x30, v20  }
0x5d: {  	v19 =	vand.u32 $0x7, v19  }
0x5e: {  	v19 =	vor.u32 v19, v20  }
0x5f: {  	v20 =	vperm.xlane v19, v16;
	_ =	sdelay $0x1  }
0x60: {  	v20 =	vadd.s32 v17, v20;
	_ =	sdelay $0x3  }
0x61: {  	s12 =	simm.s32 $0x3900;
	v19 =	vperm.xlane v19, v18  }
0x62: {  	[tilespmem:s12], [sflag:$0x1] =	stream.indirect_vreg.gather [hbm4b:s1+s3], $0x80, v20, vm0, $0xb8;
	[tilespmem:$0xC900] =	vst v63  }
0x63: {  	s13 =	simm.s32 $0x4100;
	v19 =	vadd.s32 v17, v19  }
0x64: {  	[tilespmem:s13], [sflag:$0x1] =	stream.indirect_vreg.gather [hbm4b:s5+s3], $0x80, v20, vm0, $0xb8;
	[tilespmem:$0xC900] =	vst v63  }
0x65: {  	s14 =	simm.s32 $0x4900  }
0x66: {  	[tilespmem:s14], [sflag:$0x1] =	stream.indirect_vreg.gather [hbm4b:s6+s3], $0x80, v20, vm0, $0xb8;
	[tilespmem:$0xC900] =	vst v63  }
0x67: {  	s28 =	simm.s32 $0x5100  }
0x68: {  	[tilespmem:s28], [sflag:$0x1] =	stream.indirect_vreg.gather [hbm4b:s1+s3], $0x80, v19, vm0, $0xb8;
	[tilespmem:$0xC900] =	vst v63  }
0x69: {  	s16 =	simm.s32 $0x5900  }
0x6a: {  	[tilespmem:s16], [sflag:$0x1] =	stream.indirect_vreg.gather [hbm4b:s5+s3], $0x80, v19, vm0, $0xb8;
	[tilespmem:$0xC900] =	vst v63  }
0x6b: {  	s2 =	simm.s32 $0x1;
	s17 =	simm.s32 $0x6100  }
0x6c: {  	[tilespmem:s17], [sflag:$0x1] =	stream.indirect_vreg.gather [hbm4b:s6+s3], $0x80, v19, vm0, $0xb8;
	[tilespmem:$0xC900] =	vst v63  }
0x6d: {  	_ =	swait.ge [sflag:s2], $0x6000  }
0x6e: {  	[sflag:s2] =	ssyncset.done $0x0  }
0x6f: {  	[sflag:s2] =	ssyncadd.s32 $0xFFFFA000  }
0x70: {  	v19 =	vld [tilespmem:$0x100];
	_ =	sdelay $0x4  }
0x71: {  	v20 =	vshrl.u32 v19, $0x3  }
0x72: {  	v20 =	vmul.u32 $0x30, v20  }
0x73: {  	v19 =	vand.u32 $0x7, v19  }
0x74: {  	v19 =	vor.u32 v19, v20  }
0x75: {  	v20 =	vperm.xlane v19, v16;
	_ =	sdelay $0x1  }
0x76: {  	v20 =	vadd.s32 v17, v20;
	_ =	sdelay $0x3  }
0x77: {  	s18 =	simm.s32 $0x900;
	v19 =	vperm.xlane v19, v18  }
0x78: {  	[hbm4b:s4+s3] =	stream.indirect_vreg.scatter [tilespmem:s18], [sflag:$0x2], $0x80, v20, vm0, $0xb8;
	[tilespmem:$0xC900] =	vst v63  }
0x79: {  	s19 =	simm.s32 $0x1100;
	v19 =	vadd.s32 v17, v19  }
0x7a: {  	[hbm4b:s7+s3] =	stream.indirect_vreg.scatter [tilespmem:s19], [sflag:$0x2], $0x80, v20, vm0, $0xb8;
	[tilespmem:$0xC900] =	vst v63  }
0x7b: {  	s20 =	simm.s32 $0x1900  }
0x7c: {  	[hbm4b:s8+s3] =	stream.indirect_vreg.scatter [tilespmem:s20], [sflag:$0x2], $0x80, v20, vm0, $0xb8;
	[tilespmem:$0xC900] =	vst v63  }
0x7d: {  	s21 =	simm.s32 $0x2100  }
0x7e: {  	[hbm4b:s4+s3] =	stream.indirect_vreg.scatter [tilespmem:s21], [sflag:$0x2], $0x80, v19, vm0, $0xb8;
	[tilespmem:$0xC900] =	vst v63  }
0x7f: {  	s22 =	simm.s32 $0x2900  }
0x80: {  	[hbm4b:s7+s3] =	stream.indirect_vreg.scatter [tilespmem:s22], [sflag:$0x2], $0x80, v19, vm0, $0xb8;
	[tilespmem:$0xC900] =	vst v63  }
0x81: {  	s23 =	simm.s32 $0x3100  }
0x82: {  	[hbm4b:s8+s3] =	stream.indirect_vreg.scatter [tilespmem:s23], [sflag:$0x2], $0x80, v19, vm0, $0xb8;
	[tilespmem:$0xC900] =	vst v63  }
0x83: {  	v19 =	vld [tilespmem:$0x110];
	_ =	sdelay $0x4  }
0x84: {  	v20 =	vshrl.u32 v19, $0x3  }
0x85: {  	v20 =	vmul.u32 $0x30, v20  }
0x86: {  	v19 =	vand.u32 $0x7, v19  }
0x87: {  	v19 =	vor.u32 v19, v20  }
0x88: {  	v20 =	vperm.xlane v19, v16;
	_ =	sdelay $0x1  }
0x89: {  	v20 =	vadd.s32 v17, v20;
	_ =	sdelay $0x3  }
0x8a: {  	s24 =	simm.s32 $0x3900;
	v19 =	vperm.xlane v19, v18  }
0x8b: {  	[hbm4b:s4+s3] =	stream.indirect_vreg.scatter [tilespmem:s24], [sflag:$0x2], $0x80, v20, vm0, $0xb8;
	[tilespmem:$0xC900] =	vst v63  }
0x8c: {  	s25 =	simm.s32 $0x4100;
	v19 =	vadd.s32 v17, v19  }
0x8d: {  	[hbm4b:s7+s3] =	stream.indirect_vreg.scatter [tilespmem:s25], [sflag:$0x2], $0x80, v20, vm0, $0xb8;
	[tilespmem:$0xC900] =	vst v63  }
0x8e: {  	s26 =	simm.s32 $0x4900  }
0x8f: {  	[hbm4b:s8+s3] =	stream.indirect_vreg.scatter [tilespmem:s26], [sflag:$0x2], $0x80, v20, vm0, $0xb8;
	[tilespmem:$0xC900] =	vst v63  }
0x90: {  	s29 =	simm.s32 $0x5100  }
0x91: {  	[hbm4b:s4+s3] =	stream.indirect_vreg.scatter [tilespmem:s29], [sflag:$0x2], $0x80, v19, vm0, $0xb8;
	[tilespmem:$0xC900] =	vst v63  }
0x92: {  	s30 =	simm.s32 $0x5900  }
0x93: {  	[hbm4b:s7+s3] =	stream.indirect_vreg.scatter [tilespmem:s30], [sflag:$0x2], $0x80, v19, vm0, $0xb8;
	[tilespmem:$0xC900] =	vst v63  }
0x94: {  	s31 =	simm.s32 $0x6100  }
0x95: {  	[hbm4b:s8+s3] =	stream.indirect_vreg.scatter [tilespmem:s31], [sflag:$0x2], $0x80, v19, vm0, $0xb8;
	[tilespmem:$0xC900] =	vst v63  }
0x96: {  	v19 =	vld [tilespmem:$0x580];
	_ =	sdelay $0x4  }
0x97: {  	v20 =	vshrl.u32 v19, $0x3  }
0x98: {  	v20 =	vmul.u32 $0x30, v20  }
0x99: {  	v19 =	vand.u32 $0x7, v19  }
0x9a: {  	v19 =	vor.u32 v19, v20  }
0x9b: {  	v20 =	vperm.xlane v19, v16;
	_ =	sdelay $0x1  }
0x9c: {  	v20 =	vadd.s32 v17, v20;
	_ =	sdelay $0x3  }
0x9d: {  	s14 =	simm.s32 $0x6900;
	v19 =	vperm.xlane v19, v18  }
0x9e: {  	[tilespmem:s14], [sflag:$0x1] =	stream.indirect_vreg.gather [hbm4b:s1+s3], $0x80, v20, vm0, $0xb8;
	[tilespmem:$0xC900] =	vst v63  }
0x9f: {  	s15 =	simm.s32 $0x7100;
	v19 =	vadd.s32 v17, v19  }
0xa0: {  	[tilespmem:s15], [sflag:$0x1] =	stream.indirect_vreg.gather [hbm4b:s5+s3], $0x80, v20, vm0, $0xb8;
	[tilespmem:$0xC900] =	vst v63  }
0xa1: {  	s17 =	simm.s32 $0x7900  }
0xa2: {  	[tilespmem:s17], [sflag:$0x1] =	stream.indirect_vreg.gather [hbm4b:s6+s3], $0x80, v20, vm0, $0xb8;
	[tilespmem:$0xC900] =	vst v63  }
0xa3: {  	s22 =	simm.s32 $0x8100  }
0xa4: {  	[tilespmem:s22], [sflag:$0x1] =	stream.indirect_vreg.gather [hbm4b:s1+s3], $0x80, v19, vm0, $0xb8;
	[tilespmem:$0xC900] =	vst v63  }
0xa5: {  	s31 =	simm.s32 $0x8900  }
0xa6: {  	[tilespmem:s31], [sflag:$0x1] =	stream.indirect_vreg.gather [hbm4b:s5+s3], $0x80, v19, vm0, $0xb8;
	[tilespmem:$0xC900] =	vst v63  }
0xa7: {  	s11 =	simm.s32 $0x9100  }
0xa8: {  	[tilespmem:s11], [sflag:$0x1] =	stream.indirect_vreg.gather [hbm4b:s6+s3], $0x80, v19, vm0, $0xb8;
	[tilespmem:$0xC900] =	vst v63  }
0xa9: {  	v19 =	vld [tilespmem:$0x590];
	_ =	sdelay $0x4  }
0xaa: {  	v20 =	vshrl.u32 v19, $0x3  }
0xab: {  	v20 =	vmul.u32 $0x30, v20  }
0xac: {  	v19 =	vand.u32 $0x7, v19  }
0xad: {  	v19 =	vor.u32 v19, v20  }
0xae: {  	v20 =	vperm.xlane v19, v16;
	_ =	sdelay $0x1  }
0xaf: {  	v20 =	vadd.s32 v17, v20;
	_ =	sdelay $0x3  }
0xb0: {  	s13 =	simm.s32 $0x9900;
	v19 =	vperm.xlane v19, v18  }
0xb1: {  	[tilespmem:s13], [sflag:$0x1] =	stream.indirect_vreg.gather [hbm4b:s1+s3], $0x80, v20, vm0, $0xb8;
	[tilespmem:$0xC900] =	vst v63  }
0xb2: {  	s19 =	simm.s32 $0xA100;
	v19 =	vadd.s32 v17, v19  }
0xb3: {  	[tilespmem:s19], [sflag:$0x1] =	stream.indirect_vreg.gather [hbm4b:s5+s3], $0x80, v20, vm0, $0xb8;
	[tilespmem:$0xC900] =	vst v63  }
0xb4: {  	s21 =	simm.s32 $0xA900  }
0xb5: {  	[tilespmem:s21], [sflag:$0x1] =	stream.indirect_vreg.gather [hbm4b:s6+s3], $0x80, v20, vm0, $0xb8;
	[tilespmem:$0xC900] =	vst v63  }
0xb6: {  	s24 =	simm.s32 $0xB100  }
0xb7: {  	[tilespmem:s24], [sflag:$0x1] =	stream.indirect_vreg.gather [hbm4b:s1+s3], $0x80, v19, vm0, $0xb8;
	[tilespmem:$0xC900] =	vst v63  }
0xb8: {  	s26 =	simm.s32 $0xB900  }
0xb9: {  	[tilespmem:s26], [sflag:$0x1] =	stream.indirect_vreg.gather [hbm4b:s5+s3], $0x80, v19, vm0, $0xb8;
	[tilespmem:$0xC900] =	vst v63  }
0xba: {  	s29 =	simm.s32 $0xC100  }
0xbb: {  	[tilespmem:s29], [sflag:$0x1] =	stream.indirect_vreg.gather [hbm4b:s6+s3], $0x80, v19, vm0, $0xb8;
	[tilespmem:$0xC900] =	vst v63  }
0xbc: {  	_ =	swait.ge [sflag:s2], $0x6000  }
0xbd: {  	[sflag:s2] =	ssyncset.done $0x0  }
0xbe: {  	[sflag:s2] =	ssyncadd.s32 $0xFFFFA000  }
0xbf: {  	v19 =	vld [tilespmem:$0x180];
	_ =	sdelay $0x4  }
0xc0: {  	v20 =	vshrl.u32 v19, $0x3  }
0xc1: {  	v20 =	vmul.u32 $0x30, v20  }
0xc2: {  	v19 =	vand.u32 $0x7, v19  }
0xc3: {  	v19 =	vor.u32 v19, v20  }
0xc4: {  	v20 =	vperm.xlane v19, v16;
	_ =	sdelay $0x1  }
0xc5: {  	v20 =	vadd.s32 v17, v20;
	_ =	sdelay $0x3  }
0xc6: {  	s30 =	simm.s32 $0x6900;
	v19 =	vperm.xlane v19, v18  }
0xc7: {  	[hbm4b:s4+s3] =	stream.indirect_vreg.scatter [tilespmem:s30], [sflag:$0x3], $0x80, v20, vm0, $0xb8;
	[tilespmem:$0xC900] =	vst v63  }
0xc8: {  	s16 =	simm.s32 $0x7100;
	v19 =	vadd.s32 v17, v19  }
0xc9: {  	[hbm4b:s7+s3] =	stream.indirect_vreg.scatter [tilespmem:s16], [sflag:$0x3], $0x80, v20, vm0, $0xb8;
	[tilespmem:$0xC900] =	vst v63  }
0xca: {  	s18 =	simm.s32 $0x7900  }
0xcb: {  	[hbm4b:s8+s3] =	stream.indirect_vreg.scatter [tilespmem:s18], [sflag:$0x3], $0x80, v20, vm0, $0xb8;
	[tilespmem:$0xC900] =	vst v63  }
0xcc: {  	s23 =	simm.s32 $0x8100  }
0xcd: {  	[hbm4b:s4+s3] =	stream.indirect_vreg.scatter [tilespmem:s23], [sflag:$0x3], $0x80, v19, vm0, $0xb8;
	[tilespmem:$0xC900] =	vst v63  }
0xce: {  	s10 =	simm.s32 $0x8900  }
0xcf: {  	[hbm4b:s7+s3] =	stream.indirect_vreg.scatter [tilespmem:s10], [sflag:$0x3], $0x80, v19, vm0, $0xb8;
	[tilespmem:$0xC900] =	vst v63  }
0xd0: {  	s12 =	simm.s32 $0x9100  }
0xd1: {  	[hbm4b:s8+s3] =	stream.indirect_vreg.scatter [tilespmem:s12], [sflag:$0x3], $0x80, v19, vm0, $0xb8;
	[tilespmem:$0xC900] =	vst v63  }
0xd2: {  	v19 =	vld [tilespmem:$0x190];
	_ =	sdelay $0x4  }
0xd3: {  	v20 =	vshrl.u32 v19, $0x3  }
0xd4: {  	v20 =	vmul.u32 $0x30, v20  }
0xd5: {  	v19 =	vand.u32 $0x7, v19  }
0xd6: {  	v19 =	vor.u32 v19, v20  }
0xd7: {  	v20 =	vperm.xlane v19, v16;
	_ =	sdelay $0x1  }
0xd8: {  	v20 =	vadd.s32 v17, v20;
	_ =	sdelay $0x3  }
0xd9: {  	s14 =	simm.s32 $0x9900;
	v19 =	vperm.xlane v19, v18  }
0xda: {  	[hbm4b:s4+s3] =	stream.indirect_vreg.scatter [tilespmem:s14], [sflag:$0x3], $0x80, v20, vm0, $0xb8;
	[tilespmem:$0xC900] =	vst v63  }
0xdb: {  	s20 =	simm.s32 $0xA100;
	v19 =	vadd.s32 v17, v19  }
0xdc: {  	[hbm4b:s7+s3] =	stream.indirect_vreg.scatter [tilespmem:s20], [sflag:$0x3], $0x80, v20, vm0, $0xb8;
	[tilespmem:$0xC900] =	vst v63  }
0xdd: {  	s22 =	simm.s32 $0xA900  }
0xde: {  	[hbm4b:s8+s3] =	stream.indirect_vreg.scatter [tilespmem:s22], [sflag:$0x3], $0x80, v20, vm0, $0xb8;
	[tilespmem:$0xC900] =	vst v63  }
0xdf: {  	s25 =	simm.s32 $0xB100  }
0xe0: {  	[hbm4b:s4+s3] =	stream.indirect_vreg.scatter [tilespmem:s25], [sflag:$0x3], $0x80, v19, vm0, $0xb8;
	[tilespmem:$0xC900] =	vst v63  }
0xe1: {  	s28 =	simm.s32 $0xB900  }
0xe2: {  	[hbm4b:s7+s3] =	stream.indirect_vreg.scatter [tilespmem:s28], [sflag:$0x3], $0x80, v19, vm0, $0xb8;
	[tilespmem:$0xC900] =	vst v63  }
0xe3: {  	s31 =	simm.s32 $0xC100;
	s14 =	simm.s32 $0x2  }
0xe4: {  	[hbm4b:s8+s3] =	stream.indirect_vreg.scatter [tilespmem:s31], [sflag:$0x3], $0x80, v19, vm0, $0xb8;
	[tilespmem:$0xC900] =	vst v63  }
0xe5: {  	_ =	swait.ge [sflag:s14], $0x6000  }
0xe6: {  	[sflag:s14] =	ssyncset.done $0x0  }
0xe7: {  	[sflag:s14] =	ssyncadd.s32 $0xFFFFA000  }
0xe8: {  	v19 =	vld [tilespmem:$0x600];
	_ =	sdelay $0x4  }
0xe9: {  	v20 =	vshrl.u32 v19, $0x3  }
0xea: {  	v20 =	vmul.u32 $0x30, v20  }
0xeb: {  	v19 =	vand.u32 $0x7, v19  }
0xec: {  	v19 =	vor.u32 v19, v20  }
0xed: {  	v20 =	vperm.xlane v19, v16;
	_ =	sdelay $0x1  }
0xee: {  	v20 =	vadd.s32 v17, v20;
	_ =	sdelay $0x3  }
0xef: {  	s31 =	simm.s32 $0x900;
	v19 =	vperm.xlane v19, v18  }
0xf0: {  	[tilespmem:s31], [sflag:$0x1] =	stream.indirect_vreg.gather [hbm4b:s1+s3], $0x80, v20, vm0, $0xb8;
	[tilespmem:$0xC900] =	vst v63  }
0xf1: {  	s18 =	simm.s32 $0x1100;
	v19 =	vadd.s32 v17, v19  }
0xf2: {  	[tilespmem:s18], [sflag:$0x1] =	stream.indirect_vreg.gather [hbm4b:s5+s3], $0x80, v20, vm0, $0xb8;
	[tilespmem:$0xC900] =	vst v63  }
0xf3: {  	s19 =	simm.s32 $0x1900  }
0xf4: {  	[tilespmem:s19], [sflag:$0x1] =	stream.indirect_vreg.gather [hbm4b:s6+s3], $0x80, v20, vm0, $0xb8;
	[tilespmem:$0xC900] =	vst v63  }
0xf5: {  	s0 =	simm.s32 $0x2100  }
0xf6: {  	[tilespmem:s0], [sflag:$0x1] =	stream.indirect_vreg.gather [hbm4b:s1+s3], $0x80, v19, vm0, $0xb8;
	[tilespmem:$0xC900] =	vst v63  }
0xf7: {  	s13 =	simm.s32 $0x2900  }
0xf8: {  	[tilespmem:s13], [sflag:$0x1] =	stream.indirect_vreg.gather [hbm4b:s5+s3], $0x80, v19, vm0, $0xb8;
	[tilespmem:$0xC900] =	vst v63  }
0xf9: {  	s20 =	simm.s32 $0x3100  }
0xfa: {  	[tilespmem:s20], [sflag:$0x1] =	stream.indirect_vreg.gather [hbm4b:s6+s3], $0x80, v19, vm0, $0xb8;
	[tilespmem:$0xC900] =	vst v63  }
0xfb: {  	v19 =	vld [tilespmem:$0x610];
	_ =	sdelay $0x4  }
0xfc: {  	v20 =	vshrl.u32 v19, $0x3  }
0xfd: {  	v20 =	vmul.u32 $0x30, v20  }
0xfe: {  	v19 =	vand.u32 $0x7, v19  }
0xff: {  	v19 =	vor.u32 v19, v20  }
0x100: {  	v20 =	vperm.xlane v19, v16;
	_ =	sdelay $0x1  }
0x101: {  	v20 =	vadd.s32 v17, v20;
	_ =	sdelay $0x3  }
0x102: {  	s21 =	simm.s32 $0x3900;
	v19 =	vperm.xlane v19, v18  }
0x103: {  	[tilespmem:s21], [sflag:$0x1] =	stream.indirect_vreg.gather [hbm4b:s1+s3], $0x80, v20, vm0, $0xb8;
	[tilespmem:$0xC900] =	vst v63  }
0x104: {  	s22 =	simm.s32 $0x4100;
	v19 =	vadd.s32 v17, v19  }
0x105: {  	[tilespmem:s22], [sflag:$0x1] =	stream.indirect_vreg.gather [hbm4b:s5+s3], $0x80, v20, vm0, $0xb8;
	[tilespmem:$0xC900] =	vst v63  }
0x106: {  	s24 =	simm.s32 $0x4900  }
0x107: {  	[tilespmem:s24], [sflag:$0x1] =	stream.indirect_vreg.gather [hbm4b:s6+s3], $0x80, v20, vm0, $0xb8;
	[tilespmem:$0xC900] =	vst v63  }
0x108: {  	s25 =	simm.s32 $0x5100  }
0x109: {  	[tilespmem:s25], [sflag:$0x1] =	stream.indirect_vreg.gather [hbm4b:s1+s3], $0x80, v19, vm0, $0xb8;
	[tilespmem:$0xC900] =	vst v63  }
0x10a: {  	s26 =	simm.s32 $0x5900  }
0x10b: {  	[tilespmem:s26], [sflag:$0x1] =	stream.indirect_vreg.gather [hbm4b:s5+s3], $0x80, v19, vm0, $0xb8;
	[tilespmem:$0xC900] =	vst v63  }
0x10c: {  	s28 =	simm.s32 $0x6100  }
0x10d: {  	[tilespmem:s28], [sflag:$0x1] =	stream.indirect_vreg.gather [hbm4b:s6+s3], $0x80, v19, vm0, $0xb8;
	[tilespmem:$0xC900] =	vst v63  }
0x10e: {  	_ =	swait.ge [sflag:s2], $0x6000  }
0x10f: {  	[sflag:s2] =	ssyncset.done $0x0  }
0x110: {  	[sflag:s2] =	ssyncadd.s32 $0xFFFFA000  }
0x111: {  	v19 =	vld [tilespmem:$0x200];
	_ =	sdelay $0x4  }
0x112: {  	v20 =	vshrl.u32 v19, $0x3  }
0x113: {  	v20 =	vmul.u32 $0x30, v20  }
0x114: {  	v19 =	vand.u32 $0x7, v19  }
0x115: {  	v19 =	vor.u32 v19, v20  }
0x116: {  	v20 =	vperm.xlane v19, v16;
	_ =	sdelay $0x1  }
0x117: {  	v20 =	vadd.s32 v17, v20;
	_ =	sdelay $0x3  }
0x118: {  	v19 =	vperm.xlane v19, v18  }
0x119: {  	[hbm4b:s4+s3] =	stream.indirect_vreg.scatter [tilespmem:s31], [sflag:$0x2], $0x80, v20, vm0, $0xb8;
	[tilespmem:$0xC900] =	vst v63  }
0x11a: {  	v19 =	vadd.s32 v17, v19  }
0x11b: {  	[hbm4b:s7+s3] =	stream.indirect_vreg.scatter [tilespmem:s18], [sflag:$0x2], $0x80, v20, vm0, $0xb8;
	[tilespmem:$0xC900] =	vst v63  }
0x11c: {  	_ = 	snop  }
0x11d: {  	[hbm4b:s8+s3] =	stream.indirect_vreg.scatter [tilespmem:s19], [sflag:$0x2], $0x80, v20, vm0, $0xb8;
	[tilespmem:$0xC900] =	vst v63  }
0x11e: {  	_ = 	snop  }
0x11f: {  	[hbm4b:s4+s3] =	stream.indirect_vreg.scatter [tilespmem:s0], [sflag:$0x2], $0x80, v19, vm0, $0xb8;
	[tilespmem:$0xC900] =	vst v63  }
0x120: {  	_ = 	snop  }
0x121: {  	[hbm4b:s7+s3] =	stream.indirect_vreg.scatter [tilespmem:s13], [sflag:$0x2], $0x80, v19, vm0, $0xb8;
	[tilespmem:$0xC900] =	vst v63  }
0x122: {  	_ = 	snop  }
0x123: {  	[hbm4b:s8+s3] =	stream.indirect_vreg.scatter [tilespmem:s20], [sflag:$0x2], $0x80, v19, vm0, $0xb8;
	[tilespmem:$0xC900] =	vst v63  }
0x124: {  	v19 =	vld [tilespmem:$0x210];
	_ =	sdelay $0x4  }
0x125: {  	v20 =	vshrl.u32 v19, $0x3  }
0x126: {  	v20 =	vmul.u32 $0x30, v20  }
0x127: {  	v19 =	vand.u32 $0x7, v19  }
0x128: {  	v19 =	vor.u32 v19, v20  }
0x129: {  	v20 =	vperm.xlane v19, v16;
	_ =	sdelay $0x1  }
0x12a: {  	v20 =	vadd.s32 v17, v20;
	_ =	sdelay $0x3  }
0x12b: {  	v19 =	vperm.xlane v19, v18  }
0x12c: {  	[hbm4b:s4+s3] =	stream.indirect_vreg.scatter [tilespmem:s21], [sflag:$0x2], $0x80, v20, vm0, $0xb8;
	[tilespmem:$0xC900] =	vst v63  }
0x12d: {  	v19 =	vadd.s32 v17, v19  }
0x12e: {  	[hbm4b:s7+s3] =	stream.indirect_vreg.scatter [tilespmem:s22], [sflag:$0x2], $0x80, v20, vm0, $0xb8;
	[tilespmem:$0xC900] =	vst v63  }
0x12f: {  	_ = 	snop  }
0x130: {  	[hbm4b:s8+s3] =	stream.indirect_vreg.scatter [tilespmem:s24], [sflag:$0x2], $0x80, v20, vm0, $0xb8;
	[tilespmem:$0xC900] =	vst v63  }
0x131: {  	_ = 	snop  }
0x132: {  	[hbm4b:s4+s3] =	stream.indirect_vreg.scatter [tilespmem:s25], [sflag:$0x2], $0x80, v19, vm0, $0xb8;
	[tilespmem:$0xC900] =	vst v63  }
0x133: {  	_ = 	snop  }
0x134: {  	[hbm4b:s7+s3] =	stream.indirect_vreg.scatter [tilespmem:s26], [sflag:$0x2], $0x80, v19, vm0, $0xb8;
	[tilespmem:$0xC900] =	vst v63  }
0x135: {  	s13 =	simm.s32 $0x3  }
0x136: {  	[hbm4b:s8+s3] =	stream.indirect_vreg.scatter [tilespmem:s28], [sflag:$0x2], $0x80, v19, vm0, $0xb8;
	[tilespmem:$0xC900] =	vst v63  }
0x137: {  	_ =	swait.ge [sflag:s13], $0x6000  }
0x138: {  	[sflag:s13] =	ssyncset.done $0x0  }
0x139: {  	[sflag:s13] =	ssyncadd.s32 $0xFFFFA000  }
0x13a: {  	v19 =	vld [tilespmem:$0x680];
	_ =	sdelay $0x4  }
0x13b: {  	v20 =	vshrl.u32 v19, $0x3  }
0x13c: {  	v20 =	vmul.u32 $0x30, v20  }
0x13d: {  	v19 =	vand.u32 $0x7, v19  }
0x13e: {  	v19 =	vor.u32 v19, v20  }
0x13f: {  	v20 =	vperm.xlane v19, v16;
	_ =	sdelay $0x1  }
0x140: {  	v20 =	vadd.s32 v17, v20;
	_ =	sdelay $0x3  }
0x141: {  	s22 =	simm.s32 $0x6900;
	v19 =	vperm.xlane v19, v18  }
0x142: {  	[tilespmem:s22], [sflag:$0x1] =	stream.indirect_vreg.gather [hbm4b:s1+s3], $0x80, v20, vm0, $0xb8;
	[tilespmem:$0xC900] =	vst v63  }
0x143: {  	s15 =	simm.s32 $0x7100;
	v19 =	vadd.s32 v17, v19  }
0x144: {  	[tilespmem:s15], [sflag:$0x1] =	stream.indirect_vreg.gather [hbm4b:s5+s3], $0x80, v20, vm0, $0xb8;
	[tilespmem:$0xC900] =	vst v63  }
0x145: {  	s16 =	simm.s32 $0x7900  }
0x146: {  	[tilespmem:s16], [sflag:$0x1] =	stream.indirect_vreg.gather [hbm4b:s6+s3], $0x80, v20, vm0, $0xb8;
	[tilespmem:$0xC900] =	vst v63  }
0x147: {  	s30 =	simm.s32 $0x8100  }
0x148: {  	[tilespmem:s30], [sflag:$0x1] =	stream.indirect_vreg.gather [hbm4b:s1+s3], $0x80, v19, vm0, $0xb8;
	[tilespmem:$0xC900] =	vst v63  }
0x149: {  	s24 =	simm.s32 $0x8900  }
0x14a: {  	[tilespmem:s24], [sflag:$0x1] =	stream.indirect_vreg.gather [hbm4b:s5+s3], $0x80, v19, vm0, $0xb8;
	[tilespmem:$0xC900] =	vst v63  }
0x14b: {  	s29 =	simm.s32 $0x9100  }
0x14c: {  	[tilespmem:s29], [sflag:$0x1] =	stream.indirect_vreg.gather [hbm4b:s6+s3], $0x80, v19, vm0, $0xb8;
	[tilespmem:$0xC900] =	vst v63  }
0x14d: {  	v19 =	vld [tilespmem:$0x690];
	_ =	sdelay $0x4  }
0x14e: {  	v20 =	vshrl.u32 v19, $0x3  }
0x14f: {  	v20 =	vmul.u32 $0x30, v20  }
0x150: {  	v19 =	vand.u32 $0x7, v19  }
0x151: {  	v19 =	vor.u32 v19, v20  }
0x152: {  	v20 =	vperm.xlane v19, v16;
	_ =	sdelay $0x1  }
0x153: {  	v20 =	vadd.s32 v17, v20;
	_ =	sdelay $0x3  }
0x154: {  	s23 =	simm.s32 $0x9900;
	v19 =	vperm.xlane v19, v18  }
0x155: {  	[tilespmem:s23], [sflag:$0x1] =	stream.indirect_vreg.gather [hbm4b:s1+s3], $0x80, v20, vm0, $0xb8;
	[tilespmem:$0xC900] =	vst v63  }
0x156: {  	s11 =	simm.s32 $0xA100;
	v19 =	vadd.s32 v17, v19  }
0x157: {  	[tilespmem:s11], [sflag:$0x1] =	stream.indirect_vreg.gather [hbm4b:s5+s3], $0x80, v20, vm0, $0xb8;
	[tilespmem:$0xC900] =	vst v63  }
0x158: {  	s12 =	simm.s32 $0xA900  }
0x159: {  	[tilespmem:s12], [sflag:$0x1] =	stream.indirect_vreg.gather [hbm4b:s6+s3], $0x80, v20, vm0, $0xb8;
	[tilespmem:$0xC900] =	vst v63  }
0x15a: {  	s26 =	simm.s32 $0xB100  }
0x15b: {  	[tilespmem:s26], [sflag:$0x1] =	stream.indirect_vreg.gather [hbm4b:s1+s3], $0x80, v19, vm0, $0xb8;
	[tilespmem:$0xC900] =	vst v63  }
0x15c: {  	s31 =	simm.s32 $0xB900  }
0x15d: {  	[tilespmem:s31], [sflag:$0x1] =	stream.indirect_vreg.gather [hbm4b:s5+s3], $0x80, v19, vm0, $0xb8;
	[tilespmem:$0xC900] =	vst v63  }
0x15e: {  	s10 =	simm.s32 $0xC100  }
0x15f: {  	[tilespmem:s10], [sflag:$0x1] =	stream.indirect_vreg.gather [hbm4b:s6+s3], $0x80, v19, vm0, $0xb8;
	[tilespmem:$0xC900] =	vst v63  }
0x160: {  	_ =	swait.ge [sflag:s2], $0x6000  }
0x161: {  	[sflag:s2] =	ssyncset.done $0x0  }
0x162: {  	[sflag:s2] =	ssyncadd.s32 $0xFFFFA000  }
0x163: {  	v19 =	vld [tilespmem:$0x280];
	_ =	sdelay $0x4  }
0x164: {  	v20 =	vshrl.u32 v19, $0x3  }
0x165: {  	v20 =	vmul.u32 $0x30, v20  }
0x166: {  	v19 =	vand.u32 $0x7, v19  }
0x167: {  	v19 =	vor.u32 v19, v20  }
0x168: {  	v20 =	vperm.xlane v19, v16;
	_ =	sdelay $0x1  }
0x169: {  	v20 =	vadd.s32 v17, v20;
	_ =	sdelay $0x3  }
0x16a: {  	v19 =	vperm.xlane v19, v18  }
0x16b: {  	[hbm4b:s4+s3] =	stream.indirect_vreg.scatter [tilespmem:s22], [sflag:$0x3], $0x80, v20, vm0, $0xb8;
	[tilespmem:$0xC900] =	vst v63  }
0x16c: {  	v19 =	vadd.s32 v17, v19  }
0x16d: {  	[hbm4b:s7+s3] =	stream.indirect_vreg.scatter [tilespmem:s15], [sflag:$0x3], $0x80, v20, vm0, $0xb8;
	[tilespmem:$0xC900] =	vst v63  }
0x16e: {  	_ = 	snop  }
0x16f: {  	[hbm4b:s8+s3] =	stream.indirect_vreg.scatter [tilespmem:s16], [sflag:$0x3], $0x80, v20, vm0, $0xb8;
	[tilespmem:$0xC900] =	vst v63  }
0x170: {  	_ = 	snop  }
0x171: {  	[hbm4b:s4+s3] =	stream.indirect_vreg.scatter [tilespmem:s30], [sflag:$0x3], $0x80, v19, vm0, $0xb8;
	[tilespmem:$0xC900] =	vst v63  }
0x172: {  	_ = 	snop  }
0x173: {  	[hbm4b:s7+s3] =	stream.indirect_vreg.scatter [tilespmem:s24], [sflag:$0x3], $0x80, v19, vm0, $0xb8;
	[tilespmem:$0xC900] =	vst v63  }
0x174: {  	_ = 	snop  }
0x175: {  	[hbm4b:s8+s3] =	stream.indirect_vreg.scatter [tilespmem:s29], [sflag:$0x3], $0x80, v19, vm0, $0xb8;
	[tilespmem:$0xC900] =	vst v63  }
0x176: {  	v19 =	vld [tilespmem:$0x290];
	_ =	sdelay $0x4  }
0x177: {  	v20 =	vshrl.u32 v19, $0x3  }
0x178: {  	v20 =	vmul.u32 $0x30, v20  }
0x179: {  	v19 =	vand.u32 $0x7, v19  }
0x17a: {  	v19 =	vor.u32 v19, v20  }
0x17b: {  	v20 =	vperm.xlane v19, v16;
	_ =	sdelay $0x1  }
0x17c: {  	v20 =	vadd.s32 v17, v20;
	_ =	sdelay $0x3  }
0x17d: {  	v19 =	vperm.xlane v19, v18  }
0x17e: {  	[hbm4b:s4+s3] =	stream.indirect_vreg.scatter [tilespmem:s23], [sflag:$0x3], $0x80, v20, vm0, $0xb8;
	[tilespmem:$0xC900] =	vst v63  }
0x17f: {  	v19 =	vadd.s32 v17, v19  }
0x180: {  	[hbm4b:s7+s3] =	stream.indirect_vreg.scatter [tilespmem:s11], [sflag:$0x3], $0x80, v20, vm0, $0xb8;
	[tilespmem:$0xC900] =	vst v63  }
0x181: {  	s25 =	simm.s32 $0xA900  }
0x182: {  	[hbm4b:s8+s3] =	stream.indirect_vreg.scatter [tilespmem:s25], [sflag:$0x3], $0x80, v20, vm0, $0xb8;
	[tilespmem:$0xC900] =	vst v63  }
0x183: {  	s28 =	simm.s32 $0xB100  }
0x184: {  	[hbm4b:s4+s3] =	stream.indirect_vreg.scatter [tilespmem:s28], [sflag:$0x3], $0x80, v19, vm0, $0xb8;
	[tilespmem:$0xC900] =	vst v63  }
0x185: {  	s19 =	simm.s32 $0xB900  }
0x186: {  	[hbm4b:s7+s3] =	stream.indirect_vreg.scatter [tilespmem:s19], [sflag:$0x3], $0x80, v19, vm0, $0xb8;
	[tilespmem:$0xC900] =	vst v63  }
0x187: {  	_ = 	snop  }
0x188: {  	[hbm4b:s8+s3] =	stream.indirect_vreg.scatter [tilespmem:s10], [sflag:$0x3], $0x80, v19, vm0, $0xb8;
	[tilespmem:$0xC900] =	vst v63  }
0x189: {  	_ =	swait.ge [sflag:s14], $0x6000  }
0x18a: {  	[sflag:s14] =	ssyncset.done $0x0  }
0x18b: {  	[sflag:s14] =	ssyncadd.s32 $0xFFFFA000  }
0x18c: {  	v19 =	vld [tilespmem:$0x700];
	_ =	sdelay $0x4  }
0x18d: {  	v20 =	vshrl.u32 v19, $0x3  }
0x18e: {  	v20 =	vmul.u32 $0x30, v20  }
0x18f: {  	v19 =	vand.u32 $0x7, v19  }
0x190: {  	v19 =	vor.u32 v19, v20  }
0x191: {  	v20 =	vperm.xlane v19, v16;
	_ =	sdelay $0x1  }
0x192: {  	v20 =	vadd.s32 v17, v20;
	_ =	sdelay $0x3  }
0x193: {  	s20 =	simm.s32 $0x900;
	v19 =	vperm.xlane v19, v18  }
0x194: {  	[tilespmem:s20], [sflag:$0x1] =	stream.indirect_vreg.gather [hbm4b:s1+s3], $0x80, v20, vm0, $0xb8;
	[tilespmem:$0xC900] =	vst v63  }
0x195: {  	s21 =	simm.s32 $0x1100;
	v19 =	vadd.s32 v17, v19  }
0x196: {  	[tilespmem:s21], [sflag:$0x1] =	stream.indirect_vreg.gather [hbm4b:s5+s3], $0x80, v20, vm0, $0xb8;
	[tilespmem:$0xC900] =	vst v63  }
0x197: {  	s24 =	simm.s32 $0x1900  }
0x198: {  	[tilespmem:s24], [sflag:$0x1] =	stream.indirect_vreg.gather [hbm4b:s6+s3], $0x80, v20, vm0, $0xb8;
	[tilespmem:$0xC900] =	vst v63  }
0x199: {  	s25 =	simm.s32 $0x2100  }
0x19a: {  	[tilespmem:s25], [sflag:$0x1] =	stream.indirect_vreg.gather [hbm4b:s1+s3], $0x80, v19, vm0, $0xb8;
	[tilespmem:$0xC900] =	vst v63  }
0x19b: {  	s26 =	simm.s32 $0x2900  }
0x19c: {  	[tilespmem:s26], [sflag:$0x1] =	stream.indirect_vreg.gather [hbm4b:s5+s3], $0x80, v19, vm0, $0xb8;
	[tilespmem:$0xC900] =	vst v63  }
0x19d: {  	s28 =	simm.s32 $0x3100  }
0x19e: {  	[tilespmem:s28], [sflag:$0x1] =	stream.indirect_vreg.gather [hbm4b:s6+s3], $0x80, v19, vm0, $0xb8;
	[tilespmem:$0xC900] =	vst v63  }
0x19f: {  	v19 =	vld [tilespmem:$0x710];
	_ =	sdelay $0x4  }
0x1a0: {  	v20 =	vshrl.u32 v19, $0x3  }
0x1a1: {  	v20 =	vmul.u32 $0x30, v20  }
0x1a2: {  	v19 =	vand.u32 $0x7, v19  }
0x1a3: {  	v19 =	vor.u32 v19, v20  }
0x1a4: {  	v20 =	vperm.xlane v19, v16;
	_ =	sdelay $0x1  }
0x1a5: {  	v20 =	vadd.s32 v17, v20;
	_ =	sdelay $0x3  }
0x1a6: {  	s29 =	simm.s32 $0x3900;
	v19 =	vperm.xlane v19, v18  }
0x1a7: {  	[tilespmem:s29], [sflag:$0x1] =	stream.indirect_vreg.gather [hbm4b:s1+s3], $0x80, v20, vm0, $0xb8;
	[tilespmem:$0xC900] =	vst v63  }
0x1a8: {  	s30 =	simm.s32 $0x4100;
	v19 =	vadd.s32 v17, v19  }
0x1a9: {  	[tilespmem:s30], [sflag:$0x1] =	stream.indirect_vreg.gather [hbm4b:s5+s3], $0x80, v20, vm0, $0xb8;
	[tilespmem:$0xC900] =	vst v63  }
0x1aa: {  	s31 =	simm.s32 $0x4900  }
0x1ab: {  	[tilespmem:s31], [sflag:$0x1] =	stream.indirect_vreg.gather [hbm4b:s6+s3], $0x80, v20, vm0, $0xb8;
	[tilespmem:$0xC900] =	vst v63  }
0x1ac: {  	s9 =	simm.s32 $0x5100  }
0x1ad: {  	[tilespmem:s9], [sflag:$0x1] =	stream.indirect_vreg.gather [hbm4b:s1+s3], $0x80, v19, vm0, $0xb8;
	[tilespmem:$0xC900] =	vst v63  }
0x1ae: {  	s22 =	simm.s32 $0x5900  }
0x1af: {  	[tilespmem:s22], [sflag:$0x1] =	stream.indirect_vreg.gather [hbm4b:s5+s3], $0x80, v19, vm0, $0xb8;
	[tilespmem:$0xC900] =	vst v63  }
0x1b0: {  	s23 =	simm.s32 $0x6100  }
0x1b1: {  	[tilespmem:s23], [sflag:$0x1] =	stream.indirect_vreg.gather [hbm4b:s6+s3], $0x80, v19, vm0, $0xb8;
	[tilespmem:$0xC900] =	vst v63  }
0x1b2: {  	_ =	swait.ge [sflag:s2], $0x6000  }
0x1b3: {  	[sflag:s2] =	ssyncset.done $0x0  }
0x1b4: {  	[sflag:s2] =	ssyncadd.s32 $0xFFFFA000  }
0x1b5: {  	v19 =	vld [tilespmem:$0x300];
	_ =	sdelay $0x4  }
0x1b6: {  	v20 =	vshrl.u32 v19, $0x3  }
0x1b7: {  	v20 =	vmul.u32 $0x30, v20  }
0x1b8: {  	v19 =	vand.u32 $0x7, v19  }
0x1b9: {  	v19 =	vor.u32 v19, v20  }
0x1ba: {  	v20 =	vperm.xlane v19, v16;
	_ =	sdelay $0x1  }
0x1bb: {  	v20 =	vadd.s32 v17, v20;
	_ =	sdelay $0x3  }
0x1bc: {  	v19 =	vperm.xlane v19, v18  }
0x1bd: {  	[hbm4b:s4+s3] =	stream.indirect_vreg.scatter [tilespmem:s20], [sflag:$0x2], $0x80, v20, vm0, $0xb8;
	[tilespmem:$0xC900] =	vst v63  }
0x1be: {  	v19 =	vadd.s32 v17, v19  }
0x1bf: {  	[hbm4b:s7+s3] =	stream.indirect_vreg.scatter [tilespmem:s21], [sflag:$0x2], $0x80, v20, vm0, $0xb8;
	[tilespmem:$0xC900] =	vst v63  }
0x1c0: {  	_ = 	snop  }
0x1c1: {  	[hbm4b:s8+s3] =	stream.indirect_vreg.scatter [tilespmem:s24], [sflag:$0x2], $0x80, v20, vm0, $0xb8;
	[tilespmem:$0xC900] =	vst v63  }
0x1c2: {  	_ = 	snop  }
0x1c3: {  	[hbm4b:s4+s3] =	stream.indirect_vreg.scatter [tilespmem:s25], [sflag:$0x2], $0x80, v19, vm0, $0xb8;
	[tilespmem:$0xC900] =	vst v63  }
0x1c4: {  	_ = 	snop  }
0x1c5: {  	[hbm4b:s7+s3] =	stream.indirect_vreg.scatter [tilespmem:s26], [sflag:$0x2], $0x80, v19, vm0, $0xb8;
	[tilespmem:$0xC900] =	vst v63  }
0x1c6: {  	_ = 	snop  }
0x1c7: {  	[hbm4b:s8+s3] =	stream.indirect_vreg.scatter [tilespmem:s28], [sflag:$0x2], $0x80, v19, vm0, $0xb8;
	[tilespmem:$0xC900] =	vst v63  }
0x1c8: {  	v19 =	vld [tilespmem:$0x310];
	_ =	sdelay $0x4  }
0x1c9: {  	v20 =	vshrl.u32 v19, $0x3  }
0x1ca: {  	v20 =	vmul.u32 $0x30, v20  }
0x1cb: {  	v19 =	vand.u32 $0x7, v19  }
0x1cc: {  	v19 =	vor.u32 v19, v20  }
0x1cd: {  	v20 =	vperm.xlane v19, v16;
	_ =	sdelay $0x1  }
0x1ce: {  	v20 =	vadd.s32 v17, v20;
	_ =	sdelay $0x3  }
0x1cf: {  	v19 =	vperm.xlane v19, v18  }
0x1d0: {  	[hbm4b:s4+s3] =	stream.indirect_vreg.scatter [tilespmem:s29], [sflag:$0x2], $0x80, v20, vm0, $0xb8;
	[tilespmem:$0xC900] =	vst v63  }
0x1d1: {  	v19 =	vadd.s32 v17, v19  }
0x1d2: {  	[hbm4b:s7+s3] =	stream.indirect_vreg.scatter [tilespmem:s30], [sflag:$0x2], $0x80, v20, vm0, $0xb8;
	[tilespmem:$0xC900] =	vst v63  }
0x1d3: {  	_ = 	snop  }
0x1d4: {  	[hbm4b:s8+s3] =	stream.indirect_vreg.scatter [tilespmem:s31], [sflag:$0x2], $0x80, v20, vm0, $0xb8;
	[tilespmem:$0xC900] =	vst v63  }
0x1d5: {  	_ = 	snop  }
0x1d6: {  	[hbm4b:s4+s3] =	stream.indirect_vreg.scatter [tilespmem:s9], [sflag:$0x2], $0x80, v19, vm0, $0xb8;
	[tilespmem:$0xC900] =	vst v63  }
0x1d7: {  	_ = 	snop  }
0x1d8: {  	[hbm4b:s7+s3] =	stream.indirect_vreg.scatter [tilespmem:s22], [sflag:$0x2], $0x80, v19, vm0, $0xb8;
	[tilespmem:$0xC900] =	vst v63  }
0x1d9: {  	_ = 	snop  }
0x1da: {  	[hbm4b:s8+s3] =	stream.indirect_vreg.scatter [tilespmem:s23], [sflag:$0x2], $0x80, v19, vm0, $0xb8;
	[tilespmem:$0xC900] =	vst v63  }
0x1db: {  	_ =	swait.ge [sflag:s13], $0x6000  }
0x1dc: {  	[sflag:s13] =	ssyncset.done $0x0  }
0x1dd: {  	[sflag:s13] =	ssyncadd.s32 $0xFFFFA000  }
0x1de: {  	v19 =	vld [tilespmem:$0x780];
	_ =	sdelay $0x4  }
0x1df: {  	v20 =	vshrl.u32 v19, $0x3  }
0x1e0: {  	v20 =	vmul.u32 $0x30, v20  }
0x1e1: {  	v19 =	vand.u32 $0x7, v19  }
0x1e2: {  	v19 =	vor.u32 v19, v20  }
0x1e3: {  	v20 =	vperm.xlane v19, v16;
	_ =	sdelay $0x1  }
0x1e4: {  	v20 =	vadd.s32 v17, v20;
	_ =	sdelay $0x3  }
0x1e5: {  	s11 =	simm.s32 $0x6900;
	v19 =	vperm.xlane v19, v18  }
0x1e6: {  	[tilespmem:s11], [sflag:$0x1] =	stream.indirect_vreg.gather [hbm4b:s1+s3], $0x80, v20, vm0, $0xb8;
	[tilespmem:$0xC900] =	vst v63  }
0x1e7: {  	s15 =	simm.s32 $0x7100;
	v19 =	vadd.s32 v17, v19  }
0x1e8: {  	[tilespmem:s15], [sflag:$0x1] =	stream.indirect_vreg.gather [hbm4b:s5+s3], $0x80, v20, vm0, $0xb8;
	[tilespmem:$0xC900] =	vst v63  }
0x1e9: {  	s16 =	simm.s32 $0x7900  }
0x1ea: {  	[tilespmem:s16], [sflag:$0x1] =	stream.indirect_vreg.gather [hbm4b:s6+s3], $0x80, v20, vm0, $0xb8;
	[tilespmem:$0xC900] =	vst v63  }
0x1eb: {  	s30 =	simm.s32 $0x8100  }
0x1ec: {  	[tilespmem:s30], [sflag:$0x1] =	stream.indirect_vreg.gather [hbm4b:s1+s3], $0x80, v19, vm0, $0xb8;
	[tilespmem:$0xC900] =	vst v63  }
0x1ed: {  	s10 =	simm.s32 $0x8900  }
0x1ee: {  	[tilespmem:s10], [sflag:$0x1] =	stream.indirect_vreg.gather [hbm4b:s5+s3], $0x80, v19, vm0, $0xb8;
	[tilespmem:$0xC900] =	vst v63  }
0x1ef: {  	s9 =	simm.s32 $0x9100  }
0x1f0: {  	[tilespmem:s9], [sflag:$0x1] =	stream.indirect_vreg.gather [hbm4b:s6+s3], $0x80, v19, vm0, $0xb8;
	[tilespmem:$0xC900] =	vst v63  }
0x1f1: {  	v19 =	vld [tilespmem:$0x790];
	_ =	sdelay $0x4  }
0x1f2: {  	v20 =	vshrl.u32 v19, $0x3  }
0x1f3: {  	v20 =	vmul.u32 $0x30, v20  }
0x1f4: {  	v19 =	vand.u32 $0x7, v19  }
0x1f5: {  	v19 =	vor.u32 v19, v20  }
0x1f6: {  	v20 =	vperm.xlane v19, v16;
	_ =	sdelay $0x1  }
0x1f7: {  	v20 =	vadd.s32 v17, v20;
	_ =	sdelay $0x3  }
0x1f8: {  	s26 =	simm.s32 $0x9900;
	v19 =	vperm.xlane v19, v18  }
0x1f9: {  	[tilespmem:s26], [sflag:$0x1] =	stream.indirect_vreg.gather [hbm4b:s1+s3], $0x80, v20, vm0, $0xb8;
	[tilespmem:$0xC900] =	vst v63  }
0x1fa: {  	s31 =	simm.s32 $0xA100;
	v19 =	vadd.s32 v17, v19  }
0x1fb: {  	[tilespmem:s31], [sflag:$0x1] =	stream.indirect_vreg.gather [hbm4b:s5+s3], $0x80, v20, vm0, $0xb8;
	[tilespmem:$0xC900] =	vst v63  }
0x1fc: {  	s23 =	simm.s32 $0xA900  }
0x1fd: {  	[tilespmem:s23], [sflag:$0x1] =	stream.indirect_vreg.gather [hbm4b:s6+s3], $0x80, v20, vm0, $0xb8;
	[tilespmem:$0xC900] =	vst v63  }
0x1fe: {  	s29 =	simm.s32 $0xB100  }
0x1ff: {  	[tilespmem:s29], [sflag:$0x1] =	stream.indirect_vreg.gather [hbm4b:s1+s3], $0x80, v19, vm0, $0xb8;
	[tilespmem:$0xC900] =	vst v63  }
0x200: {  	s0 =	simm.s32 $0xB900  }
0x201: {  	[tilespmem:s0], [sflag:$0x1] =	stream.indirect_vreg.gather [hbm4b:s5+s3], $0x80, v19, vm0, $0xb8;
	[tilespmem:$0xC900] =	vst v63  }
0x202: {  	s25 =	simm.s32 $0xC100  }
0x203: {  	[tilespmem:s25], [sflag:$0x1] =	stream.indirect_vreg.gather [hbm4b:s6+s3], $0x80, v19, vm0, $0xb8;
	[tilespmem:$0xC900] =	vst v63  }
0x204: {  	_ =	swait.ge [sflag:s2], $0x6000  }
0x205: {  	[sflag:s2] =	ssyncset.done $0x0  }
0x206: {  	[sflag:s2] =	ssyncadd.s32 $0xFFFFA000  }
0x207: {  	v19 =	vld [tilespmem:$0x380];
	_ =	sdelay $0x4  }
0x208: {  	v20 =	vshrl.u32 v19, $0x3  }
0x209: {  	v20 =	vmul.u32 $0x30, v20  }
0x20a: {  	v19 =	vand.u32 $0x7, v19  }
0x20b: {  	v19 =	vor.u32 v19, v20  }
0x20c: {  	v20 =	vperm.xlane v19, v16;
	_ =	sdelay $0x1  }
0x20d: {  	v20 =	vadd.s32 v17, v20;
	_ =	sdelay $0x3  }
0x20e: {  	v19 =	vperm.xlane v19, v18  }
0x20f: {  	[hbm4b:s4+s3] =	stream.indirect_vreg.scatter [tilespmem:s11], [sflag:$0x3], $0x80, v20, vm0, $0xb8;
	[tilespmem:$0xC900] =	vst v63  }
0x210: {  	v19 =	vadd.s32 v17, v19  }
0x211: {  	[hbm4b:s7+s3] =	stream.indirect_vreg.scatter [tilespmem:s15], [sflag:$0x3], $0x80, v20, vm0, $0xb8;
	[tilespmem:$0xC900] =	vst v63  }
0x212: {  	_ = 	snop  }
0x213: {  	[hbm4b:s8+s3] =	stream.indirect_vreg.scatter [tilespmem:s16], [sflag:$0x3], $0x80, v20, vm0, $0xb8;
	[tilespmem:$0xC900] =	vst v63  }
0x214: {  	_ = 	snop  }
0x215: {  	[hbm4b:s4+s3] =	stream.indirect_vreg.scatter [tilespmem:s30], [sflag:$0x3], $0x80, v19, vm0, $0xb8;
	[tilespmem:$0xC900] =	vst v63  }
0x216: {  	_ = 	snop  }
0x217: {  	[hbm4b:s7+s3] =	stream.indirect_vreg.scatter [tilespmem:s10], [sflag:$0x3], $0x80, v19, vm0, $0xb8;
	[tilespmem:$0xC900] =	vst v63  }
0x218: {  	_ = 	snop  }
0x219: {  	[hbm4b:s8+s3] =	stream.indirect_vreg.scatter [tilespmem:s9], [sflag:$0x3], $0x80, v19, vm0, $0xb8;
	[tilespmem:$0xC900] =	vst v63  }
0x21a: {  	v19 =	vld [tilespmem:$0x390];
	_ =	sdelay $0x4  }
0x21b: {  	v20 =	vshrl.u32 v19, $0x3  }
0x21c: {  	v20 =	vmul.u32 $0x30, v20  }
0x21d: {  	v19 =	vand.u32 $0x7, v19  }
0x21e: {  	v19 =	vor.u32 v19, v20  }
0x21f: {  	v20 =	vperm.xlane v19, v16;
	_ =	sdelay $0x1  }
0x220: {  	v20 =	vadd.s32 v17, v20;
	_ =	sdelay $0x3  }
0x221: {  	v19 =	vperm.xlane v19, v18  }
0x222: {  	[hbm4b:s4+s3] =	stream.indirect_vreg.scatter [tilespmem:s26], [sflag:$0x3], $0x80, v20, vm0, $0xb8;
	[tilespmem:$0xC900] =	vst v63  }
0x223: {  	v19 =	vadd.s32 v17, v19  }
0x224: {  	[hbm4b:s7+s3] =	stream.indirect_vreg.scatter [tilespmem:s31], [sflag:$0x3], $0x80, v20, vm0, $0xb8;
	[tilespmem:$0xC900] =	vst v63  }
0x225: {  	_ = 	snop  }
0x226: {  	[hbm4b:s8+s3] =	stream.indirect_vreg.scatter [tilespmem:s23], [sflag:$0x3], $0x80, v20, vm0, $0xb8;
	[tilespmem:$0xC900] =	vst v63  }
0x227: {  	_ = 	snop  }
0x228: {  	[hbm4b:s4+s3] =	stream.indirect_vreg.scatter [tilespmem:s29], [sflag:$0x3], $0x80, v19, vm0, $0xb8;
	[tilespmem:$0xC900] =	vst v63  }
0x229: {  	_ = 	snop  }
0x22a: {  	[hbm4b:s7+s3] =	stream.indirect_vreg.scatter [tilespmem:s0], [sflag:$0x3], $0x80, v19, vm0, $0xb8;
	[tilespmem:$0xC900] =	vst v63  }
0x22b: {  	_ = 	snop  }
0x22c: {  	[hbm4b:s8+s3] =	stream.indirect_vreg.scatter [tilespmem:s25], [sflag:$0x3], $0x80, v19, vm0, $0xb8;
	[tilespmem:$0xC900] =	vst v63  }
0x22d: {  	_ =	swait.ge [sflag:s14], $0x6000  }
0x22e: {  	[sflag:s14] =	ssyncset.done $0x0  }
0x22f: {  	[sflag:s14] =	ssyncadd.s32 $0xFFFFA000  }
0x230: {  	v19 =	vld [tilespmem:$0x800];
	_ =	sdelay $0x4  }
0x231: {  	v20 =	vshrl.u32 v19, $0x3  }
0x232: {  	v20 =	vmul.u32 $0x30, v20  }
0x233: {  	v19 =	vand.u32 $0x7, v19  }
0x234: {  	v19 =	vor.u32 v19, v20  }
0x235: {  	v20 =	vperm.xlane v19, v16;
	_ =	sdelay $0x1  }
0x236: {  	v20 =	vadd.s32 v17, v20;
	_ =	sdelay $0x3  }
0x237: {  	s9 =	simm.s32 $0x900;
	v19 =	vperm.xlane v19, v18  }
0x238: {  	[tilespmem:s9], [sflag:$0x1] =	stream.indirect_vreg.gather [hbm4b:s1+s3], $0x80, v20, vm0, $0xb8;
	[tilespmem:$0xC900] =	vst v63  }
0x239: {  	s12 =	simm.s32 $0x1100;
	v19 =	vadd.s32 v17, v19  }
0x23a: {  	[tilespmem:s12], [sflag:$0x1] =	stream.indirect_vreg.gather [hbm4b:s5+s3], $0x80, v20, vm0, $0xb8;
	[tilespmem:$0xC900] =	vst v63  }
0x23b: {  	s0 =	simm.s32 $0x1900  }
0x23c: {  	[tilespmem:s0], [sflag:$0x1] =	stream.indirect_vreg.gather [hbm4b:s6+s3], $0x80, v20, vm0, $0xb8;
	[tilespmem:$0xC900] =	vst v63  }
0x23d: {  	s29 =	simm.s32 $0x2100  }
0x23e: {  	[tilespmem:s29], [sflag:$0x1] =	stream.indirect_vreg.gather [hbm4b:s1+s3], $0x80, v19, vm0, $0xb8;
	[tilespmem:$0xC900] =	vst v63  }
0x23f: {  	s17 =	simm.s32 $0x2900  }
0x240: {  	[tilespmem:s17], [sflag:$0x1] =	stream.indirect_vreg.gather [hbm4b:s5+s3], $0x80, v19, vm0, $0xb8;
	[tilespmem:$0xC900] =	vst v63  }
0x241: {  	s18 =	simm.s32 $0x3100  }
0x242: {  	[tilespmem:s18], [sflag:$0x1] =	stream.indirect_vreg.gather [hbm4b:s6+s3], $0x80, v19, vm0, $0xb8;
	[tilespmem:$0xC900] =	vst v63  }
0x243: {  	v19 =	vld [tilespmem:$0x810];
	_ =	sdelay $0x4  }
0x244: {  	v20 =	vshrl.u32 v19, $0x3  }
0x245: {  	v20 =	vmul.u32 $0x30, v20  }
0x246: {  	v19 =	vand.u32 $0x7, v19  }
0x247: {  	v19 =	vor.u32 v19, v20  }
0x248: {  	v20 =	vperm.xlane v19, v16;
	_ =	sdelay $0x1  }
0x249: {  	v20 =	vadd.s32 v17, v20;
	_ =	sdelay $0x3  }
0x24a: {  	s19 =	simm.s32 $0x3900;
	v19 =	vperm.xlane v19, v18  }
0x24b: {  	[tilespmem:s19], [sflag:$0x1] =	stream.indirect_vreg.gather [hbm4b:s1+s3], $0x80, v20, vm0, $0xb8;
	[tilespmem:$0xC900] =	vst v63  }
0x24c: {  	s20 =	simm.s32 $0x4100;
	v19 =	vadd.s32 v17, v19  }
0x24d: {  	[tilespmem:s20], [sflag:$0x1] =	stream.indirect_vreg.gather [hbm4b:s5+s3], $0x80, v20, vm0, $0xb8;
	[tilespmem:$0xC900] =	vst v63  }
0x24e: {  	s21 =	simm.s32 $0x4900  }
0x24f: {  	[tilespmem:s21], [sflag:$0x1] =	stream.indirect_vreg.gather [hbm4b:s6+s3], $0x80, v20, vm0, $0xb8;
	[tilespmem:$0xC900] =	vst v63  }
0x250: {  	s24 =	simm.s32 $0x5100  }
0x251: {  	[tilespmem:s24], [sflag:$0x1] =	stream.indirect_vreg.gather [hbm4b:s1+s3], $0x80, v19, vm0, $0xb8;
	[tilespmem:$0xC900] =	vst v63  }
0x252: {  	s28 =	simm.s32 $0x5900  }
0x253: {  	[tilespmem:s28], [sflag:$0x1] =	stream.indirect_vreg.gather [hbm4b:s5+s3], $0x80, v19, vm0, $0xb8;
	[tilespmem:$0xC900] =	vst v63  }
0x254: {  	s22 =	simm.s32 $0x6100  }
0x255: {  	[tilespmem:s22], [sflag:$0x1] =	stream.indirect_vreg.gather [hbm4b:s6+s3], $0x80, v19, vm0, $0xb8;
	[tilespmem:$0xC900] =	vst v63  }
0x256: {  	_ =	swait.ge [sflag:s2], $0x6000  }
0x257: {  	[sflag:s2] =	ssyncset.done $0x0  }
0x258: {  	[sflag:s2] =	ssyncadd.s32 $0xFFFFA000  }
0x259: {  	v19 =	vld [tilespmem:$0x400];
	_ =	sdelay $0x4  }
0x25a: {  	v20 =	vshrl.u32 v19, $0x3  }
0x25b: {  	v20 =	vmul.u32 $0x30, v20  }
0x25c: {  	v19 =	vand.u32 $0x7, v19  }
0x25d: {  	v19 =	vor.u32 v19, v20  }
0x25e: {  	v20 =	vperm.xlane v19, v16;
	_ =	sdelay $0x1  }
0x25f: {  	v20 =	vadd.s32 v17, v20;
	_ =	sdelay $0x3  }
0x260: {  	v19 =	vperm.xlane v19, v18  }
0x261: {  	[hbm4b:s4+s3] =	stream.indirect_vreg.scatter [tilespmem:s9], [sflag:$0x2], $0x80, v20, vm0, $0xb8;
	[tilespmem:$0xC900] =	vst v63  }
0x262: {  	v19 =	vadd.s32 v17, v19  }
0x263: {  	[hbm4b:s7+s3] =	stream.indirect_vreg.scatter [tilespmem:s12], [sflag:$0x2], $0x80, v20, vm0, $0xb8;
	[tilespmem:$0xC900] =	vst v63  }
0x264: {  	_ = 	snop  }
0x265: {  	[hbm4b:s8+s3] =	stream.indirect_vreg.scatter [tilespmem:s0], [sflag:$0x2], $0x80, v20, vm0, $0xb8;
	[tilespmem:$0xC900] =	vst v63  }
0x266: {  	_ = 	snop  }
0x267: {  	[hbm4b:s4+s3] =	stream.indirect_vreg.scatter [tilespmem:s29], [sflag:$0x2], $0x80, v19, vm0, $0xb8;
	[tilespmem:$0xC900] =	vst v63  }
0x268: {  	_ = 	snop  }
0x269: {  	[hbm4b:s7+s3] =	stream.indirect_vreg.scatter [tilespmem:s17], [sflag:$0x2], $0x80, v19, vm0, $0xb8;
	[tilespmem:$0xC900] =	vst v63  }
0x26a: {  	_ = 	snop  }
0x26b: {  	[hbm4b:s8+s3] =	stream.indirect_vreg.scatter [tilespmem:s18], [sflag:$0x2], $0x80, v19, vm0, $0xb8;
	[tilespmem:$0xC900] =	vst v63  }
0x26c: {  	v19 =	vld [tilespmem:$0x410];
	_ =	sdelay $0x4  }
0x26d: {  	v20 =	vshrl.u32 v19, $0x3  }
0x26e: {  	v20 =	vmul.u32 $0x30, v20  }
0x26f: {  	v19 =	vand.u32 $0x7, v19  }
0x270: {  	v19 =	vor.u32 v19, v20  }
0x271: {  	v20 =	vperm.xlane v19, v16;
	_ =	sdelay $0x1  }
0x272: {  	v20 =	vadd.s32 v17, v20;
	_ =	sdelay $0x3  }
0x273: {  	v19 =	vperm.xlane v19, v18  }
0x274: {  	[hbm4b:s4+s3] =	stream.indirect_vreg.scatter [tilespmem:s19], [sflag:$0x2], $0x80, v20, vm0, $0xb8;
	[tilespmem:$0xC900] =	vst v63  }
0x275: {  	v19 =	vadd.s32 v17, v19  }
0x276: {  	[hbm4b:s7+s3] =	stream.indirect_vreg.scatter [tilespmem:s20], [sflag:$0x2], $0x80, v20, vm0, $0xb8;
	[tilespmem:$0xC900] =	vst v63  }
0x277: {  	_ = 	snop  }
0x278: {  	[hbm4b:s8+s3] =	stream.indirect_vreg.scatter [tilespmem:s21], [sflag:$0x2], $0x80, v20, vm0, $0xb8;
	[tilespmem:$0xC900] =	vst v63  }
0x279: {  	_ = 	snop  }
0x27a: {  	[hbm4b:s4+s3] =	stream.indirect_vreg.scatter [tilespmem:s24], [sflag:$0x2], $0x80, v19, vm0, $0xb8;
	[tilespmem:$0xC900] =	vst v63  }
0x27b: {  	_ = 	snop  }
0x27c: {  	[hbm4b:s7+s3] =	stream.indirect_vreg.scatter [tilespmem:s28], [sflag:$0x2], $0x80, v19, vm0, $0xb8;
	[tilespmem:$0xC900] =	vst v63  }
0x27d: {  	_ = 	snop  }
0x27e: {  	[hbm4b:s8+s3] =	stream.indirect_vreg.scatter [tilespmem:s22], [sflag:$0x2], $0x80, v19, vm0, $0xb8;
	[tilespmem:$0xC900] =	vst v63  }
0x27f: {  	_ =	swait.ge [sflag:s13], $0x6000  }
0x280: {  	[sflag:s13] =	ssyncset.done $0x0  }
0x281: {  	[sflag:s13] =	ssyncadd.s32 $0xFFFFA000  }
0x282: {  	v19 =	vld [tilespmem:$0x880];
	_ =	sdelay $0x4  }
0x283: {  	v20 =	vshrl.u32 v19, $0x3  }
0x284: {  	v20 =	vmul.u32 $0x30, v20  }
0x285: {  	v19 =	vand.u32 $0x7, v19  }
0x286: {  	v19 =	vor.u32 v19, v20  }
0x287: {  	v20 =	vperm.xlane v19, v16;
	_ =	sdelay $0x1  }
0x288: {  	v20 =	vadd.s32 v17, v20;
	_ =	sdelay $0x3  }
0x289: {  	s11 =	simm.s32 $0x6900;
	v19 =	vperm.xlane v19, v18  }
0x28a: {  	[tilespmem:s11], [sflag:$0x1] =	stream.indirect_vreg.gather [hbm4b:s1+s3], $0x80, v20, vm0, $0xb8;
	[tilespmem:$0xC900] =	vst v63  }
0x28b: {  	s15 =	simm.s32 $0x7100;
	v19 =	vadd.s32 v17, v19  }
0x28c: {  	[tilespmem:s15], [sflag:$0x1] =	stream.indirect_vreg.gather [hbm4b:s5+s3], $0x80, v20, vm0, $0xb8;
	[tilespmem:$0xC900] =	vst v63  }
0x28d: {  	s16 =	simm.s32 $0x7900  }
0x28e: {  	[tilespmem:s16], [sflag:$0x1] =	stream.indirect_vreg.gather [hbm4b:s6+s3], $0x80, v20, vm0, $0xb8;
	[tilespmem:$0xC900] =	vst v63  }
0x28f: {  	s30 =	simm.s32 $0x8100  }
0x290: {  	[tilespmem:s30], [sflag:$0x1] =	stream.indirect_vreg.gather [hbm4b:s1+s3], $0x80, v19, vm0, $0xb8;
	[tilespmem:$0xC900] =	vst v63  }
0x291: {  	s10 =	simm.s32 $0x8900  }
0x292: {  	[tilespmem:s10], [sflag:$0x1] =	stream.indirect_vreg.gather [hbm4b:s5+s3], $0x80, v19, vm0, $0xb8;
	[tilespmem:$0xC900] =	vst v63  }
0x293: {  	s24 =	simm.s32 $0x9100  }
0x294: {  	[tilespmem:s24], [sflag:$0x1] =	stream.indirect_vreg.gather [hbm4b:s6+s3], $0x80, v19, vm0, $0xb8;
	[tilespmem:$0xC900] =	vst v63  }
0x295: {  	v19 =	vld [tilespmem:$0x890];
	_ =	sdelay $0x4  }
0x296: {  	v20 =	vshrl.u32 v19, $0x3  }
0x297: {  	v20 =	vmul.u32 $0x30, v20  }
0x298: {  	v19 =	vand.u32 $0x7, v19  }
0x299: {  	v19 =	vor.u32 v19, v20  }
0x29a: {  	v20 =	vperm.xlane v19, v16;
	_ =	sdelay $0x1  }
0x29b: {  	v20 =	vadd.s32 v17, v20;
	_ =	sdelay $0x3  }
0x29c: {  	s26 =	simm.s32 $0x9900;
	v19 =	vperm.xlane v19, v18  }
0x29d: {  	[tilespmem:s26], [sflag:$0x1] =	stream.indirect_vreg.gather [hbm4b:s1+s3], $0x80, v20, vm0, $0xb8;
	[tilespmem:$0xC900] =	vst v63  }
0x29e: {  	s31 =	simm.s32 $0xA100;
	v19 =	vadd.s32 v17, v19  }
0x29f: {  	[tilespmem:s31], [sflag:$0x1] =	stream.indirect_vreg.gather [hbm4b:s5+s3], $0x80, v20, vm0, $0xb8;
	[tilespmem:$0xC900] =	vst v63  }
0x2a0: {  	s28 =	simm.s32 $0xA900  }
0x2a1: {  	[tilespmem:s28], [sflag:$0x1] =	stream.indirect_vreg.gather [hbm4b:s6+s3], $0x80, v20, vm0, $0xb8;
	[tilespmem:$0xC900] =	vst v63  }
0x2a2: {  	s23 =	simm.s32 $0xB100  }
0x2a3: {  	[tilespmem:s23], [sflag:$0x1] =	stream.indirect_vreg.gather [hbm4b:s1+s3], $0x80, v19, vm0, $0xb8;
	[tilespmem:$0xC900] =	vst v63  }
0x2a4: {  	s29 =	simm.s32 $0xB900  }
0x2a5: {  	[tilespmem:s29], [sflag:$0x1] =	stream.indirect_vreg.gather [hbm4b:s5+s3], $0x80, v19, vm0, $0xb8;
	[tilespmem:$0xC900] =	vst v63  }
0x2a6: {  	s25 =	simm.s32 $0xC100  }
0x2a7: {  	[tilespmem:s25], [sflag:$0x1] =	stream.indirect_vreg.gather [hbm4b:s6+s3], $0x80, v19, vm0, $0xb8;
	[tilespmem:$0xC900] =	vst v63  }
0x2a8: {  	_ =	swait.ge [sflag:s2], $0x6000  }
0x2a9: {  	[sflag:s2] =	ssyncset.done $0x0  }
0x2aa: {  	[sflag:s2] =	ssyncadd.s32 $0xFFFFA000  }
0x2ab: {  	v19 =	vld [tilespmem:$0x480];
	_ =	sdelay $0x4  }
0x2ac: {  	v20 =	vshrl.u32 v19, $0x3  }
0x2ad: {  	v20 =	vmul.u32 $0x30, v20  }
0x2ae: {  	v19 =	vand.u32 $0x7, v19  }
0x2af: {  	v19 =	vor.u32 v19, v20  }
0x2b0: {  	v20 =	vperm.xlane v19, v16;
	_ =	sdelay $0x1  }
0x2b1: {  	v20 =	vadd.s32 v17, v20;
	_ =	sdelay $0x3  }
0x2b2: {  	v19 =	vperm.xlane v19, v18  }
0x2b3: {  	[hbm4b:s4+s3] =	stream.indirect_vreg.scatter [tilespmem:s11], [sflag:$0x3], $0x80, v20, vm0, $0xb8;
	[tilespmem:$0xC900] =	vst v63  }
0x2b4: {  	v19 =	vadd.s32 v17, v19  }
0x2b5: {  	[hbm4b:s7+s3] =	stream.indirect_vreg.scatter [tilespmem:s15], [sflag:$0x3], $0x80, v20, vm0, $0xb8;
	[tilespmem:$0xC900] =	vst v63  }
0x2b6: {  	_ = 	snop  }
0x2b7: {  	[hbm4b:s8+s3] =	stream.indirect_vreg.scatter [tilespmem:s16], [sflag:$0x3], $0x80, v20, vm0, $0xb8;
	[tilespmem:$0xC900] =	vst v63  }
0x2b8: {  	_ = 	snop  }
0x2b9: {  	[hbm4b:s4+s3] =	stream.indirect_vreg.scatter [tilespmem:s30], [sflag:$0x3], $0x80, v19, vm0, $0xb8;
	[tilespmem:$0xC900] =	vst v63  }
0x2ba: {  	_ = 	snop  }
0x2bb: {  	[hbm4b:s7+s3] =	stream.indirect_vreg.scatter [tilespmem:s10], [sflag:$0x3], $0x80, v19, vm0, $0xb8;
	[tilespmem:$0xC900] =	vst v63  }
0x2bc: {  	_ = 	snop  }
0x2bd: {  	[hbm4b:s8+s3] =	stream.indirect_vreg.scatter [tilespmem:s24], [sflag:$0x3], $0x80, v19, vm0, $0xb8;
	[tilespmem:$0xC900] =	vst v63  }
0x2be: {  	v19 =	vld [tilespmem:$0x490];
	_ =	sdelay $0x4  }
0x2bf: {  	v20 =	vshrl.u32 v19, $0x3  }
0x2c0: {  	v20 =	vmul.u32 $0x30, v20  }
0x2c1: {  	v19 =	vand.u32 $0x7, v19  }
0x2c2: {  	v19 =	vor.u32 v19, v20  }
0x2c3: {  	v20 =	vperm.xlane v19, v16;
	_ =	sdelay $0x1  }
0x2c4: {  	v20 =	vadd.s32 v17, v20;
	_ =	sdelay $0x3  }
0x2c5: {  	v19 =	vperm.xlane v19, v18  }
0x2c6: {  	[hbm4b:s4+s3] =	stream.indirect_vreg.scatter [tilespmem:s26], [sflag:$0x3], $0x80, v20, vm0, $0xb8;
	[tilespmem:$0xC900] =	vst v63  }
0x2c7: {  	v19 =	vadd.s32 v17, v19  }
0x2c8: {  	[hbm4b:s7+s3] =	stream.indirect_vreg.scatter [tilespmem:s31], [sflag:$0x3], $0x80, v20, vm0, $0xb8;
	[tilespmem:$0xC900] =	vst v63  }
0x2c9: {  	_ = 	snop  }
0x2ca: {  	[hbm4b:s8+s3] =	stream.indirect_vreg.scatter [tilespmem:s28], [sflag:$0x3], $0x80, v20, vm0, $0xb8;
	[tilespmem:$0xC900] =	vst v63  }
0x2cb: {  	_ = 	snop  }
0x2cc: {  	[hbm4b:s4+s3] =	stream.indirect_vreg.scatter [tilespmem:s23], [sflag:$0x3], $0x80, v19, vm0, $0xb8;
	[tilespmem:$0xC900] =	vst v63  }
0x2cd: {  	_ = 	snop  }
0x2ce: {  	[hbm4b:s7+s3] =	stream.indirect_vreg.scatter [tilespmem:s29], [sflag:$0x3], $0x80, v19, vm0, $0xb8;
	[tilespmem:$0xC900] =	vst v63  }
0x2cf: {  	s30 =	rddreg [dreg:$0x5]  }
0x2d0: {  	[hbm4b:s8+s3] =	stream.indirect_vreg.scatter [tilespmem:s25], [sflag:$0x3], $0x80, v19, vm0, $0xb8;
	[tilespmem:$0xC900] =	vst v63  }
0x2d1: {  	p0 =	sne.s32 s30, $0x1;
	_ =	swait.ge [sflag:s14], $0x6000  }
.Ltmp0:
0x2d2: {  	[sflag:s14] =	ssyncset.done $0x0;
	(pc) =	sbr.rel @p0 .LBB2_1-.Ltmp0, $4  }
0x2d3: {  	[sflag:s14] =	ssyncadd.s32 $0xFFFFA000  }
0x2d4: {  	_ =	swait.ge [sflag:s13], $0x6000  }
0x2d5: {  	[sflag:s13] =	ssyncset.done $0x0  }
0x2d6: {  	s2 =	sadd.s32 $0xFFFFFFFF, s30;
	[sflag:s13] =	ssyncadd.s32 $0xFFFFA000  }
0x2d7: {  	_ =	sfence.sel $0x180000  }
0x2d8: {  	[bflag:$0x0] =	sbarrier.arrive $0xFFFF  }
0x2d9: {  	_ =	strace $0x90000047  }
0x2da: {  	s0 =	stileid.u32;
	[bflag:$0x2] =	sbarrier.arrive $0xFFFF  }
0x2db: {  	p0 =	sne.s32 s0, $0x0;
	s0 =	rddreg [dreg:$0x3]  }
0x2dc: {  	s0 =	sadd.s32 @!p0 $0x100000, s0  }
0x2dd: {  	[sflag:s0] =	ssyncadd.tile.s32 @!p0 $0x1;
	_ =	shalt  }
.Lfunc_end2:
_tile_overlayer_lowered:
.L_overlay_start_2:
0x2de: {  	(tag) =	ssettag $0x2  }
0x2df: {  	s0 =	rddreg [dreg:$0x0];
	s2 =	stileid.u32  }
0x2e0: {  	s1 =	rddreg [dreg:$0x1];
	p0 =	sne.s32 s2, $0x0  }
0x2e1: {  	s3 =	rddreg [dreg:$0x2];
	[bflag:$0x3] =	sbarrier.arrive $0xFFFF;
	s2 =	simm.s32 @!p0 $0x1C04  }
0x2e2: {  	[timem:s3], [sflag:s2] =	dma.local @!p0 [hbm:s0], s1  }
0x2e3: {  	s0 =	simm.s32 @!p0 $0x4  }
0x2e4: {  	_ =	swait.ge @!p0 [sflag:s0], s1  }
0x2e5: {  	s1 =	ssub.s32 @!p0 $0x0, s1;
	[sflag:s0] =	ssyncset.done @!p0 $0x0  }
0x2e6: {  	[sflag:s0] =	ssyncadd.s32 @!p0 s1  }
0x2e7: {  	[bflag:$0x3] =	sbarrier.arrive $0xFFFF  }
0x2e8: {  	_ =	shalt  }

</sc_bundles>
